<compile_context>
chip_gen: v7x
topology: tpu7x:2x2x1
jax: 0.10.2.dev20260603
libtpu: 0.0.44.dev20260713+nightly
codegen_flags: <defaults>
</compile_context>

<pallas_src>
import functools

import jax
import jax.numpy as jnp
from jax import lax
from jax.experimental import pallas as pl
from jax.experimental.pallas import tpu as pltpu
from jax.experimental.pallas import tpu_sc as plsc

B, C, H, W = 4, 19, 512, 512
P = B * H * W
NB = 1024
NW = 32
HSIZE = 2 * C * NB
RB = 128
NRB = H // RB
NG = B * NRB
GROUPS_A = 6
GROUPS_B = NG - GROUPS_A
GROWS = C * RB
W2 = W // 2
BR_A = 8
BR_B = 8



def _prep_body(x_ref, t_ref, ow_ref):
    x = x_ref[0]
    t = t_ref[0]
    m = jnp.max(x, axis=0)
    ex = jnp.exp(x - m[None])
    inv = 1.0 / jnp.sum(ex, axis=0)
    for c in range(C):
        p = ex[c] * inv
        fg = t == c
        e = jnp.where(fg, 1.0 - p, p)
        bin_ = jnp.minimum((e * NB).astype(jnp.int32), NB - 1)
        idx = jnp.where(fg, C * NB, 0) + c * NB + bin_
        ow_ref[pl.ds(c * RB, RB), :] = idx[:, :W2] | lax.shift_left(idx[:, W2:], 16)


def _prep(x, t, g0, ng):
    return pl.pallas_call(
        _prep_body,
        grid=(ng,),
        in_specs=[
            pl.BlockSpec((1, C, RB, W),
                         lambda q: ((g0 + q) // NRB, 0, (g0 + q) % NRB, 0)),
            pl.BlockSpec((1, RB, W),
                         lambda q: ((g0 + q) // NRB, (g0 + q) % NRB, 0)),
        ],
        out_specs=pl.BlockSpec((GROWS, W2), lambda q: (q, 0)),
        out_shape=jax.ShapeDtypeStruct((ng * GROWS, W2), jnp.int32),
    )(x, t)



def _sc_hist_body(w_hbm, out_hbm, hist, bufw, sems, *, wrows, br, nblk):
    wid = lax.axis_index("s") * 2 + lax.axis_index("c")
    row0 = wid * wrows
    BR, NBLK = br, nblk

    zero = jnp.zeros((16,), jnp.float32)

    def zbody(i, carry):
        hist[pl.ds(i * 64, 16)] = zero
        hist[pl.ds(i * 64 + 16, 16)] = zero
        hist[pl.ds(i * 64 + 32, 16)] = zero
        hist[pl.ds(i * 64 + 48, 16)] = zero
        return carry

    lax.fori_loop(0, HSIZE // 64, zbody, 0)

    ones = jnp.ones((16,), jnp.float32)
    lomask = jnp.int32(0xFFFF)

    def start(blk, buf):
        r = row0 + blk * BR
        pltpu.async_copy(w_hbm.at[pl.ds(r, BR), :], bufw.at[buf], sems.at[buf])

    def wait(blk, buf):
        r = row0 + blk * BR
        pltpu.make_async_copy(w_hbm.at[pl.ds(r, BR), :], bufw.at[buf],
                              sems.at[buf]).wait()

    start(0, 0)

    def process(blk, par):
        @pl.when(blk + 1 < NBLK)
        def _():
            start(blk + 1, 1 - par)

        wait(blk, par)

        def row_loop(r, carry2, par=par):
            @plsc.parallel_loop(0, W2 // 16, 1, unroll=8)
            def vec_loop(j, r=r, par=par):
                wv = bufw[par, r, pl.ds(j * 16, 16)]
                i1 = wv & lomask
                i2 = lax.shift_right_logical(wv, 16)
                plsc.addupdate_scatter(hist, [i1], ones)
                plsc.addupdate_scatter(hist, [i2], ones)

            return carry2

        lax.fori_loop(0, BR, row_loop, 0)

    def block_loop(q, carry):
        for par in range(2):
            process(q * 2 + par, par)
        return carry

    lax.fori_loop(0, NBLK // 2, block_loop, 0)
    if NBLK % 2 == 1:
        process(NBLK - 1, 0)

    pltpu.sync_copy(hist, out_hbm.at[wid])


def _sc_hist(w2, br):
    rows = w2.shape[0]
    wrows = rows // NW
    nblk = wrows // br
    assert wrows % br == 0
    mesh = plsc.VectorSubcoreMesh(core_axis_name="c", subcore_axis_name="s")
    body = functools.partial(_sc_hist_body, wrows=wrows, br=br, nblk=nblk)
    kern = functools.partial(
        pl.kernel,
        out_type=jax.ShapeDtypeStruct((NW, HSIZE), jnp.float32),
        mesh=mesh,
        compiler_params=pltpu.CompilerParams(needs_layout_passes=False),
        scratch_types=[
            pltpu.VMEM((HSIZE,), jnp.float32),
            pltpu.VMEM((2, br, W2), jnp.int32),
            pltpu.SemaphoreType.DMA((2,)),
        ],
    )(body)
    return kern(w2)



def _finalize_body(ha_ref, hb_ref, o_ref):
    s = jnp.sum(ha_ref[...], axis=0) + jnp.sum(hb_ref[...], axis=0)
    rows = [lax.slice(s, (i * NB,), ((i + 1) * NB,)) for i in range(2 * C)]
    n_bg = jnp.stack(rows[:C])
    n_fg = jnp.stack(rows[C:])

    mid = (lax.broadcasted_iota(jnp.int32, (C, NB), 1).astype(jnp.float32)
           + 0.5) * (1.0 / NB)
    s_bg = n_bg * mid
    s_fg = n_fg * mid

    r = lax.broadcasted_iota(jnp.int32, (NB, NB), 0)
    col = lax.broadcasted_iota(jnp.int32, (NB, NB), 1)
    upper = (r > col).astype(jnp.float32)

    n_all = n_fg + n_bg
    K = jnp.dot(n_all, upper, preferred_element_type=jnp.float32)
    CF = jnp.dot(n_fg, upper, preferred_element_type=jnp.float32)
    G = jnp.sum(n_fg, axis=1, keepdims=True)

    A = jnp.maximum(G + K - CF, 0.5)
    contrib = s_fg / A + s_bg * (G - CF - n_fg) / (A * (A + n_bg))
    loss = jnp.sum(contrib, axis=1, keepdims=True)

    edge = (lax.broadcasted_iota(jnp.int32, (C, NB), 1).astype(jnp.float32)
            + 1.0) * (1.0 / NB)
    emax = jnp.max(jnp.where(n_all > 0, edge, 0.0), axis=1, keepdims=True)
    loss = jnp.where(G > 0, loss, emax)

    o_ref[...] = jnp.sum(loss, axis=(0, 1), keepdims=True) * (1.0 / C)


def _finalize(h_a, h_b):
    return pl.pallas_call(
        _finalize_body,
        out_shape=jax.ShapeDtypeStruct((1, 1), jnp.float32),
    )(h_a, h_b)



def kernel(input, target):
    t = target.astype(jnp.int32)
    w_a = _prep(input, t, 0, GROUPS_A)
    h_a = _sc_hist(w_a, BR_A)
    w_b = _prep(input, t, GROUPS_A, GROUPS_B)
    h_b = _sc_hist(w_b, BR_B)
    out = _finalize(h_a, h_b)
    return out.reshape(())

# --- scband reference (transcript-rebuilt; emitter-appended) ---
"""Pipeline reference for scband-lovasz-softmax-71536975282974 (READ-ONLY COPY).

The authoritative reference and input builder live on the scoring server;
editing this copy changes nothing except your own understanding.
"""

import jax, jax.numpy as jnp
import numpy as np

B, C, H, W = 4, 19, 512, 512

def lovasz_grad(gt_sorted):
    gts = gt_sorted.sum()
    intersection = gts - jnp.cumsum(gt_sorted)
    union = gts + jnp.cumsum(1.0 - gt_sorted)
    jaccard = 1.0 - intersection / union
    jaccard = jnp.concatenate([jaccard[:1], jaccard[1:] - jaccard[:-1]])
    return jaccard

def setup_inputs(seed: int = 0) -> dict:
    key = jax.random.key(seed)
    k1, k2 = jax.random.split(key)
    inp = jax.random.normal(k1, (B, C, H, W), dtype=jnp.float32)
    tgt = jax.random.randint(k2, (B, H, W), 0, C).astype(jnp.int64)
    return {"input": inp, "target": tgt}

def reference(input, target):
    probas = jax.nn.softmax(input, axis=1)
    n, n_classes, h, w = input.shape
    # flatten_probas (ignore=None, no crop since shapes match)
    probas_flat = jnp.transpose(probas, (0, 2, 3, 1)).reshape(-1, n_classes)
    labels_flat = target.reshape(-1)
    losses = []
    for c in range(n_classes):
        fg = (labels_flat == c).astype(jnp.float32)
        errors = jnp.abs(fg - probas_flat[:, c])
        perm = jnp.argsort(-errors)
        errors_sorted = errors[perm]
        fg_sorted = fg[perm]
        g = lovasz_grad(fg_sorted)
        losses.append(jnp.dot(errors_sorted, g))
    return jnp.mean(jnp.stack(losses))

if __name__ == "__main__":
    import jax
    _d = setup_inputs()
    print(jax.jit(kernel)(*tuple(_d.values())))

</pallas_src>

<mosaic_0001>
#map = affine_map<(d0, d1) -> (0, 0)>
module attributes {stable_mosaic.version = 14 : i64} {
  func.func @_sc_hist_body(%arg0: i32, %arg1: i32, %arg2: memref<24320x256xi32, #tpu.memory_space<hbm>>, %arg3: memref<32x38912xf32, #tpu.memory_space<hbm>>, %arg4: memref<38912xf32, #tpu.memory_space<vmem>>, %arg5: memref<2x8x256xi32, #tpu.memory_space<vmem>>, %arg6: memref<2x!tpu.dma_semaphore, #tpu.memory_space<semaphore_mem>>) attributes {dimension_semantics = [#tpu.dimension_semantics<core_parallel>, #tpu.dimension_semantics<subcore_parallel>], iteration_bounds = array<i64: 2, 16>, scalar_prefetch = 0 : i64, scratch_operands = 3 : i64, tpu.core_type = #tpu.core_type<sc_vector_subcore>, window_params = [{transform_indices = #map}, {transform_indices = #map}]} {
    %mul3A = arith.constant 2 : i32
    %mul3A_0 = arith.muli %arg1, %mul3A : i32
    %add3A = arith.addi %mul3A_0, %arg0 : i32
    %mul3A_1 = arith.constant 760 : i32
    %mul3A_2 = arith.muli %add3A, %mul3A_1 : i32
    %broadcast_in_dim3A = arith.constant 0.000000e+00 : f32
    %broadcast_in_dim3A_3 = vector.broadcast %broadcast_in_dim3A : f32 to vector<16xf32>
    %scan3A = arith.constant 0 : i32
    %scan3A_4 = arith.constant 0 : i32
    %scan3A_5 = arith.constant 608 : i32
    %scan3A_6 = arith.addi %scan3A_4, %scan3A_5 : i32
    %scan3A_7 = arith.constant 1 : i32
    scf.for %scan3A_59 = %scan3A_4 to %scan3A_6 step %scan3A_7  : i32 {
      %mul3A_60 = arith.constant 64 : i32
      %mul3A_61 = arith.muli %scan3A_59, %mul3A_60 : i32
      %swap3A = arith.index_cast %mul3A_61 : i32 to index
      %swap3A_62 = tpu.vector_load %arg4[%swap3A] {strides = array<i32>} : memref<38912xf32, #tpu.memory_space<vmem>>, vector<16xf32>,
      tpu.vector_store %arg4[%swap3A], %broadcast_in_dim3A_3 {strides = array<i32>} : memref<38912xf32, #tpu.memory_space<vmem>>, vector<16xf32>,
      %mul3A_63 = arith.constant 64 : i32
      %mul3A_64 = arith.muli %scan3A_59, %mul3A_63 : i32
      %add3A_65 = arith.constant 16 : i32
      %add3A_66 = arith.addi %mul3A_64, %add3A_65 : i32
      %swap3A_67 = arith.index_cast %add3A_66 : i32 to index
      %swap3A_68 = tpu.vector_load %arg4[%swap3A_67] {strides = array<i32>} : memref<38912xf32, #tpu.memory_space<vmem>>, vector<16xf32>,
      tpu.vector_store %arg4[%swap3A_67], %broadcast_in_dim3A_3 {strides = array<i32>} : memref<38912xf32, #tpu.memory_space<vmem>>, vector<16xf32>,
      %mul3A_69 = arith.constant 64 : i32
      %mul3A_70 = arith.muli %scan3A_59, %mul3A_69 : i32
      %add3A_71 = arith.constant 32 : i32
      %add3A_72 = arith.addi %mul3A_70, %add3A_71 : i32
      %swap3A_73 = arith.index_cast %add3A_72 : i32 to index
      %swap3A_74 = tpu.vector_load %arg4[%swap3A_73] {strides = array<i32>} : memref<38912xf32, #tpu.memory_space<vmem>>, vector<16xf32>,
      tpu.vector_store %arg4[%swap3A_73], %broadcast_in_dim3A_3 {strides = array<i32>} : memref<38912xf32, #tpu.memory_space<vmem>>, vector<16xf32>,
      %mul3A_75 = arith.constant 64 : i32
      %mul3A_76 = arith.muli %scan3A_59, %mul3A_75 : i32
      %add3A_77 = arith.constant 48 : i32
      %add3A_78 = arith.addi %mul3A_76, %add3A_77 : i32
      %swap3A_79 = arith.index_cast %add3A_78 : i32 to index
      %swap3A_80 = tpu.vector_load %arg4[%swap3A_79] {strides = array<i32>} : memref<38912xf32, #tpu.memory_space<vmem>>, vector<16xf32>,
      tpu.vector_store %arg4[%swap3A_79], %broadcast_in_dim3A_3 {strides = array<i32>} : memref<38912xf32, #tpu.memory_space<vmem>>, vector<16xf32>,
    }
    %scan3A_8 = arith.constant 608 : i32
    %broadcast_in_dim3A_9 = arith.constant 1.000000e+00 : f32
    %broadcast_in_dim3A_10 = vector.broadcast %broadcast_in_dim3A_9 : f32 to vector<16xf32>
    %add3A_11 = arith.constant 0 : i32
    %add3A_12 = arith.addi %mul3A_2, %add3A_11 : i32
    %dma_start3A = arith.constant 0 : i32
    %dma_start3A_13 = arith.constant 0 : i32
    %dma_start3A_14 = arith.constant 0 : i32
    %dma_start3A_15 = arith.constant 0 : i32
    %dma_start3A_16 = tpu.memref_slice %arg5[%dma_start3A, %dma_start3A_14, %dma_start3A_15] : memref<2x8x256xi32, #tpu.memory_space<vmem>> -> memref<1x8x256xi32, #tpu.memory_space<vmem>>
    %dma_start3A_17 = tpu.memref_squeeze %dma_start3A_16 : memref<1x8x256xi32, #tpu.memory_space<vmem>> -> memref<8x256xi32, #tpu.memory_space<vmem>>
    %dma_start3A_18 = arith.constant 0 : i32
    %dma_start3A_19 = tpu.memref_slice %arg2[%add3A_12, %dma_start3A_18] : memref<24320x256xi32, #tpu.memory_space<hbm>> -> memref<8x256xi32, #tpu.memory_space<hbm>>
    %dma_start3A_20 = tpu.memref_slice %arg6[%dma_start3A_13] : memref<2x!tpu.dma_semaphore, #tpu.memory_space<semaphore_mem>> -> memref<1x!tpu.dma_semaphore, #tpu.memory_space<semaphore_mem>>
    %dma_start3A_21 = tpu.memref_squeeze %dma_start3A_20 : memref<1x!tpu.dma_semaphore, #tpu.memory_space<semaphore_mem>> -> memref<!tpu.dma_semaphore, #tpu.memory_space<semaphore_mem>>
    %dma_start3A_22 = arith.constant 0 : i32
    %dma_start3A_23 = arith.constant 0 : i32
    %dma_start3A_24 = tpu.memref_slice %arg5[%dma_start3A, %dma_start3A_22, %dma_start3A_23] : memref<2x8x256xi32, #tpu.memory_space<vmem>> -> memref<1x8x256xi32, #tpu.memory_space<vmem>>
    %dma_start3A_25 = tpu.memref_squeeze %dma_start3A_24 : memref<1x8x256xi32, #tpu.memory_space<vmem>> -> memref<8x256xi32, #tpu.memory_space<vmem>>
    %dma_start3A_26 = arith.constant 0 : i32
    %dma_start3A_27 = tpu.memref_slice %arg2[%add3A_12, %dma_start3A_26] : memref<24320x256xi32, #tpu.memory_space<hbm>> -> memref<8x256xi32, #tpu.memory_space<hbm>>
    tpu.enqueue_dma source(%dma_start3A_27 : memref<8x256xi32, #tpu.memory_space<hbm>>) target(%dma_start3A_25 : memref<8x256xi32, #tpu.memory_space<vmem>>) target_semaphore(%dma_start3A_21 : memref<!tpu.dma_semaphore, #tpu.memory_space<semaphore_mem>>)
    %scan3A_28 = arith.constant 0 : i32
    %scan3A_29 = arith.constant 65535 : i32
    %scan3A_30 = arith.constant 0 : i32
    %scan3A_31 = arith.constant 47 : i32
    %scan3A_32 = arith.addi %scan3A_30, %scan3A_31 : i32
    %scan3A_33 = arith.constant 1 : i32
    scf.for %scan3A_59 = %scan3A_30 to %scan3A_32 step %scan3A_33  : i32 {
      %mul3A_60 = arith.constant 2 : i32
      %mul3A_61 = arith.muli %scan3A_59, %mul3A_60 : i32
      %add3A_62 = arith.constant 0 : i32
      %add3A_63 = arith.addi %mul3A_61, %add3A_62 : i32
      %add3A_64 = arith.constant 1 : i32
      %add3A_65 = arith.addi %add3A_63, %add3A_64 : i32
      %lt3A = arith.constant 95 : i32
      %lt3A_66 = arith.cmpi slt, %add3A_65, %lt3A : i32
      %convert_element_type3A = arith.extui %lt3A_66 : i1 to i32
      %cond3A = arith.constant 0 : i32
      %cond3A_67 = arith.cmpi ne, %convert_element_type3A, %cond3A : i32
      scf.if %cond3A_67 {
        %add3A_129 = arith.constant 1 : i32
        %add3A_130 = arith.addi %add3A_63, %add3A_129 : i32
        %mul3A_131 = arith.constant 8 : i32
        %mul3A_132 = arith.muli %add3A_130, %mul3A_131 : i32
        %add3A_133 = arith.addi %mul3A_2, %mul3A_132 : i32
        %dma_start3A_134 = arith.constant 1 : i32
        %dma_start3A_135 = arith.constant 1 : i32
        %dma_start3A_136 = arith.constant 0 : i32
        %dma_start3A_137 = arith.constant 0 : i32
        %dma_start3A_138 = tpu.memref_slice %arg5[%dma_start3A_134, %dma_start3A_136, %dma_start3A_137] : memref<2x8x256xi32, #tpu.memory_space<vmem>> -> memref<1x8x256xi32, #tpu.memory_space<vmem>>
        %dma_start3A_139 = tpu.memref_squeeze %dma_start3A_138 : memref<1x8x256xi32, #tpu.memory_space<vmem>> -> memref<8x256xi32, #tpu.memory_space<vmem>>
        %dma_start3A_140 = arith.constant 0 : i32
        %dma_start3A_141 = tpu.memref_slice %arg2[%add3A_133, %dma_start3A_140] : memref<24320x256xi32, #tpu.memory_space<hbm>> -> memref<8x256xi32, #tpu.memory_space<hbm>>
        %dma_start3A_142 = tpu.memref_slice %arg6[%dma_start3A_135] : memref<2x!tpu.dma_semaphore, #tpu.memory_space<semaphore_mem>> -> memref<1x!tpu.dma_semaphore, #tpu.memory_space<semaphore_mem>>
        %dma_start3A_143 = tpu.memref_squeeze %dma_start3A_142 : memref<1x!tpu.dma_semaphore, #tpu.memory_space<semaphore_mem>> -> memref<!tpu.dma_semaphore, #tpu.memory_space<semaphore_mem>>
        %dma_start3A_144 = arith.constant 0 : i32
        %dma_start3A_145 = arith.constant 0 : i32
        %dma_start3A_146 = tpu.memref_slice %arg5[%dma_start3A_134, %dma_start3A_144, %dma_start3A_145] : memref<2x8x256xi32, #tpu.memory_space<vmem>> -> memref<1x8x256xi32, #tpu.memory_space<vmem>>
        %dma_start3A_147 = tpu.memref_squeeze %dma_start3A_146 : memref<1x8x256xi32, #tpu.memory_space<vmem>> -> memref<8x256xi32, #tpu.memory_space<vmem>>
        %dma_start3A_148 = arith.constant 0 : i32
        %dma_start3A_149 = tpu.memref_slice %arg2[%add3A_133, %dma_start3A_148] : memref<24320x256xi32, #tpu.memory_space<hbm>> -> memref<8x256xi32, #tpu.memory_space<hbm>>
        tpu.enqueue_dma source(%dma_start3A_149 : memref<8x256xi32, #tpu.memory_space<hbm>>) target(%dma_start3A_147 : memref<8x256xi32, #tpu.memory_space<vmem>>) target_semaphore(%dma_start3A_143 : memref<!tpu.dma_semaphore, #tpu.memory_space<semaphore_mem>>)
      } else {
      }
      %mul3A_68 = arith.constant 8 : i32
      %mul3A_69 = arith.muli %add3A_63, %mul3A_68 : i32
      %add3A_70 = arith.addi %mul3A_2, %mul3A_69 : i32
      %dma_wait3A_71 = arith.constant 0 : i32
      %dma_wait3A_72 = arith.constant 0 : i32
      %dma_wait3A_73 = arith.constant 0 : i32
      %dma_wait3A_74 = arith.constant 0 : i32
      %dma_wait3A_75 = tpu.memref_slice %arg5[%dma_wait3A_71, %dma_wait3A_73, %dma_wait3A_74] : memref<2x8x256xi32, #tpu.memory_space<vmem>> -> memref<1x8x256xi32, #tpu.memory_space<vmem>>
      %dma_wait3A_76 = tpu.memref_squeeze %dma_wait3A_75 : memref<1x8x256xi32, #tpu.memory_space<vmem>> -> memref<8x256xi32, #tpu.memory_space<vmem>>
      %dma_wait3A_77 = arith.constant 0 : i32
      %dma_wait3A_78 = tpu.memref_slice %arg2[%add3A_70, %dma_wait3A_77] : memref<24320x256xi32, #tpu.memory_space<hbm>> -> memref<8x256xi32, #tpu.memory_space<hbm>>
      %dma_wait3A_79 = tpu.memref_slice %arg6[%dma_wait3A_72] : memref<2x!tpu.dma_semaphore, #tpu.memory_space<semaphore_mem>> -> memref<1x!tpu.dma_semaphore, #tpu.memory_space<semaphore_mem>>
      %dma_wait3A_80 = tpu.memref_squeeze %dma_wait3A_79 : memref<1x!tpu.dma_semaphore, #tpu.memory_space<semaphore_mem>> -> memref<!tpu.dma_semaphore, #tpu.memory_space<semaphore_mem>>
      %dma_wait3A_81 = arith.constant 0 : i32
      %dma_wait3A_82 = arith.constant 0 : i32
      %dma_wait3A_83 = tpu.memref_slice %arg5[%dma_wait3A_71, %dma_wait3A_81, %dma_wait3A_82] : memref<2x8x256xi32, #tpu.memory_space<vmem>> -> memref<1x8x256xi32, #tpu.memory_space<vmem>>
      %dma_wait3A_84 = tpu.memref_squeeze %dma_wait3A_83 : memref<1x8x256xi32, #tpu.memory_space<vmem>> -> memref<8x256xi32, #tpu.memory_space<vmem>>
      %dma_wait3A_85 = arith.constant 0 : i32
      %dma_wait3A_86 = tpu.memref_slice %arg2[%add3A_70, %dma_wait3A_85] : memref<24320x256xi32, #tpu.memory_space<hbm>> -> memref<8x256xi32, #tpu.memory_space<hbm>>
      tpu.wait_dma2 semaphore(%dma_wait3A_80 : memref<!tpu.dma_semaphore, #tpu.memory_space<semaphore_mem>>) src(%dma_wait3A_86 : memref<8x256xi32, #tpu.memory_space<hbm>>) dst(%dma_wait3A_84 : memref<8x256xi32, #tpu.memory_space<vmem>>)
      %scan3A_87 = arith.constant 0 : i32
      %scan3A_88 = arith.constant 0 : i32
      %scan3A_89 = arith.constant 8 : i32
      %scan3A_90 = arith.addi %scan3A_88, %scan3A_89 : i32
      %scan3A_91 = arith.constant 1 : i32
      scf.for %scan3A_129 = %scan3A_88 to %scan3A_90 step %scan3A_91  : i32 {
        %parallel_loop3A = arith.constant 0 : i32
        %parallel_loop3A_130 = arith.constant 16 : i32
        %parallel_loop3A_131 = arith.constant 1 : i32
        scf.for %parallel_loop3A_132 = %parallel_loop3A to %parallel_loop3A_130 step %parallel_loop3A_131  : i32 {
          %parallel_loop3A_133 = arith.constant 16 : i32
          %parallel_loop3A_134 = arith.muli %parallel_loop3A_132, %parallel_loop3A_133 : i32
          %parallel_loop3A_135 = arith.constant 0 : i32
          %parallel_loop3A_136 = arith.index_cast %parallel_loop3A_135 : i32 to index
          %parallel_loop3A_137 = arith.index_cast %scan3A_129 : i32 to index
          %parallel_loop3A_138 = arith.index_cast %parallel_loop3A_134 : i32 to index
          %parallel_loop3A_139 = tpu.vector_load %arg5[%parallel_loop3A_136, %parallel_loop3A_137, %parallel_loop3A_138] {strides = array<i32>} : memref<2x8x256xi32, #tpu.memory_space<vmem>>, vector<16xi32>,
          %parallel_loop3A_140 = vector.broadcast %scan3A_29 : i32 to vector<16xi32>
          %parallel_loop3A_141 = arith.andi %parallel_loop3A_139, %parallel_loop3A_140 : vector<16xi32>
          %parallel_loop3A_142 = arith.constant 16 : i32
          %parallel_loop3A_143 = vector.broadcast %parallel_loop3A_142 : i32 to vector<16xi32>
          %parallel_loop3A_144 = arith.shrui %parallel_loop3A_139, %parallel_loop3A_143 : vector<16xi32>
          tpu.vector_store_idx %arg4[%parallel_loop3A_141], %broadcast_in_dim3A_10 {add = true} : memref<38912xf32, #tpu.memory_space<vmem>>[vector<16xi32>], vector<16xf32>,
          tpu.vector_store_idx %arg4[%parallel_loop3A_144], %broadcast_in_dim3A_10 {add = true} : memref<38912xf32, #tpu.memory_space<vmem>>[vector<16xi32>], vector<16xf32>,
        } {sc.loop_unroll_factor = 8 : i64, sc.parallel_access}
      }
      %scan3A_92 = arith.constant 8 : i32
      %mul3A_93 = arith.constant 2 : i32
      %mul3A_94 = arith.muli %scan3A_59, %mul3A_93 : i32
      %add3A_95 = arith.constant 1 : i32
      %add3A_96 = arith.addi %mul3A_94, %add3A_95 : i32
      %add3A_97 = arith.constant 1 : i32
      %add3A_98 = arith.addi %add3A_96, %add3A_97 : i32
      %lt3A_99 = arith.constant 95 : i32
      %lt3A_100 = arith.cmpi slt, %add3A_98, %lt3A_99 : i32
      %convert_element_type3A_101 = arith.extui %lt3A_100 : i1 to i32
      %cond3A_102 = arith.constant 0 : i32
      %cond3A_103 = arith.cmpi ne, %convert_element_type3A_101, %cond3A_102 : i32
      scf.if %cond3A_103 {
        %add3A_129 = arith.constant 1 : i32
        %add3A_130 = arith.addi %add3A_96, %add3A_129 : i32
        %mul3A_131 = arith.constant 8 : i32
        %mul3A_132 = arith.muli %add3A_130, %mul3A_131 : i32
        %add3A_133 = arith.addi %mul3A_2, %mul3A_132 : i32
        %dma_start3A_134 = arith.constant 0 : i32
        %dma_start3A_135 = arith.constant 0 : i32
        %dma_start3A_136 = arith.constant 0 : i32
        %dma_start3A_137 = arith.constant 0 : i32
        %dma_start3A_138 = tpu.memref_slice %arg5[%dma_start3A_134, %dma_start3A_136, %dma_start3A_137] : memref<2x8x256xi32, #tpu.memory_space<vmem>> -> memref<1x8x256xi32, #tpu.memory_space<vmem>>
        %dma_start3A_139 = tpu.memref_squeeze %dma_start3A_138 : memref<1x8x256xi32, #tpu.memory_space<vmem>> -> memref<8x256xi32, #tpu.memory_space<vmem>>
        %dma_start3A_140 = arith.constant 0 : i32
        %dma_start3A_141 = tpu.memref_slice %arg2[%add3A_133, %dma_start3A_140] : memref<24320x256xi32, #tpu.memory_space<hbm>> -> memref<8x256xi32, #tpu.memory_space<hbm>>
        %dma_start3A_142 = tpu.memref_slice %arg6[%dma_start3A_135] : memref<2x!tpu.dma_semaphore, #tpu.memory_space<semaphore_mem>> -> memref<1x!tpu.dma_semaphore, #tpu.memory_space<semaphore_mem>>
        %dma_start3A_143 = tpu.memref_squeeze %dma_start3A_142 : memref<1x!tpu.dma_semaphore, #tpu.memory_space<semaphore_mem>> -> memref<!tpu.dma_semaphore, #tpu.memory_space<semaphore_mem>>
        %dma_start3A_144 = arith.constant 0 : i32
        %dma_start3A_145 = arith.constant 0 : i32
        %dma_start3A_146 = tpu.memref_slice %arg5[%dma_start3A_134, %dma_start3A_144, %dma_start3A_145] : memref<2x8x256xi32, #tpu.memory_space<vmem>> -> memref<1x8x256xi32, #tpu.memory_space<vmem>>
        %dma_start3A_147 = tpu.memref_squeeze %dma_start3A_146 : memref<1x8x256xi32, #tpu.memory_space<vmem>> -> memref<8x256xi32, #tpu.memory_space<vmem>>
        %dma_start3A_148 = arith.constant 0 : i32
        %dma_start3A_149 = tpu.memref_slice %arg2[%add3A_133, %dma_start3A_148] : memref<24320x256xi32, #tpu.memory_space<hbm>> -> memref<8x256xi32, #tpu.memory_space<hbm>>
        tpu.enqueue_dma source(%dma_start3A_149 : memref<8x256xi32, #tpu.memory_space<hbm>>) target(%dma_start3A_147 : memref<8x256xi32, #tpu.memory_space<vmem>>) target_semaphore(%dma_start3A_143 : memref<!tpu.dma_semaphore, #tpu.memory_space<semaphore_mem>>)
      } else {
      }
      %mul3A_104 = arith.constant 8 : i32
      %mul3A_105 = arith.muli %add3A_96, %mul3A_104 : i32
      %add3A_106 = arith.addi %mul3A_2, %mul3A_105 : i32
      %dma_wait3A_107 = arith.constant 1 : i32
      %dma_wait3A_108 = arith.constant 1 : i32
      %dma_wait3A_109 = arith.constant 0 : i32
      %dma_wait3A_110 = arith.constant 0 : i32
      %dma_wait3A_111 = tpu.memref_slice %arg5[%dma_wait3A_107, %dma_wait3A_109, %dma_wait3A_110] : memref<2x8x256xi32, #tpu.memory_space<vmem>> -> memref<1x8x256xi32, #tpu.memory_space<vmem>>
      %dma_wait3A_112 = tpu.memref_squeeze %dma_wait3A_111 : memref<1x8x256xi32, #tpu.memory_space<vmem>> -> memref<8x256xi32, #tpu.memory_space<vmem>>
      %dma_wait3A_113 = arith.constant 0 : i32
      %dma_wait3A_114 = tpu.memref_slice %arg2[%add3A_106, %dma_wait3A_113] : memref<24320x256xi32, #tpu.memory_space<hbm>> -> memref<8x256xi32, #tpu.memory_space<hbm>>
      %dma_wait3A_115 = tpu.memref_slice %arg6[%dma_wait3A_108] : memref<2x!tpu.dma_semaphore, #tpu.memory_space<semaphore_mem>> -> memref<1x!tpu.dma_semaphore, #tpu.memory_space<semaphore_mem>>
      %dma_wait3A_116 = tpu.memref_squeeze %dma_wait3A_115 : memref<1x!tpu.dma_semaphore, #tpu.memory_space<semaphore_mem>> -> memref<!tpu.dma_semaphore, #tpu.memory_space<semaphore_mem>>
      %dma_wait3A_117 = arith.constant 0 : i32
      %dma_wait3A_118 = arith.constant 0 : i32
      %dma_wait3A_119 = tpu.memref_slice %arg5[%dma_wait3A_107, %dma_wait3A_117, %dma_wait3A_118] : memref<2x8x256xi32, #tpu.memory_space<vmem>> -> memref<1x8x256xi32, #tpu.memory_space<vmem>>
      %dma_wait3A_120 = tpu.memref_squeeze %dma_wait3A_119 : memref<1x8x256xi32, #tpu.memory_space<vmem>> -> memref<8x256xi32, #tpu.memory_space<vmem>>
      %dma_wait3A_121 = arith.constant 0 : i32
      %dma_wait3A_122 = tpu.memref_slice %arg2[%add3A_106, %dma_wait3A_121] : memref<24320x256xi32, #tpu.memory_space<hbm>> -> memref<8x256xi32, #tpu.memory_space<hbm>>
      tpu.wait_dma2 semaphore(%dma_wait3A_116 : memref<!tpu.dma_semaphore, #tpu.memory_space<semaphore_mem>>) src(%dma_wait3A_122 : memref<8x256xi32, #tpu.memory_space<hbm>>) dst(%dma_wait3A_120 : memref<8x256xi32, #tpu.memory_space<vmem>>)
      %scan3A_123 = arith.constant 0 : i32
      %scan3A_124 = arith.constant 0 : i32
      %scan3A_125 = arith.constant 8 : i32
      %scan3A_126 = arith.addi %scan3A_124, %scan3A_125 : i32
      %scan3A_127 = arith.constant 1 : i32
      scf.for %scan3A_129 = %scan3A_124 to %scan3A_126 step %scan3A_127  : i32 {
        %parallel_loop3A = arith.constant 0 : i32
        %parallel_loop3A_130 = arith.constant 16 : i32
        %parallel_loop3A_131 = arith.constant 1 : i32
        scf.for %parallel_loop3A_132 = %parallel_loop3A to %parallel_loop3A_130 step %parallel_loop3A_131  : i32 {
          %parallel_loop3A_133 = arith.constant 16 : i32
          %parallel_loop3A_134 = arith.muli %parallel_loop3A_132, %parallel_loop3A_133 : i32
          %parallel_loop3A_135 = arith.constant 1 : i32
          %parallel_loop3A_136 = arith.index_cast %parallel_loop3A_135 : i32 to index
          %parallel_loop3A_137 = arith.index_cast %scan3A_129 : i32 to index
          %parallel_loop3A_138 = arith.index_cast %parallel_loop3A_134 : i32 to index
          %parallel_loop3A_139 = tpu.vector_load %arg5[%parallel_loop3A_136, %parallel_loop3A_137, %parallel_loop3A_138] {strides = array<i32>} : memref<2x8x256xi32, #tpu.memory_space<vmem>>, vector<16xi32>,
          %parallel_loop3A_140 = vector.broadcast %scan3A_29 : i32 to vector<16xi32>
          %parallel_loop3A_141 = arith.andi %parallel_loop3A_139, %parallel_loop3A_140 : vector<16xi32>
          %parallel_loop3A_142 = arith.constant 16 : i32
          %parallel_loop3A_143 = vector.broadcast %parallel_loop3A_142 : i32 to vector<16xi32>
          %parallel_loop3A_144 = arith.shrui %parallel_loop3A_139, %parallel_loop3A_143 : vector<16xi32>
          tpu.vector_store_idx %arg4[%parallel_loop3A_141], %broadcast_in_dim3A_10 {add = true} : memref<38912xf32, #tpu.memory_space<vmem>>[vector<16xi32>], vector<16xf32>,
          tpu.vector_store_idx %arg4[%parallel_loop3A_144], %broadcast_in_dim3A_10 {add = true} : memref<38912xf32, #tpu.memory_space<vmem>>[vector<16xi32>], vector<16xf32>,
        } {sc.loop_unroll_factor = 8 : i64, sc.parallel_access}
      }
      %scan3A_128 = arith.constant 8 : i32
    }
    %scan3A_34 = arith.constant 47 : i32
    %add3A_35 = arith.constant 752 : i32
    %add3A_36 = arith.addi %mul3A_2, %add3A_35 : i32
    %dma_wait3A = arith.constant 0 : i32
    %dma_wait3A_37 = arith.constant 0 : i32
    %dma_wait3A_38 = arith.constant 0 : i32
    %dma_wait3A_39 = arith.constant 0 : i32
    %dma_wait3A_40 = tpu.memref_slice %arg5[%dma_wait3A, %dma_wait3A_38, %dma_wait3A_39] : memref<2x8x256xi32, #tpu.memory_space<vmem>> -> memref<1x8x256xi32, #tpu.memory_space<vmem>>
    %dma_wait3A_41 = tpu.memref_squeeze %dma_wait3A_40 : memref<1x8x256xi32, #tpu.memory_space<vmem>> -> memref<8x256xi32, #tpu.memory_space<vmem>>
    %dma_wait3A_42 = arith.constant 0 : i32
    %dma_wait3A_43 = tpu.memref_slice %arg2[%add3A_36, %dma_wait3A_42] : memref<24320x256xi32, #tpu.memory_space<hbm>> -> memref<8x256xi32, #tpu.memory_space<hbm>>
    %dma_wait3A_44 = tpu.memref_slice %arg6[%dma_wait3A_37] : memref<2x!tpu.dma_semaphore, #tpu.memory_space<semaphore_mem>> -> memref<1x!tpu.dma_semaphore, #tpu.memory_space<semaphore_mem>>
    %dma_wait3A_45 = tpu.memref_squeeze %dma_wait3A_44 : memref<1x!tpu.dma_semaphore, #tpu.memory_space<semaphore_mem>> -> memref<!tpu.dma_semaphore, #tpu.memory_space<semaphore_mem>>
    %dma_wait3A_46 = arith.constant 0 : i32
    %dma_wait3A_47 = arith.constant 0 : i32
    %dma_wait3A_48 = tpu.memref_slice %arg5[%dma_wait3A, %dma_wait3A_46, %dma_wait3A_47] : memref<2x8x256xi32, #tpu.memory_space<vmem>> -> memref<1x8x256xi32, #tpu.memory_space<vmem>>
    %dma_wait3A_49 = tpu.memref_squeeze %dma_wait3A_48 : memref<1x8x256xi32, #tpu.memory_space<vmem>> -> memref<8x256xi32, #tpu.memory_space<vmem>>
    %dma_wait3A_50 = arith.constant 0 : i32
    %dma_wait3A_51 = tpu.memref_slice %arg2[%add3A_36, %dma_wait3A_50] : memref<24320x256xi32, #tpu.memory_space<hbm>> -> memref<8x256xi32, #tpu.memory_space<hbm>>
    tpu.wait_dma2 semaphore(%dma_wait3A_45 : memref<!tpu.dma_semaphore, #tpu.memory_space<semaphore_mem>>) src(%dma_wait3A_51 : memref<8x256xi32, #tpu.memory_space<hbm>>) dst(%dma_wait3A_49 : memref<8x256xi32, #tpu.memory_space<vmem>>)
    %scan3A_52 = arith.constant 0 : i32
    %scan3A_53 = arith.constant 65535 : i32
    %scan3A_54 = arith.constant 0 : i32
    %scan3A_55 = arith.constant 8 : i32
    %scan3A_56 = arith.addi %scan3A_54, %scan3A_55 : i32
    %scan3A_57 = arith.constant 1 : i32
    scf.for %scan3A_59 = %scan3A_54 to %scan3A_56 step %scan3A_57  : i32 {
      %parallel_loop3A = arith.constant 0 : i32
      %parallel_loop3A_60 = arith.constant 16 : i32
      %parallel_loop3A_61 = arith.constant 1 : i32
      scf.for %parallel_loop3A_62 = %parallel_loop3A to %parallel_loop3A_60 step %parallel_loop3A_61  : i32 {
        %parallel_loop3A_63 = arith.constant 16 : i32
        %parallel_loop3A_64 = arith.muli %parallel_loop3A_62, %parallel_loop3A_63 : i32
        %parallel_loop3A_65 = arith.constant 0 : i32
        %parallel_loop3A_66 = arith.index_cast %parallel_loop3A_65 : i32 to index
        %parallel_loop3A_67 = arith.index_cast %scan3A_59 : i32 to index
        %parallel_loop3A_68 = arith.index_cast %parallel_loop3A_64 : i32 to index
        %parallel_loop3A_69 = tpu.vector_load %arg5[%parallel_loop3A_66, %parallel_loop3A_67, %parallel_loop3A_68] {strides = array<i32>} : memref<2x8x256xi32, #tpu.memory_space<vmem>>, vector<16xi32>,
        %parallel_loop3A_70 = vector.broadcast %scan3A_53 : i32 to vector<16xi32>
        %parallel_loop3A_71 = arith.andi %parallel_loop3A_69, %parallel_loop3A_70 : vector<16xi32>
        %parallel_loop3A_72 = arith.constant 16 : i32
        %parallel_loop3A_73 = vector.broadcast %parallel_loop3A_72 : i32 to vector<16xi32>
        %parallel_loop3A_74 = arith.shrui %parallel_loop3A_69, %parallel_loop3A_73 : vector<16xi32>
        tpu.vector_store_idx %arg4[%parallel_loop3A_71], %broadcast_in_dim3A_10 {add = true} : memref<38912xf32, #tpu.memory_space<vmem>>[vector<16xi32>], vector<16xf32>,
        tpu.vector_store_idx %arg4[%parallel_loop3A_74], %broadcast_in_dim3A_10 {add = true} : memref<38912xf32, #tpu.memory_space<vmem>>[vector<16xi32>], vector<16xf32>,
      } {sc.loop_unroll_factor = 8 : i64, sc.parallel_access}
    }
    %scan3A_58 = arith.constant 8 : i32
    "tpu.region"() ({
      %run_scoped3A = tpu.sem_alloc : memref<!tpu.dma_semaphore, #tpu.memory_space<semaphore_mem>>
      %dma_start3A_59 = arith.constant 0 : i32
      %dma_start3A_60 = tpu.memref_slice %arg3[%add3A, %dma_start3A_59] : memref<32x38912xf32, #tpu.memory_space<hbm>> -> memref<1x38912xf32, #tpu.memory_space<hbm>>
      %dma_start3A_61 = tpu.memref_squeeze %dma_start3A_60 : memref<1x38912xf32, #tpu.memory_space<hbm>> -> memref<38912xf32, #tpu.memory_space<hbm>>
      %dma_start3A_62 = arith.constant 0 : i32
      %dma_start3A_63 = tpu.memref_slice %arg3[%add3A, %dma_start3A_62] : memref<32x38912xf32, #tpu.memory_space<hbm>> -> memref<1x38912xf32, #tpu.memory_space<hbm>>
      %dma_start3A_64 = tpu.memref_squeeze %dma_start3A_63 : memref<1x38912xf32, #tpu.memory_space<hbm>> -> memref<38912xf32, #tpu.memory_space<hbm>>
      tpu.enqueue_dma source(%arg4 : memref<38912xf32, #tpu.memory_space<vmem>>) target(%dma_start3A_64 : memref<38912xf32, #tpu.memory_space<hbm>>) target_semaphore(%run_scoped3A : memref<!tpu.dma_semaphore, #tpu.memory_space<semaphore_mem>>)
      %dma_wait3A_65 = arith.constant 0 : i32
      %dma_wait3A_66 = tpu.memref_slice %arg3[%add3A, %dma_wait3A_65] : memref<32x38912xf32, #tpu.memory_space<hbm>> -> memref<1x38912xf32, #tpu.memory_space<hbm>>
      %dma_wait3A_67 = tpu.memref_squeeze %dma_wait3A_66 : memref<1x38912xf32, #tpu.memory_space<hbm>> -> memref<38912xf32, #tpu.memory_space<hbm>>
      %dma_wait3A_68 = arith.constant 0 : i32
      %dma_wait3A_69 = tpu.memref_slice %arg3[%add3A, %dma_wait3A_68] : memref<32x38912xf32, #tpu.memory_space<hbm>> -> memref<1x38912xf32, #tpu.memory_space<hbm>>
      %dma_wait3A_70 = tpu.memref_squeeze %dma_wait3A_69 : memref<1x38912xf32, #tpu.memory_space<hbm>> -> memref<38912xf32, #tpu.memory_space<hbm>>
      tpu.wait_dma2 semaphore(%run_scoped3A : memref<!tpu.dma_semaphore, #tpu.memory_space<semaphore_mem>>) src(%arg4 : memref<38912xf32, #tpu.memory_space<vmem>>) dst(%dma_wait3A_70 : memref<38912xf32, #tpu.memory_space<hbm>>)
      tpu.yield
    }) : () -> ()
    return
  }
}

#map = affine_map<(d0, d1) -> (0, 0)>
module attributes {stable_mosaic.version = 14 : i64} {
  func.func @_sc_hist_body(%arg0: i32, %arg1: i32, %arg2: memref<14592x256xi32, #tpu.memory_space<hbm>>, %arg3: memref<32x38912xf32, #tpu.memory_space<hbm>>, %arg4: memref<38912xf32, #tpu.memory_space<vmem>>, %arg5: memref<2x8x256xi32, #tpu.memory_space<vmem>>, %arg6: memref<2x!tpu.dma_semaphore, #tpu.memory_space<semaphore_mem>>) attributes {dimension_semantics = [#tpu.dimension_semantics<core_parallel>, #tpu.dimension_semantics<subcore_parallel>], iteration_bounds = array<i64: 2, 16>, scalar_prefetch = 0 : i64, scratch_operands = 3 : i64, tpu.core_type = #tpu.core_type<sc_vector_subcore>, window_params = [{transform_indices = #map}, {transform_indices = #map}]} {
    %mul3A = arith.constant 2 : i32
    %mul3A_0 = arith.muli %arg1, %mul3A : i32
    %add3A = arith.addi %mul3A_0, %arg0 : i32
    %mul3A_1 = arith.constant 456 : i32
    %mul3A_2 = arith.muli %add3A, %mul3A_1 : i32
    %broadcast_in_dim3A = arith.constant 0.000000e+00 : f32
    %broadcast_in_dim3A_3 = vector.broadcast %broadcast_in_dim3A : f32 to vector<16xf32>
    %scan3A = arith.constant 0 : i32
    %scan3A_4 = arith.constant 0 : i32
    %scan3A_5 = arith.constant 608 : i32
    %scan3A_6 = arith.addi %scan3A_4, %scan3A_5 : i32
    %scan3A_7 = arith.constant 1 : i32
    scf.for %scan3A_59 = %scan3A_4 to %scan3A_6 step %scan3A_7  : i32 {
      %mul3A_60 = arith.constant 64 : i32
      %mul3A_61 = arith.muli %scan3A_59, %mul3A_60 : i32
      %swap3A = arith.index_cast %mul3A_61 : i32 to index
      %swap3A_62 = tpu.vector_load %arg4[%swap3A] {strides = array<i32>} : memref<38912xf32, #tpu.memory_space<vmem>>, vector<16xf32>,
      tpu.vector_store %arg4[%swap3A], %broadcast_in_dim3A_3 {strides = array<i32>} : memref<38912xf32, #tpu.memory_space<vmem>>, vector<16xf32>,
      %mul3A_63 = arith.constant 64 : i32
      %mul3A_64 = arith.muli %scan3A_59, %mul3A_63 : i32
      %add3A_65 = arith.constant 16 : i32
      %add3A_66 = arith.addi %mul3A_64, %add3A_65 : i32
      %swap3A_67 = arith.index_cast %add3A_66 : i32 to index
      %swap3A_68 = tpu.vector_load %arg4[%swap3A_67] {strides = array<i32>} : memref<38912xf32, #tpu.memory_space<vmem>>, vector<16xf32>,
      tpu.vector_store %arg4[%swap3A_67], %broadcast_in_dim3A_3 {strides = array<i32>} : memref<38912xf32, #tpu.memory_space<vmem>>, vector<16xf32>,
      %mul3A_69 = arith.constant 64 : i32
      %mul3A_70 = arith.muli %scan3A_59, %mul3A_69 : i32
      %add3A_71 = arith.constant 32 : i32
      %add3A_72 = arith.addi %mul3A_70, %add3A_71 : i32
      %swap3A_73 = arith.index_cast %add3A_72 : i32 to index
      %swap3A_74 = tpu.vector_load %arg4[%swap3A_73] {strides = array<i32>} : memref<38912xf32, #tpu.memory_space<vmem>>, vector<16xf32>,
      tpu.vector_store %arg4[%swap3A_73], %broadcast_in_dim3A_3 {strides = array<i32>} : memref<38912xf32, #tpu.memory_space<vmem>>, vector<16xf32>,
      %mul3A_75 = arith.constant 64 : i32
      %mul3A_76 = arith.muli %scan3A_59, %mul3A_75 : i32
      %add3A_77 = arith.constant 48 : i32
      %add3A_78 = arith.addi %mul3A_76, %add3A_77 : i32
      %swap3A_79 = arith.index_cast %add3A_78 : i32 to index
      %swap3A_80 = tpu.vector_load %arg4[%swap3A_79] {strides = array<i32>} : memref<38912xf32, #tpu.memory_space<vmem>>, vector<16xf32>,
      tpu.vector_store %arg4[%swap3A_79], %broadcast_in_dim3A_3 {strides = array<i32>} : memref<38912xf32, #tpu.memory_space<vmem>>, vector<16xf32>,
    }
    %scan3A_8 = arith.constant 608 : i32
    %broadcast_in_dim3A_9 = arith.constant 1.000000e+00 : f32
    %broadcast_in_dim3A_10 = vector.broadcast %broadcast_in_dim3A_9 : f32 to vector<16xf32>
    %add3A_11 = arith.constant 0 : i32
    %add3A_12 = arith.addi %mul3A_2, %add3A_11 : i32
    %dma_start3A = arith.constant 0 : i32
    %dma_start3A_13 = arith.constant 0 : i32
    %dma_start3A_14 = arith.constant 0 : i32
    %dma_start3A_15 = arith.constant 0 : i32
    %dma_start3A_16 = tpu.memref_slice %arg5[%dma_start3A, %dma_start3A_14, %dma_start3A_15] : memref<2x8x256xi32, #tpu.memory_space<vmem>> -> memref<1x8x256xi32, #tpu.memory_space<vmem>>
    %dma_start3A_17 = tpu.memref_squeeze %dma_start3A_16 : memref<1x8x256xi32, #tpu.memory_space<vmem>> -> memref<8x256xi32, #tpu.memory_space<vmem>>
    %dma_start3A_18 = arith.constant 0 : i32
    %dma_start3A_19 = tpu.memref_slice %arg2[%add3A_12, %dma_start3A_18] : memref<14592x256xi32, #tpu.memory_space<hbm>> -> memref<8x256xi32, #tpu.memory_space<hbm>>
    %dma_start3A_20 = tpu.memref_slice %arg6[%dma_start3A_13] : memref<2x!tpu.dma_semaphore, #tpu.memory_space<semaphore_mem>> -> memref<1x!tpu.dma_semaphore, #tpu.memory_space<semaphore_mem>>
    %dma_start3A_21 = tpu.memref_squeeze %dma_start3A_20 : memref<1x!tpu.dma_semaphore, #tpu.memory_space<semaphore_mem>> -> memref<!tpu.dma_semaphore, #tpu.memory_space<semaphore_mem>>
    %dma_start3A_22 = arith.constant 0 : i32
    %dma_start3A_23 = arith.constant 0 : i32
    %dma_start3A_24 = tpu.memref_slice %arg5[%dma_start3A, %dma_start3A_22, %dma_start3A_23] : memref<2x8x256xi32, #tpu.memory_space<vmem>> -> memref<1x8x256xi32, #tpu.memory_space<vmem>>
    %dma_start3A_25 = tpu.memref_squeeze %dma_start3A_24 : memref<1x8x256xi32, #tpu.memory_space<vmem>> -> memref<8x256xi32, #tpu.memory_space<vmem>>
    %dma_start3A_26 = arith.constant 0 : i32
    %dma_start3A_27 = tpu.memref_slice %arg2[%add3A_12, %dma_start3A_26] : memref<14592x256xi32, #tpu.memory_space<hbm>> -> memref<8x256xi32, #tpu.memory_space<hbm>>
    tpu.enqueue_dma source(%dma_start3A_27 : memref<8x256xi32, #tpu.memory_space<hbm>>) target(%dma_start3A_25 : memref<8x256xi32, #tpu.memory_space<vmem>>) target_semaphore(%dma_start3A_21 : memref<!tpu.dma_semaphore, #tpu.memory_space<semaphore_mem>>)
    %scan3A_28 = arith.constant 0 : i32
    %scan3A_29 = arith.constant 65535 : i32
    %scan3A_30 = arith.constant 0 : i32
    %scan3A_31 = arith.constant 28 : i32
    %scan3A_32 = arith.addi %scan3A_30, %scan3A_31 : i32
    %scan3A_33 = arith.constant 1 : i32
    scf.for %scan3A_59 = %scan3A_30 to %scan3A_32 step %scan3A_33  : i32 {
      %mul3A_60 = arith.constant 2 : i32
      %mul3A_61 = arith.muli %scan3A_59, %mul3A_60 : i32
      %add3A_62 = arith.constant 0 : i32
      %add3A_63 = arith.addi %mul3A_61, %add3A_62 : i32
      %add3A_64 = arith.constant 1 : i32
      %add3A_65 = arith.addi %add3A_63, %add3A_64 : i32
      %lt3A = arith.constant 57 : i32
      %lt3A_66 = arith.cmpi slt, %add3A_65, %lt3A : i32
      %convert_element_type3A = arith.extui %lt3A_66 : i1 to i32
      %cond3A = arith.constant 0 : i32
      %cond3A_67 = arith.cmpi ne, %convert_element_type3A, %cond3A : i32
      scf.if %cond3A_67 {
        %add3A_129 = arith.constant 1 : i32
        %add3A_130 = arith.addi %add3A_63, %add3A_129 : i32
        %mul3A_131 = arith.constant 8 : i32
        %mul3A_132 = arith.muli %add3A_130, %mul3A_131 : i32
        %add3A_133 = arith.addi %mul3A_2, %mul3A_132 : i32
        %dma_start3A_134 = arith.constant 1 : i32
        %dma_start3A_135 = arith.constant 1 : i32
        %dma_start3A_136 = arith.constant 0 : i32
        %dma_start3A_137 = arith.constant 0 : i32
        %dma_start3A_138 = tpu.memref_slice %arg5[%dma_start3A_134, %dma_start3A_136, %dma_start3A_137] : memref<2x8x256xi32, #tpu.memory_space<vmem>> -> memref<1x8x256xi32, #tpu.memory_space<vmem>>
        %dma_start3A_139 = tpu.memref_squeeze %dma_start3A_138 : memref<1x8x256xi32, #tpu.memory_space<vmem>> -> memref<8x256xi32, #tpu.memory_space<vmem>>
        %dma_start3A_140 = arith.constant 0 : i32
        %dma_start3A_141 = tpu.memref_slice %arg2[%add3A_133, %dma_start3A_140] : memref<14592x256xi32, #tpu.memory_space<hbm>> -> memref<8x256xi32, #tpu.memory_space<hbm>>
        %dma_start3A_142 = tpu.memref_slice %arg6[%dma_start3A_135] : memref<2x!tpu.dma_semaphore, #tpu.memory_space<semaphore_mem>> -> memref<1x!tpu.dma_semaphore, #tpu.memory_space<semaphore_mem>>
        %dma_start3A_143 = tpu.memref_squeeze %dma_start3A_142 : memref<1x!tpu.dma_semaphore, #tpu.memory_space<semaphore_mem>> -> memref<!tpu.dma_semaphore, #tpu.memory_space<semaphore_mem>>
        %dma_start3A_144 = arith.constant 0 : i32
        %dma_start3A_145 = arith.constant 0 : i32
        %dma_start3A_146 = tpu.memref_slice %arg5[%dma_start3A_134, %dma_start3A_144, %dma_start3A_145] : memref<2x8x256xi32, #tpu.memory_space<vmem>> -> memref<1x8x256xi32, #tpu.memory_space<vmem>>
        %dma_start3A_147 = tpu.memref_squeeze %dma_start3A_146 : memref<1x8x256xi32, #tpu.memory_space<vmem>> -> memref<8x256xi32, #tpu.memory_space<vmem>>
        %dma_start3A_148 = arith.constant 0 : i32
        %dma_start3A_149 = tpu.memref_slice %arg2[%add3A_133, %dma_start3A_148] : memref<14592x256xi32, #tpu.memory_space<hbm>> -> memref<8x256xi32, #tpu.memory_space<hbm>>
        tpu.enqueue_dma source(%dma_start3A_149 : memref<8x256xi32, #tpu.memory_space<hbm>>) target(%dma_start3A_147 : memref<8x256xi32, #tpu.memory_space<vmem>>) target_semaphore(%dma_start3A_143 : memref<!tpu.dma_semaphore, #tpu.memory_space<semaphore_mem>>)
      } else {
      }
      %mul3A_68 = arith.constant 8 : i32
      %mul3A_69 = arith.muli %add3A_63, %mul3A_68 : i32
      %add3A_70 = arith.addi %mul3A_2, %mul3A_69 : i32
      %dma_wait3A_71 = arith.constant 0 : i32
      %dma_wait3A_72 = arith.constant 0 : i32
      %dma_wait3A_73 = arith.constant 0 : i32
      %dma_wait3A_74 = arith.constant 0 : i32
      %dma_wait3A_75 = tpu.memref_slice %arg5[%dma_wait3A_71, %dma_wait3A_73, %dma_wait3A_74] : memref<2x8x256xi32, #tpu.memory_space<vmem>> -> memref<1x8x256xi32, #tpu.memory_space<vmem>>
      %dma_wait3A_76 = tpu.memref_squeeze %dma_wait3A_75 : memref<1x8x256xi32, #tpu.memory_space<vmem>> -> memref<8x256xi32, #tpu.memory_space<vmem>>
      %dma_wait3A_77 = arith.constant 0 : i32
      %dma_wait3A_78 = tpu.memref_slice %arg2[%add3A_70, %dma_wait3A_77] : memref<14592x256xi32, #tpu.memory_space<hbm>> -> memref<8x256xi32, #tpu.memory_space<hbm>>
      %dma_wait3A_79 = tpu.memref_slice %arg6[%dma_wait3A_72] : memref<2x!tpu.dma_semaphore, #tpu.memory_space<semaphore_mem>> -> memref<1x!tpu.dma_semaphore, #tpu.memory_space<semaphore_mem>>
      %dma_wait3A_80 = tpu.memref_squeeze %dma_wait3A_79 : memref<1x!tpu.dma_semaphore, #tpu.memory_space<semaphore_mem>> -> memref<!tpu.dma_semaphore, #tpu.memory_space<semaphore_mem>>
      %dma_wait3A_81 = arith.constant 0 : i32
      %dma_wait3A_82 = arith.constant 0 : i32
      %dma_wait3A_83 = tpu.memref_slice %arg5[%dma_wait3A_71, %dma_wait3A_81, %dma_wait3A_82] : memref<2x8x256xi32, #tpu.memory_space<vmem>> -> memref<1x8x256xi32, #tpu.memory_space<vmem>>
      %dma_wait3A_84 = tpu.memref_squeeze %dma_wait3A_83 : memref<1x8x256xi32, #tpu.memory_space<vmem>> -> memref<8x256xi32, #tpu.memory_space<vmem>>
      %dma_wait3A_85 = arith.constant 0 : i32
      %dma_wait3A_86 = tpu.memref_slice %arg2[%add3A_70, %dma_wait3A_85] : memref<14592x256xi32, #tpu.memory_space<hbm>> -> memref<8x256xi32, #tpu.memory_space<hbm>>
      tpu.wait_dma2 semaphore(%dma_wait3A_80 : memref<!tpu.dma_semaphore, #tpu.memory_space<semaphore_mem>>) src(%dma_wait3A_86 : memref<8x256xi32, #tpu.memory_space<hbm>>) dst(%dma_wait3A_84 : memref<8x256xi32, #tpu.memory_space<vmem>>)
      %scan3A_87 = arith.constant 0 : i32
      %scan3A_88 = arith.constant 0 : i32
      %scan3A_89 = arith.constant 8 : i32
      %scan3A_90 = arith.addi %scan3A_88, %scan3A_89 : i32
      %scan3A_91 = arith.constant 1 : i32
      scf.for %scan3A_129 = %scan3A_88 to %scan3A_90 step %scan3A_91  : i32 {
        %parallel_loop3A = arith.constant 0 : i32
        %parallel_loop3A_130 = arith.constant 16 : i32
        %parallel_loop3A_131 = arith.constant 1 : i32
        scf.for %parallel_loop3A_132 = %parallel_loop3A to %parallel_loop3A_130 step %parallel_loop3A_131  : i32 {
          %parallel_loop3A_133 = arith.constant 16 : i32
          %parallel_loop3A_134 = arith.muli %parallel_loop3A_132, %parallel_loop3A_133 : i32
          %parallel_loop3A_135 = arith.constant 0 : i32
          %parallel_loop3A_136 = arith.index_cast %parallel_loop3A_135 : i32 to index
          %parallel_loop3A_137 = arith.index_cast %scan3A_129 : i32 to index
          %parallel_loop3A_138 = arith.index_cast %parallel_loop3A_134 : i32 to index
          %parallel_loop3A_139 = tpu.vector_load %arg5[%parallel_loop3A_136, %parallel_loop3A_137, %parallel_loop3A_138] {strides = array<i32>} : memref<2x8x256xi32, #tpu.memory_space<vmem>>, vector<16xi32>,
          %parallel_loop3A_140 = vector.broadcast %scan3A_29 : i32 to vector<16xi32>
          %parallel_loop3A_141 = arith.andi %parallel_loop3A_139, %parallel_loop3A_140 : vector<16xi32>
          %parallel_loop3A_142 = arith.constant 16 : i32
          %parallel_loop3A_143 = vector.broadcast %parallel_loop3A_142 : i32 to vector<16xi32>
          %parallel_loop3A_144 = arith.shrui %parallel_loop3A_139, %parallel_loop3A_143 : vector<16xi32>
          tpu.vector_store_idx %arg4[%parallel_loop3A_141], %broadcast_in_dim3A_10 {add = true} : memref<38912xf32, #tpu.memory_space<vmem>>[vector<16xi32>], vector<16xf32>,
          tpu.vector_store_idx %arg4[%parallel_loop3A_144], %broadcast_in_dim3A_10 {add = true} : memref<38912xf32, #tpu.memory_space<vmem>>[vector<16xi32>], vector<16xf32>,
        } {sc.loop_unroll_factor = 8 : i64, sc.parallel_access}
      }
      %scan3A_92 = arith.constant 8 : i32
      %mul3A_93 = arith.constant 2 : i32
      %mul3A_94 = arith.muli %scan3A_59, %mul3A_93 : i32
      %add3A_95 = arith.constant 1 : i32
      %add3A_96 = arith.addi %mul3A_94, %add3A_95 : i32
      %add3A_97 = arith.constant 1 : i32
      %add3A_98 = arith.addi %add3A_96, %add3A_97 : i32
      %lt3A_99 = arith.constant 57 : i32
      %lt3A_100 = arith.cmpi slt, %add3A_98, %lt3A_99 : i32
      %convert_element_type3A_101 = arith.extui %lt3A_100 : i1 to i32
      %cond3A_102 = arith.constant 0 : i32
      %cond3A_103 = arith.cmpi ne, %convert_element_type3A_101, %cond3A_102 : i32
      scf.if %cond3A_103 {
        %add3A_129 = arith.constant 1 : i32
        %add3A_130 = arith.addi %add3A_96, %add3A_129 : i32
        %mul3A_131 = arith.constant 8 : i32
        %mul3A_132 = arith.muli %add3A_130, %mul3A_131 : i32
        %add3A_133 = arith.addi %mul3A_2, %mul3A_132 : i32
        %dma_start3A_134 = arith.constant 0 : i32
        %dma_start3A_135 = arith.constant 0 : i32
        %dma_start3A_136 = arith.constant 0 : i32
        %dma_start3A_137 = arith.constant 0 : i32
        %dma_start3A_138 = tpu.memref_slice %arg5[%dma_start3A_134, %dma_start3A_136, %dma_start3A_137] : memref<2x8x256xi32, #tpu.memory_space<vmem>> -> memref<1x8x256xi32, #tpu.memory_space<vmem>>
        %dma_start3A_139 = tpu.memref_squeeze %dma_start3A_138 : memref<1x8x256xi32, #tpu.memory_space<vmem>> -> memref<8x256xi32, #tpu.memory_space<vmem>>
        %dma_start3A_140 = arith.constant 0 : i32
        %dma_start3A_141 = tpu.memref_slice %arg2[%add3A_133, %dma_start3A_140] : memref<14592x256xi32, #tpu.memory_space<hbm>> -> memref<8x256xi32, #tpu.memory_space<hbm>>
        %dma_start3A_142 = tpu.memref_slice %arg6[%dma_start3A_135] : memref<2x!tpu.dma_semaphore, #tpu.memory_space<semaphore_mem>> -> memref<1x!tpu.dma_semaphore, #tpu.memory_space<semaphore_mem>>
        %dma_start3A_143 = tpu.memref_squeeze %dma_start3A_142 : memref<1x!tpu.dma_semaphore, #tpu.memory_space<semaphore_mem>> -> memref<!tpu.dma_semaphore, #tpu.memory_space<semaphore_mem>>
        %dma_start3A_144 = arith.constant 0 : i32
        %dma_start3A_145 = arith.constant 0 : i32
        %dma_start3A_146 = tpu.memref_slice %arg5[%dma_start3A_134, %dma_start3A_144, %dma_start3A_145] : memref<2x8x256xi32, #tpu.memory_space<vmem>> -> memref<1x8x256xi32, #tpu.memory_space<vmem>>
        %dma_start3A_147 = tpu.memref_squeeze %dma_start3A_146 : memref<1x8x256xi32, #tpu.memory_space<vmem>> -> memref<8x256xi32, #tpu.memory_space<vmem>>
        %dma_start3A_148 = arith.constant 0 : i32
        %dma_start3A_149 = tpu.memref_slice %arg2[%add3A_133, %dma_start3A_148] : memref<14592x256xi32, #tpu.memory_space<hbm>> -> memref<8x256xi32, #tpu.memory_space<hbm>>
        tpu.enqueue_dma source(%dma_start3A_149 : memref<8x256xi32, #tpu.memory_space<hbm>>) target(%dma_start3A_147 : memref<8x256xi32, #tpu.memory_space<vmem>>) target_semaphore(%dma_start3A_143 : memref<!tpu.dma_semaphore, #tpu.memory_space<semaphore_mem>>)
      } else {
      }
      %mul3A_104 = arith.constant 8 : i32
      %mul3A_105 = arith.muli %add3A_96, %mul3A_104 : i32
      %add3A_106 = arith.addi %mul3A_2, %mul3A_105 : i32
      %dma_wait3A_107 = arith.constant 1 : i32
      %dma_wait3A_108 = arith.constant 1 : i32
      %dma_wait3A_109 = arith.constant 0 : i32
      %dma_wait3A_110 = arith.constant 0 : i32
      %dma_wait3A_111 = tpu.memref_slice %arg5[%dma_wait3A_107, %dma_wait3A_109, %dma_wait3A_110] : memref<2x8x256xi32, #tpu.memory_space<vmem>> -> memref<1x8x256xi32, #tpu.memory_space<vmem>>
      %dma_wait3A_112 = tpu.memref_squeeze %dma_wait3A_111 : memref<1x8x256xi32, #tpu.memory_space<vmem>> -> memref<8x256xi32, #tpu.memory_space<vmem>>
      %dma_wait3A_113 = arith.constant 0 : i32
      %dma_wait3A_114 = tpu.memref_slice %arg2[%add3A_106, %dma_wait3A_113] : memref<14592x256xi32, #tpu.memory_space<hbm>> -> memref<8x256xi32, #tpu.memory_space<hbm>>
      %dma_wait3A_115 = tpu.memref_slice %arg6[%dma_wait3A_108] : memref<2x!tpu.dma_semaphore, #tpu.memory_space<semaphore_mem>> -> memref<1x!tpu.dma_semaphore, #tpu.memory_space<semaphore_mem>>
      %dma_wait3A_116 = tpu.memref_squeeze %dma_wait3A_115 : memref<1x!tpu.dma_semaphore, #tpu.memory_space<semaphore_mem>> -> memref<!tpu.dma_semaphore, #tpu.memory_space<semaphore_mem>>
      %dma_wait3A_117 = arith.constant 0 : i32
      %dma_wait3A_118 = arith.constant 0 : i32
      %dma_wait3A_119 = tpu.memref_slice %arg5[%dma_wait3A_107, %dma_wait3A_117, %dma_wait3A_118] : memref<2x8x256xi32, #tpu.memory_space<vmem>> -> memref<1x8x256xi32, #tpu.memory_space<vmem>>
      %dma_wait3A_120 = tpu.memref_squeeze %dma_wait3A_119 : memref<1x8x256xi32, #tpu.memory_space<vmem>> -> memref<8x256xi32, #tpu.memory_space<vmem>>
      %dma_wait3A_121 = arith.constant 0 : i32
      %dma_wait3A_122 = tpu.memref_slice %arg2[%add3A_106, %dma_wait3A_121] : memref<14592x256xi32, #tpu.memory_space<hbm>> -> memref<8x256xi32, #tpu.memory_space<hbm>>
      tpu.wait_dma2 semaphore(%dma_wait3A_116 : memref<!tpu.dma_semaphore, #tpu.memory_space<semaphore_mem>>) src(%dma_wait3A_122 : memref<8x256xi32, #tpu.memory_space<hbm>>) dst(%dma_wait3A_120 : memref<8x256xi32, #tpu.memory_space<vmem>>)
      %scan3A_123 = arith.constant 0 : i32
      %scan3A_124 = arith.constant 0 : i32
      %scan3A_125 = arith.constant 8 : i32
      %scan3A_126 = arith.addi %scan3A_124, %scan3A_125 : i32
      %scan3A_127 = arith.constant 1 : i32
      scf.for %scan3A_129 = %scan3A_124 to %scan3A_126 step %scan3A_127  : i32 {
        %parallel_loop3A = arith.constant 0 : i32
        %parallel_loop3A_130 = arith.constant 16 : i32
        %parallel_loop3A_131 = arith.constant 1 : i32
        scf.for %parallel_loop3A_132 = %parallel_loop3A to %parallel_loop3A_130 step %parallel_loop3A_131  : i32 {
          %parallel_loop3A_133 = arith.constant 16 : i32
          %parallel_loop3A_134 = arith.muli %parallel_loop3A_132, %parallel_loop3A_133 : i32
          %parallel_loop3A_135 = arith.constant 1 : i32
          %parallel_loop3A_136 = arith.index_cast %parallel_loop3A_135 : i32 to index
          %parallel_loop3A_137 = arith.index_cast %scan3A_129 : i32 to index
          %parallel_loop3A_138 = arith.index_cast %parallel_loop3A_134 : i32 to index
          %parallel_loop3A_139 = tpu.vector_load %arg5[%parallel_loop3A_136, %parallel_loop3A_137, %parallel_loop3A_138] {strides = array<i32>} : memref<2x8x256xi32, #tpu.memory_space<vmem>>, vector<16xi32>,
          %parallel_loop3A_140 = vector.broadcast %scan3A_29 : i32 to vector<16xi32>
          %parallel_loop3A_141 = arith.andi %parallel_loop3A_139, %parallel_loop3A_140 : vector<16xi32>
          %parallel_loop3A_142 = arith.constant 16 : i32
          %parallel_loop3A_143 = vector.broadcast %parallel_loop3A_142 : i32 to vector<16xi32>
          %parallel_loop3A_144 = arith.shrui %parallel_loop3A_139, %parallel_loop3A_143 : vector<16xi32>
          tpu.vector_store_idx %arg4[%parallel_loop3A_141], %broadcast_in_dim3A_10 {add = true} : memref<38912xf32, #tpu.memory_space<vmem>>[vector<16xi32>], vector<16xf32>,
          tpu.vector_store_idx %arg4[%parallel_loop3A_144], %broadcast_in_dim3A_10 {add = true} : memref<38912xf32, #tpu.memory_space<vmem>>[vector<16xi32>], vector<16xf32>,
        } {sc.loop_unroll_factor = 8 : i64, sc.parallel_access}
      }
      %scan3A_128 = arith.constant 8 : i32
    }
    %scan3A_34 = arith.constant 28 : i32
    %add3A_35 = arith.constant 448 : i32
    %add3A_36 = arith.addi %mul3A_2, %add3A_35 : i32
    %dma_wait3A = arith.constant 0 : i32
    %dma_wait3A_37 = arith.constant 0 : i32
    %dma_wait3A_38 = arith.constant 0 : i32
    %dma_wait3A_39 = arith.constant 0 : i32
    %dma_wait3A_40 = tpu.memref_slice %arg5[%dma_wait3A, %dma_wait3A_38, %dma_wait3A_39] : memref<2x8x256xi32, #tpu.memory_space<vmem>> -> memref<1x8x256xi32, #tpu.memory_space<vmem>>
    %dma_wait3A_41 = tpu.memref_squeeze %dma_wait3A_40 : memref<1x8x256xi32, #tpu.memory_space<vmem>> -> memref<8x256xi32, #tpu.memory_space<vmem>>
    %dma_wait3A_42 = arith.constant 0 : i32
    %dma_wait3A_43 = tpu.memref_slice %arg2[%add3A_36, %dma_wait3A_42] : memref<14592x256xi32, #tpu.memory_space<hbm>> -> memref<8x256xi32, #tpu.memory_space<hbm>>
    %dma_wait3A_44 = tpu.memref_slice %arg6[%dma_wait3A_37] : memref<2x!tpu.dma_semaphore, #tpu.memory_space<semaphore_mem>> -> memref<1x!tpu.dma_semaphore, #tpu.memory_space<semaphore_mem>>
    %dma_wait3A_45 = tpu.memref_squeeze %dma_wait3A_44 : memref<1x!tpu.dma_semaphore, #tpu.memory_space<semaphore_mem>> -> memref<!tpu.dma_semaphore, #tpu.memory_space<semaphore_mem>>
    %dma_wait3A_46 = arith.constant 0 : i32
    %dma_wait3A_47 = arith.constant 0 : i32
    %dma_wait3A_48 = tpu.memref_slice %arg5[%dma_wait3A, %dma_wait3A_46, %dma_wait3A_47] : memref<2x8x256xi32, #tpu.memory_space<vmem>> -> memref<1x8x256xi32, #tpu.memory_space<vmem>>
    %dma_wait3A_49 = tpu.memref_squeeze %dma_wait3A_48 : memref<1x8x256xi32, #tpu.memory_space<vmem>> -> memref<8x256xi32, #tpu.memory_space<vmem>>
    %dma_wait3A_50 = arith.constant 0 : i32
    %dma_wait3A_51 = tpu.memref_slice %arg2[%add3A_36, %dma_wait3A_50] : memref<14592x256xi32, #tpu.memory_space<hbm>> -> memref<8x256xi32, #tpu.memory_space<hbm>>
    tpu.wait_dma2 semaphore(%dma_wait3A_45 : memref<!tpu.dma_semaphore, #tpu.memory_space<semaphore_mem>>) src(%dma_wait3A_51 : memref<8x256xi32, #tpu.memory_space<hbm>>) dst(%dma_wait3A_49 : memref<8x256xi32, #tpu.memory_space<vmem>>)
    %scan3A_52 = arith.constant 0 : i32
    %scan3A_53 = arith.constant 65535 : i32
    %scan3A_54 = arith.constant 0 : i32
    %scan3A_55 = arith.constant 8 : i32
    %scan3A_56 = arith.addi %scan3A_54, %scan3A_55 : i32
    %scan3A_57 = arith.constant 1 : i32
    scf.for %scan3A_59 = %scan3A_54 to %scan3A_56 step %scan3A_57  : i32 {
      %parallel_loop3A = arith.constant 0 : i32
      %parallel_loop3A_60 = arith.constant 16 : i32
      %parallel_loop3A_61 = arith.constant 1 : i32
      scf.for %parallel_loop3A_62 = %parallel_loop3A to %parallel_loop3A_60 step %parallel_loop3A_61  : i32 {
        %parallel_loop3A_63 = arith.constant 16 : i32
        %parallel_loop3A_64 = arith.muli %parallel_loop3A_62, %parallel_loop3A_63 : i32
        %parallel_loop3A_65 = arith.constant 0 : i32
        %parallel_loop3A_66 = arith.index_cast %parallel_loop3A_65 : i32 to index
        %parallel_loop3A_67 = arith.index_cast %scan3A_59 : i32 to index
        %parallel_loop3A_68 = arith.index_cast %parallel_loop3A_64 : i32 to index
        %parallel_loop3A_69 = tpu.vector_load %arg5[%parallel_loop3A_66, %parallel_loop3A_67, %parallel_loop3A_68] {strides = array<i32>} : memref<2x8x256xi32, #tpu.memory_space<vmem>>, vector<16xi32>,
        %parallel_loop3A_70 = vector.broadcast %scan3A_53 : i32 to vector<16xi32>
        %parallel_loop3A_71 = arith.andi %parallel_loop3A_69, %parallel_loop3A_70 : vector<16xi32>
        %parallel_loop3A_72 = arith.constant 16 : i32
        %parallel_loop3A_73 = vector.broadcast %parallel_loop3A_72 : i32 to vector<16xi32>
        %parallel_loop3A_74 = arith.shrui %parallel_loop3A_69, %parallel_loop3A_73 : vector<16xi32>
        tpu.vector_store_idx %arg4[%parallel_loop3A_71], %broadcast_in_dim3A_10 {add = true} : memref<38912xf32, #tpu.memory_space<vmem>>[vector<16xi32>], vector<16xf32>,
        tpu.vector_store_idx %arg4[%parallel_loop3A_74], %broadcast_in_dim3A_10 {add = true} : memref<38912xf32, #tpu.memory_space<vmem>>[vector<16xi32>], vector<16xf32>,
      } {sc.loop_unroll_factor = 8 : i64, sc.parallel_access}
    }
    %scan3A_58 = arith.constant 8 : i32
    "tpu.region"() ({
      %run_scoped3A = tpu.sem_alloc : memref<!tpu.dma_semaphore, #tpu.memory_space<semaphore_mem>>
      %dma_start3A_59 = arith.constant 0 : i32
      %dma_start3A_60 = tpu.memref_slice %arg3[%add3A, %dma_start3A_59] : memref<32x38912xf32, #tpu.memory_space<hbm>> -> memref<1x38912xf32, #tpu.memory_space<hbm>>
      %dma_start3A_61 = tpu.memref_squeeze %dma_start3A_60 : memref<1x38912xf32, #tpu.memory_space<hbm>> -> memref<38912xf32, #tpu.memory_space<hbm>>
      %dma_start3A_62 = arith.constant 0 : i32
      %dma_start3A_63 = tpu.memref_slice %arg3[%add3A, %dma_start3A_62] : memref<32x38912xf32, #tpu.memory_space<hbm>> -> memref<1x38912xf32, #tpu.memory_space<hbm>>
      %dma_start3A_64 = tpu.memref_squeeze %dma_start3A_63 : memref<1x38912xf32, #tpu.memory_space<hbm>> -> memref<38912xf32, #tpu.memory_space<hbm>>
      tpu.enqueue_dma source(%arg4 : memref<38912xf32, #tpu.memory_space<vmem>>) target(%dma_start3A_64 : memref<38912xf32, #tpu.memory_space<hbm>>) target_semaphore(%run_scoped3A : memref<!tpu.dma_semaphore, #tpu.memory_space<semaphore_mem>>)
      %dma_wait3A_65 = arith.constant 0 : i32
      %dma_wait3A_66 = tpu.memref_slice %arg3[%add3A, %dma_wait3A_65] : memref<32x38912xf32, #tpu.memory_space<hbm>> -> memref<1x38912xf32, #tpu.memory_space<hbm>>
      %dma_wait3A_67 = tpu.memref_squeeze %dma_wait3A_66 : memref<1x38912xf32, #tpu.memory_space<hbm>> -> memref<38912xf32, #tpu.memory_space<hbm>>
      %dma_wait3A_68 = arith.constant 0 : i32
      %dma_wait3A_69 = tpu.memref_slice %arg3[%add3A, %dma_wait3A_68] : memref<32x38912xf32, #tpu.memory_space<hbm>> -> memref<1x38912xf32, #tpu.memory_space<hbm>>
      %dma_wait3A_70 = tpu.memref_squeeze %dma_wait3A_69 : memref<1x38912xf32, #tpu.memory_space<hbm>> -> memref<38912xf32, #tpu.memory_space<hbm>>
      tpu.wait_dma2 semaphore(%run_scoped3A : memref<!tpu.dma_semaphore, #tpu.memory_space<semaphore_mem>>) src(%arg4 : memref<38912xf32, #tpu.memory_space<vmem>>) dst(%dma_wait3A_70 : memref<38912xf32, #tpu.memory_space<hbm>>)
      tpu.yield
    }) : () -> ()
    return
  }
}

module attributes {stable_mosaic.version = 14 : i64} {
  func.func @_prep_body(%arg0: i32, %arg1: memref<1x19x128x512xf32, #tpu.memory_space<vmem>>, %arg2: memref<1x128x512xi32, #tpu.memory_space<vmem>>, %arg3: memref<2432x256xi32, #tpu.memory_space<vmem>>) attributes {dimension_semantics = [#tpu.dimension_semantics<arbitrary>], iteration_bounds = array<i64: 10>, scalar_prefetch = 0 : i64, scratch_operands = 0 : i64, tpu.core_type = #tpu.core_type<tc>, window_params = [{transform_indices = @transform_0, window_bounds = array<i64: 1, 19, 128, 512>}, {transform_indices = @transform_1, window_bounds = array<i64: 1, 128, 512>}, {transform_indices = @transform_2, window_bounds = array<i64: 2432, 256>}]} {
    %get3A = arith.constant 0 : index
    %get3A_0 = arith.constant 0 : index
    %get3A_1 = arith.constant 0 : index
    %get3A_2 = arith.constant 0 : index
    %get3A_3 = vector.load %arg1[%get3A, %get3A_0, %get3A_1, %get3A_2] : memref<1x19x128x512xf32, #tpu.memory_space<vmem>>, vector<1x19x128x512xf32>
    %get3A_4 = vector.shape_cast %get3A_3 : vector<1x19x128x512xf32> to vector<19x128x512xf32>
    %get3A_5 = arith.constant 0 : index
    %get3A_6 = arith.constant 0 : index
    %get3A_7 = arith.constant 0 : index
    %get3A_8 = vector.load %arg2[%get3A_5, %get3A_6, %get3A_7] : memref<1x128x512xi32, #tpu.memory_space<vmem>>, vector<1x128x512xi32>
    %get3A_9 = vector.shape_cast %get3A_8 : vector<1x128x512xi32> to vector<128x512xi32>
    %reduce_max3A = arith.constant dense<0xFF800000> : vector<128x512xf32>
    %reduce_max3A_10 = vector.multi_reduction <maximumf>, %get3A_4, %reduce_max3A [0] : vector<19x128x512xf32> to vector<128x512xf32>
    %broadcast_in_dim3A = vector.shape_cast %reduce_max3A_10 : vector<128x512xf32> to vector<1x128x512xf32>
    %sub3A = vector.broadcast %broadcast_in_dim3A : vector<1x128x512xf32> to vector<19x128x512xf32>
    %sub3A_11 = arith.subf %get3A_4, %sub3A : vector<19x128x512xf32>
    %exp3A = math.exp %sub3A_11 : vector<19x128x512xf32>
    %reduce_sum3A = arith.constant dense<0.000000e+00> : vector<128x512xf32>
    %reduce_sum3A_12 = vector.multi_reduction <add>, %exp3A, %reduce_sum3A [0] : vector<19x128x512xf32> to vector<128x512xf32>
    %div3A = arith.constant 1.000000e+00 : f32
    %div3A_13 = vector.broadcast %div3A : f32 to vector<128x512xf32>
    %div3A_14 = arith.divf %div3A_13, %reduce_sum3A_12 : vector<128x512xf32>
    %slice3A = vector.extract_strided_slice %exp3A {offsets = [0, 0, 0], sizes = [1, 128, 512], strides = [1, 1, 1]} : vector<19x128x512xf32> to vector<1x128x512xf32>
    %squeeze3A = vector.shape_cast %slice3A : vector<1x128x512xf32> to vector<128x512xf32>
    %mul3A = arith.mulf %squeeze3A, %div3A_14 : vector<128x512xf32>
    %eq3A = arith.constant 0 : i32
    %eq3A_15 = vector.broadcast %eq3A : i32 to vector<128x512xi32>
    %eq3A_16 = arith.cmpi eq, %get3A_9, %eq3A_15 : vector<128x512xi32>
    %sub3A_17 = arith.constant 1.000000e+00 : f32
    %sub3A_18 = vector.broadcast %sub3A_17 : f32 to vector<128x512xf32>
    %sub3A_19 = arith.subf %sub3A_18, %mul3A : vector<128x512xf32>
    %select_n3A = arith.select %eq3A_16, %sub3A_19, %mul3A : vector<128x512xi1>, vector<128x512xf32>
    %mul3A_20 = arith.constant 1.024000e+03 : f32
    %mul3A_21 = vector.broadcast %mul3A_20 : f32 to vector<128x512xf32>
    %mul3A_22 = arith.mulf %select_n3A, %mul3A_21 : vector<128x512xf32>
    %convert_element_type3A = arith.fptosi %mul3A_22 : vector<128x512xf32> to vector<128x512xi32>
    %min3A = arith.constant 1023 : i32
    %min3A_23 = vector.broadcast %min3A : i32 to vector<128x512xi32>
    %min3A_24 = arith.minsi %convert_element_type3A, %min3A_23 : vector<128x512xi32>
    %jit3A = arith.constant 19456 : i32
    %jit3A_25 = arith.constant 0 : i32
    %broadcast_in_dim3A_26 = vector.broadcast %jit3A : i32 to vector<128x512xi32>
    %broadcast_in_dim3A_27 = vector.broadcast %jit3A_25 : i32 to vector<128x512xi32>
    %select_n3A_28 = arith.select %eq3A_16, %broadcast_in_dim3A_26, %broadcast_in_dim3A_27 : vector<128x512xi1>, vector<128x512xi32>
    %add3A = arith.constant 0 : i32
    %add3A_29 = vector.broadcast %add3A : i32 to vector<128x512xi32>
    %add3A_30 = arith.addi %select_n3A_28, %add3A_29 : vector<128x512xi32>
    %add3A_31 = arith.addi %add3A_30, %min3A_24 : vector<128x512xi32>
    %slice3A_32 = vector.extract_strided_slice %add3A_31 {offsets = [0, 0], sizes = [128, 256], strides = [1, 1]} : vector<128x512xi32> to vector<128x256xi32>
    %slice3A_33 = vector.extract_strided_slice %add3A_31 {offsets = [0, 256], sizes = [128, 256], strides = [1, 1]} : vector<128x512xi32> to vector<128x256xi32>
    %shift_left3A = arith.constant 16 : i32
    %shift_left3A_34 = vector.broadcast %shift_left3A : i32 to vector<128x256xi32>
    %shift_left3A_35 = arith.shli %slice3A_33, %shift_left3A_34 : vector<128x256xi32>
    %or3A = arith.ori %slice3A_32, %shift_left3A_35 : vector<128x256xi32>
    %swap3A = arith.constant 0 : index
    %swap3A_36 = arith.constant 0 : index
    %swap3A_37 = vector.load %arg3[%swap3A, %swap3A_36] : memref<2432x256xi32, #tpu.memory_space<vmem>>, vector<128x256xi32>
    tpu.vector_store %arg3[%swap3A, %swap3A_36], %or3A {strides = array<i32>} : memref<2432x256xi32, #tpu.memory_space<vmem>>, vector<128x256xi32>,
    %slice3A_38 = vector.extract_strided_slice %exp3A {offsets = [1, 0, 0], sizes = [1, 128, 512], strides = [1, 1, 1]} : vector<19x128x512xf32> to vector<1x128x512xf32>
    %squeeze3A_39 = vector.shape_cast %slice3A_38 : vector<1x128x512xf32> to vector<128x512xf32>
    %mul3A_40 = arith.mulf %squeeze3A_39, %div3A_14 : vector<128x512xf32>
    %eq3A_41 = arith.constant 1 : i32
    %eq3A_42 = vector.broadcast %eq3A_41 : i32 to vector<128x512xi32>
    %eq3A_43 = arith.cmpi eq, %get3A_9, %eq3A_42 : vector<128x512xi32>
    %sub3A_44 = arith.constant 1.000000e+00 : f32
    %sub3A_45 = vector.broadcast %sub3A_44 : f32 to vector<128x512xf32>
    %sub3A_46 = arith.subf %sub3A_45, %mul3A_40 : vector<128x512xf32>
    %select_n3A_47 = arith.select %eq3A_43, %sub3A_46, %mul3A_40 : vector<128x512xi1>, vector<128x512xf32>
    %mul3A_48 = arith.constant 1.024000e+03 : f32
    %mul3A_49 = vector.broadcast %mul3A_48 : f32 to vector<128x512xf32>
    %mul3A_50 = arith.mulf %select_n3A_47, %mul3A_49 : vector<128x512xf32>
    %convert_element_type3A_51 = arith.fptosi %mul3A_50 : vector<128x512xf32> to vector<128x512xi32>
    %min3A_52 = arith.constant 1023 : i32
    %min3A_53 = vector.broadcast %min3A_52 : i32 to vector<128x512xi32>
    %min3A_54 = arith.minsi %convert_element_type3A_51, %min3A_53 : vector<128x512xi32>
    %jit3A_55 = arith.constant 19456 : i32
    %jit3A_56 = arith.constant 0 : i32
    %broadcast_in_dim3A_57 = vector.broadcast %jit3A_55 : i32 to vector<128x512xi32>
    %broadcast_in_dim3A_58 = vector.broadcast %jit3A_56 : i32 to vector<128x512xi32>
    %select_n3A_59 = arith.select %eq3A_43, %broadcast_in_dim3A_57, %broadcast_in_dim3A_58 : vector<128x512xi1>, vector<128x512xi32>
    %add3A_60 = arith.constant 1024 : i32
    %add3A_61 = vector.broadcast %add3A_60 : i32 to vector<128x512xi32>
    %add3A_62 = arith.addi %select_n3A_59, %add3A_61 : vector<128x512xi32>
    %add3A_63 = arith.addi %add3A_62, %min3A_54 : vector<128x512xi32>
    %slice3A_64 = vector.extract_strided_slice %add3A_63 {offsets = [0, 0], sizes = [128, 256], strides = [1, 1]} : vector<128x512xi32> to vector<128x256xi32>
    %slice3A_65 = vector.extract_strided_slice %add3A_63 {offsets = [0, 256], sizes = [128, 256], strides = [1, 1]} : vector<128x512xi32> to vector<128x256xi32>
    %shift_left3A_66 = arith.constant 16 : i32
    %shift_left3A_67 = vector.broadcast %shift_left3A_66 : i32 to vector<128x256xi32>
    %shift_left3A_68 = arith.shli %slice3A_65, %shift_left3A_67 : vector<128x256xi32>
    %or3A_69 = arith.ori %slice3A_64, %shift_left3A_68 : vector<128x256xi32>
    %swap3A_70 = arith.constant 128 : index
    %swap3A_71 = arith.constant 0 : index
    %swap3A_72 = vector.load %arg3[%swap3A_70, %swap3A_71] : memref<2432x256xi32, #tpu.memory_space<vmem>>, vector<128x256xi32>
    tpu.vector_store %arg3[%swap3A_70, %swap3A_71], %or3A_69 {strides = array<i32>} : memref<2432x256xi32, #tpu.memory_space<vmem>>, vector<128x256xi32>,
    %slice3A_73 = vector.extract_strided_slice %exp3A {offsets = [2, 0, 0], sizes = [1, 128, 512], strides = [1, 1, 1]} : vector<19x128x512xf32> to vector<1x128x512xf32>
    %squeeze3A_74 = vector.shape_cast %slice3A_73 : vector<1x128x512xf32> to vector<128x512xf32>
    %mul3A_75 = arith.mulf %squeeze3A_74, %div3A_14 : vector<128x512xf32>
    %eq3A_76 = arith.constant 2 : i32
    %eq3A_77 = vector.broadcast %eq3A_76 : i32 to vector<128x512xi32>
    %eq3A_78 = arith.cmpi eq, %get3A_9, %eq3A_77 : vector<128x512xi32>
    %sub3A_79 = arith.constant 1.000000e+00 : f32
    %sub3A_80 = vector.broadcast %sub3A_79 : f32 to vector<128x512xf32>
    %sub3A_81 = arith.subf %sub3A_80, %mul3A_75 : vector<128x512xf32>
    %select_n3A_82 = arith.select %eq3A_78, %sub3A_81, %mul3A_75 : vector<128x512xi1>, vector<128x512xf32>
    %mul3A_83 = arith.constant 1.024000e+03 : f32
    %mul3A_84 = vector.broadcast %mul3A_83 : f32 to vector<128x512xf32>
    %mul3A_85 = arith.mulf %select_n3A_82, %mul3A_84 : vector<128x512xf32>
    %convert_element_type3A_86 = arith.fptosi %mul3A_85 : vector<128x512xf32> to vector<128x512xi32>
    %min3A_87 = arith.constant 1023 : i32
    %min3A_88 = vector.broadcast %min3A_87 : i32 to vector<128x512xi32>
    %min3A_89 = arith.minsi %convert_element_type3A_86, %min3A_88 : vector<128x512xi32>
    %jit3A_90 = arith.constant 19456 : i32
    %jit3A_91 = arith.constant 0 : i32
    %broadcast_in_dim3A_92 = vector.broadcast %jit3A_90 : i32 to vector<128x512xi32>
    %broadcast_in_dim3A_93 = vector.broadcast %jit3A_91 : i32 to vector<128x512xi32>
    %select_n3A_94 = arith.select %eq3A_78, %broadcast_in_dim3A_92, %broadcast_in_dim3A_93 : vector<128x512xi1>, vector<128x512xi32>
    %add3A_95 = arith.constant 2048 : i32
    %add3A_96 = vector.broadcast %add3A_95 : i32 to vector<128x512xi32>
    %add3A_97 = arith.addi %select_n3A_94, %add3A_96 : vector<128x512xi32>
    %add3A_98 = arith.addi %add3A_97, %min3A_89 : vector<128x512xi32>
    %slice3A_99 = vector.extract_strided_slice %add3A_98 {offsets = [0, 0], sizes = [128, 256], strides = [1, 1]} : vector<128x512xi32> to vector<128x256xi32>
    %slice3A_100 = vector.extract_strided_slice %add3A_98 {offsets = [0, 256], sizes = [128, 256], strides = [1, 1]} : vector<128x512xi32> to vector<128x256xi32>
    %shift_left3A_101 = arith.constant 16 : i32
    %shift_left3A_102 = vector.broadcast %shift_left3A_101 : i32 to vector<128x256xi32>
    %shift_left3A_103 = arith.shli %slice3A_100, %shift_left3A_102 : vector<128x256xi32>
    %or3A_104 = arith.ori %slice3A_99, %shift_left3A_103 : vector<128x256xi32>
    %swap3A_105 = arith.constant 256 : index
    %swap3A_106 = arith.constant 0 : index
    %swap3A_107 = vector.load %arg3[%swap3A_105, %swap3A_106] : memref<2432x256xi32, #tpu.memory_space<vmem>>, vector<128x256xi32>
    tpu.vector_store %arg3[%swap3A_105, %swap3A_106], %or3A_104 {strides = array<i32>} : memref<2432x256xi32, #tpu.memory_space<vmem>>, vector<128x256xi32>,
    %slice3A_108 = vector.extract_strided_slice %exp3A {offsets = [3, 0, 0], sizes = [1, 128, 512], strides = [1, 1, 1]} : vector<19x128x512xf32> to vector<1x128x512xf32>
    %squeeze3A_109 = vector.shape_cast %slice3A_108 : vector<1x128x512xf32> to vector<128x512xf32>
    %mul3A_110 = arith.mulf %squeeze3A_109, %div3A_14 : vector<128x512xf32>
    %eq3A_111 = arith.constant 3 : i32
    %eq3A_112 = vector.broadcast %eq3A_111 : i32 to vector<128x512xi32>
    %eq3A_113 = arith.cmpi eq, %get3A_9, %eq3A_112 : vector<128x512xi32>
    %sub3A_114 = arith.constant 1.000000e+00 : f32
    %sub3A_115 = vector.broadcast %sub3A_114 : f32 to vector<128x512xf32>
    %sub3A_116 = arith.subf %sub3A_115, %mul3A_110 : vector<128x512xf32>
    %select_n3A_117 = arith.select %eq3A_113, %sub3A_116, %mul3A_110 : vector<128x512xi1>, vector<128x512xf32>
    %mul3A_118 = arith.constant 1.024000e+03 : f32
    %mul3A_119 = vector.broadcast %mul3A_118 : f32 to vector<128x512xf32>
    %mul3A_120 = arith.mulf %select_n3A_117, %mul3A_119 : vector<128x512xf32>
    %convert_element_type3A_121 = arith.fptosi %mul3A_120 : vector<128x512xf32> to vector<128x512xi32>
    %min3A_122 = arith.constant 1023 : i32
    %min3A_123 = vector.broadcast %min3A_122 : i32 to vector<128x512xi32>
    %min3A_124 = arith.minsi %convert_element_type3A_121, %min3A_123 : vector<128x512xi32>
    %jit3A_125 = arith.constant 19456 : i32
    %jit3A_126 = arith.constant 0 : i32
    %broadcast_in_dim3A_127 = vector.broadcast %jit3A_125 : i32 to vector<128x512xi32>
    %broadcast_in_dim3A_128 = vector.broadcast %jit3A_126 : i32 to vector<128x512xi32>
    %select_n3A_129 = arith.select %eq3A_113, %broadcast_in_dim3A_127, %broadcast_in_dim3A_128 : vector<128x512xi1>, vector<128x512xi32>
    %add3A_130 = arith.constant 3072 : i32
    %add3A_131 = vector.broadcast %add3A_130 : i32 to vector<128x512xi32>
    %add3A_132 = arith.addi %select_n3A_129, %add3A_131 : vector<128x512xi32>
    %add3A_133 = arith.addi %add3A_132, %min3A_124 : vector<128x512xi32>
    %slice3A_134 = vector.extract_strided_slice %add3A_133 {offsets = [0, 0], sizes = [128, 256], strides = [1, 1]} : vector<128x512xi32> to vector<128x256xi32>
    %slice3A_135 = vector.extract_strided_slice %add3A_133 {offsets = [0, 256], sizes = [128, 256], strides = [1, 1]} : vector<128x512xi32> to vector<128x256xi32>
    %shift_left3A_136 = arith.constant 16 : i32
    %shift_left3A_137 = vector.broadcast %shift_left3A_136 : i32 to vector<128x256xi32>
    %shift_left3A_138 = arith.shli %slice3A_135, %shift_left3A_137 : vector<128x256xi32>
    %or3A_139 = arith.ori %slice3A_134, %shift_left3A_138 : vector<128x256xi32>
    %swap3A_140 = arith.constant 384 : index
    %swap3A_141 = arith.constant 0 : index
    %swap3A_142 = vector.load %arg3[%swap3A_140, %swap3A_141] : memref<2432x256xi32, #tpu.memory_space<vmem>>, vector<128x256xi32>
    tpu.vector_store %arg3[%swap3A_140, %swap3A_141], %or3A_139 {strides = array<i32>} : memref<2432x256xi32, #tpu.memory_space<vmem>>, vector<128x256xi32>,
    %slice3A_143 = vector.extract_strided_slice %exp3A {offsets = [4, 0, 0], sizes = [1, 128, 512], strides = [1, 1, 1]} : vector<19x128x512xf32> to vector<1x128x512xf32>
    %squeeze3A_144 = vector.shape_cast %slice3A_143 : vector<1x128x512xf32> to vector<128x512xf32>
    %mul3A_145 = arith.mulf %squeeze3A_144, %div3A_14 : vector<128x512xf32>
    %eq3A_146 = arith.constant 4 : i32
    %eq3A_147 = vector.broadcast %eq3A_146 : i32 to vector<128x512xi32>
    %eq3A_148 = arith.cmpi eq, %get3A_9, %eq3A_147 : vector<128x512xi32>
    %sub3A_149 = arith.constant 1.000000e+00 : f32
    %sub3A_150 = vector.broadcast %sub3A_149 : f32 to vector<128x512xf32>
    %sub3A_151 = arith.subf %sub3A_150, %mul3A_145 : vector<128x512xf32>
    %select_n3A_152 = arith.select %eq3A_148, %sub3A_151, %mul3A_145 : vector<128x512xi1>, vector<128x512xf32>
    %mul3A_153 = arith.constant 1.024000e+03 : f32
    %mul3A_154 = vector.broadcast %mul3A_153 : f32 to vector<128x512xf32>
    %mul3A_155 = arith.mulf %select_n3A_152, %mul3A_154 : vector<128x512xf32>
    %convert_element_type3A_156 = arith.fptosi %mul3A_155 : vector<128x512xf32> to vector<128x512xi32>
    %min3A_157 = arith.constant 1023 : i32
    %min3A_158 = vector.broadcast %min3A_157 : i32 to vector<128x512xi32>
    %min3A_159 = arith.minsi %convert_element_type3A_156, %min3A_158 : vector<128x512xi32>
    %jit3A_160 = arith.constant 19456 : i32
    %jit3A_161 = arith.constant 0 : i32
    %broadcast_in_dim3A_162 = vector.broadcast %jit3A_160 : i32 to vector<128x512xi32>
    %broadcast_in_dim3A_163 = vector.broadcast %jit3A_161 : i32 to vector<128x512xi32>
    %select_n3A_164 = arith.select %eq3A_148, %broadcast_in_dim3A_162, %broadcast_in_dim3A_163 : vector<128x512xi1>, vector<128x512xi32>
    %add3A_165 = arith.constant 4096 : i32
    %add3A_166 = vector.broadcast %add3A_165 : i32 to vector<128x512xi32>
    %add3A_167 = arith.addi %select_n3A_164, %add3A_166 : vector<128x512xi32>
    %add3A_168 = arith.addi %add3A_167, %min3A_159 : vector<128x512xi32>
    %slice3A_169 = vector.extract_strided_slice %add3A_168 {offsets = [0, 0], sizes = [128, 256], strides = [1, 1]} : vector<128x512xi32> to vector<128x256xi32>
    %slice3A_170 = vector.extract_strided_slice %add3A_168 {offsets = [0, 256], sizes = [128, 256], strides = [1, 1]} : vector<128x512xi32> to vector<128x256xi32>
    %shift_left3A_171 = arith.constant 16 : i32
    %shift_left3A_172 = vector.broadcast %shift_left3A_171 : i32 to vector<128x256xi32>
    %shift_left3A_173 = arith.shli %slice3A_170, %shift_left3A_172 : vector<128x256xi32>
    %or3A_174 = arith.ori %slice3A_169, %shift_left3A_173 : vector<128x256xi32>
    %swap3A_175 = arith.constant 512 : index
    %swap3A_176 = arith.constant 0 : index
    %swap3A_177 = vector.load %arg3[%swap3A_175, %swap3A_176] : memref<2432x256xi32, #tpu.memory_space<vmem>>, vector<128x256xi32>
    tpu.vector_store %arg3[%swap3A_175, %swap3A_176], %or3A_174 {strides = array<i32>} : memref<2432x256xi32, #tpu.memory_space<vmem>>, vector<128x256xi32>,
    %slice3A_178 = vector.extract_strided_slice %exp3A {offsets = [5, 0, 0], sizes = [1, 128, 512], strides = [1, 1, 1]} : vector<19x128x512xf32> to vector<1x128x512xf32>
    %squeeze3A_179 = vector.shape_cast %slice3A_178 : vector<1x128x512xf32> to vector<128x512xf32>
    %mul3A_180 = arith.mulf %squeeze3A_179, %div3A_14 : vector<128x512xf32>
    %eq3A_181 = arith.constant 5 : i32
    %eq3A_182 = vector.broadcast %eq3A_181 : i32 to vector<128x512xi32>
    %eq3A_183 = arith.cmpi eq, %get3A_9, %eq3A_182 : vector<128x512xi32>
    %sub3A_184 = arith.constant 1.000000e+00 : f32
    %sub3A_185 = vector.broadcast %sub3A_184 : f32 to vector<128x512xf32>
    %sub3A_186 = arith.subf %sub3A_185, %mul3A_180 : vector<128x512xf32>
    %select_n3A_187 = arith.select %eq3A_183, %sub3A_186, %mul3A_180 : vector<128x512xi1>, vector<128x512xf32>
    %mul3A_188 = arith.constant 1.024000e+03 : f32
    %mul3A_189 = vector.broadcast %mul3A_188 : f32 to vector<128x512xf32>
    %mul3A_190 = arith.mulf %select_n3A_187, %mul3A_189 : vector<128x512xf32>
    %convert_element_type3A_191 = arith.fptosi %mul3A_190 : vector<128x512xf32> to vector<128x512xi32>
    %min3A_192 = arith.constant 1023 : i32
    %min3A_193 = vector.broadcast %min3A_192 : i32 to vector<128x512xi32>
    %min3A_194 = arith.minsi %convert_element_type3A_191, %min3A_193 : vector<128x512xi32>
    %jit3A_195 = arith.constant 19456 : i32
    %jit3A_196 = arith.constant 0 : i32
    %broadcast_in_dim3A_197 = vector.broadcast %jit3A_195 : i32 to vector<128x512xi32>
    %broadcast_in_dim3A_198 = vector.broadcast %jit3A_196 : i32 to vector<128x512xi32>
    %select_n3A_199 = arith.select %eq3A_183, %broadcast_in_dim3A_197, %broadcast_in_dim3A_198 : vector<128x512xi1>, vector<128x512xi32>
    %add3A_200 = arith.constant 5120 : i32
    %add3A_201 = vector.broadcast %add3A_200 : i32 to vector<128x512xi32>
    %add3A_202 = arith.addi %select_n3A_199, %add3A_201 : vector<128x512xi32>
    %add3A_203 = arith.addi %add3A_202, %min3A_194 : vector<128x512xi32>
    %slice3A_204 = vector.extract_strided_slice %add3A_203 {offsets = [0, 0], sizes = [128, 256], strides = [1, 1]} : vector<128x512xi32> to vector<128x256xi32>
    %slice3A_205 = vector.extract_strided_slice %add3A_203 {offsets = [0, 256], sizes = [128, 256], strides = [1, 1]} : vector<128x512xi32> to vector<128x256xi32>
    %shift_left3A_206 = arith.constant 16 : i32
    %shift_left3A_207 = vector.broadcast %shift_left3A_206 : i32 to vector<128x256xi32>
    %shift_left3A_208 = arith.shli %slice3A_205, %shift_left3A_207 : vector<128x256xi32>
    %or3A_209 = arith.ori %slice3A_204, %shift_left3A_208 : vector<128x256xi32>
    %swap3A_210 = arith.constant 640 : index
    %swap3A_211 = arith.constant 0 : index
    %swap3A_212 = vector.load %arg3[%swap3A_210, %swap3A_211] : memref<2432x256xi32, #tpu.memory_space<vmem>>, vector<128x256xi32>
    tpu.vector_store %arg3[%swap3A_210, %swap3A_211], %or3A_209 {strides = array<i32>} : memref<2432x256xi32, #tpu.memory_space<vmem>>, vector<128x256xi32>,
    %slice3A_213 = vector.extract_strided_slice %exp3A {offsets = [6, 0, 0], sizes = [1, 128, 512], strides = [1, 1, 1]} : vector<19x128x512xf32> to vector<1x128x512xf32>
    %squeeze3A_214 = vector.shape_cast %slice3A_213 : vector<1x128x512xf32> to vector<128x512xf32>
    %mul3A_215 = arith.mulf %squeeze3A_214, %div3A_14 : vector<128x512xf32>
    %eq3A_216 = arith.constant 6 : i32
    %eq3A_217 = vector.broadcast %eq3A_216 : i32 to vector<128x512xi32>
    %eq3A_218 = arith.cmpi eq, %get3A_9, %eq3A_217 : vector<128x512xi32>
    %sub3A_219 = arith.constant 1.000000e+00 : f32
    %sub3A_220 = vector.broadcast %sub3A_219 : f32 to vector<128x512xf32>
    %sub3A_221 = arith.subf %sub3A_220, %mul3A_215 : vector<128x512xf32>
    %select_n3A_222 = arith.select %eq3A_218, %sub3A_221, %mul3A_215 : vector<128x512xi1>, vector<128x512xf32>
    %mul3A_223 = arith.constant 1.024000e+03 : f32
    %mul3A_224 = vector.broadcast %mul3A_223 : f32 to vector<128x512xf32>
    %mul3A_225 = arith.mulf %select_n3A_222, %mul3A_224 : vector<128x512xf32>
    %convert_element_type3A_226 = arith.fptosi %mul3A_225 : vector<128x512xf32> to vector<128x512xi32>
    %min3A_227 = arith.constant 1023 : i32
    %min3A_228 = vector.broadcast %min3A_227 : i32 to vector<128x512xi32>
    %min3A_229 = arith.minsi %convert_element_type3A_226, %min3A_228 : vector<128x512xi32>
    %jit3A_230 = arith.constant 19456 : i32
    %jit3A_231 = arith.constant 0 : i32
    %broadcast_in_dim3A_232 = vector.broadcast %jit3A_230 : i32 to vector<128x512xi32>
    %broadcast_in_dim3A_233 = vector.broadcast %jit3A_231 : i32 to vector<128x512xi32>
    %select_n3A_234 = arith.select %eq3A_218, %broadcast_in_dim3A_232, %broadcast_in_dim3A_233 : vector<128x512xi1>, vector<128x512xi32>
    %add3A_235 = arith.constant 6144 : i32
    %add3A_236 = vector.broadcast %add3A_235 : i32 to vector<128x512xi32>
    %add3A_237 = arith.addi %select_n3A_234, %add3A_236 : vector<128x512xi32>
    %add3A_238 = arith.addi %add3A_237, %min3A_229 : vector<128x512xi32>
    %slice3A_239 = vector.extract_strided_slice %add3A_238 {offsets = [0, 0], sizes = [128, 256], strides = [1, 1]} : vector<128x512xi32> to vector<128x256xi32>
    %slice3A_240 = vector.extract_strided_slice %add3A_238 {offsets = [0, 256], sizes = [128, 256], strides = [1, 1]} : vector<128x512xi32> to vector<128x256xi32>
    %shift_left3A_241 = arith.constant 16 : i32
    %shift_left3A_242 = vector.broadcast %shift_left3A_241 : i32 to vector<128x256xi32>
    %shift_left3A_243 = arith.shli %slice3A_240, %shift_left3A_242 : vector<128x256xi32>
    %or3A_244 = arith.ori %slice3A_239, %shift_left3A_243 : vector<128x256xi32>
    %swap3A_245 = arith.constant 768 : index
    %swap3A_246 = arith.constant 0 : index
    %swap3A_247 = vector.load %arg3[%swap3A_245, %swap3A_246] : memref<2432x256xi32, #tpu.memory_space<vmem>>, vector<128x256xi32>
    tpu.vector_store %arg3[%swap3A_245, %swap3A_246], %or3A_244 {strides = array<i32>} : memref<2432x256xi32, #tpu.memory_space<vmem>>, vector<128x256xi32>,
    %slice3A_248 = vector.extract_strided_slice %exp3A {offsets = [7, 0, 0], sizes = [1, 128, 512], strides = [1, 1, 1]} : vector<19x128x512xf32> to vector<1x128x512xf32>
    %squeeze3A_249 = vector.shape_cast %slice3A_248 : vector<1x128x512xf32> to vector<128x512xf32>
    %mul3A_250 = arith.mulf %squeeze3A_249, %div3A_14 : vector<128x512xf32>
    %eq3A_251 = arith.constant 7 : i32
    %eq3A_252 = vector.broadcast %eq3A_251 : i32 to vector<128x512xi32>
    %eq3A_253 = arith.cmpi eq, %get3A_9, %eq3A_252 : vector<128x512xi32>
    %sub3A_254 = arith.constant 1.000000e+00 : f32
    %sub3A_255 = vector.broadcast %sub3A_254 : f32 to vector<128x512xf32>
    %sub3A_256 = arith.subf %sub3A_255, %mul3A_250 : vector<128x512xf32>
    %select_n3A_257 = arith.select %eq3A_253, %sub3A_256, %mul3A_250 : vector<128x512xi1>, vector<128x512xf32>
    %mul3A_258 = arith.constant 1.024000e+03 : f32
    %mul3A_259 = vector.broadcast %mul3A_258 : f32 to vector<128x512xf32>
    %mul3A_260 = arith.mulf %select_n3A_257, %mul3A_259 : vector<128x512xf32>
    %convert_element_type3A_261 = arith.fptosi %mul3A_260 : vector<128x512xf32> to vector<128x512xi32>
    %min3A_262 = arith.constant 1023 : i32
    %min3A_263 = vector.broadcast %min3A_262 : i32 to vector<128x512xi32>
    %min3A_264 = arith.minsi %convert_element_type3A_261, %min3A_263 : vector<128x512xi32>
    %jit3A_265 = arith.constant 19456 : i32
    %jit3A_266 = arith.constant 0 : i32
    %broadcast_in_dim3A_267 = vector.broadcast %jit3A_265 : i32 to vector<128x512xi32>
    %broadcast_in_dim3A_268 = vector.broadcast %jit3A_266 : i32 to vector<128x512xi32>
    %select_n3A_269 = arith.select %eq3A_253, %broadcast_in_dim3A_267, %broadcast_in_dim3A_268 : vector<128x512xi1>, vector<128x512xi32>
    %add3A_270 = arith.constant 7168 : i32
    %add3A_271 = vector.broadcast %add3A_270 : i32 to vector<128x512xi32>
    %add3A_272 = arith.addi %select_n3A_269, %add3A_271 : vector<128x512xi32>
    %add3A_273 = arith.addi %add3A_272, %min3A_264 : vector<128x512xi32>
    %slice3A_274 = vector.extract_strided_slice %add3A_273 {offsets = [0, 0], sizes = [128, 256], strides = [1, 1]} : vector<128x512xi32> to vector<128x256xi32>
    %slice3A_275 = vector.extract_strided_slice %add3A_273 {offsets = [0, 256], sizes = [128, 256], strides = [1, 1]} : vector<128x512xi32> to vector<128x256xi32>
    %shift_left3A_276 = arith.constant 16 : i32
    %shift_left3A_277 = vector.broadcast %shift_left3A_276 : i32 to vector<128x256xi32>
    %shift_left3A_278 = arith.shli %slice3A_275, %shift_left3A_277 : vector<128x256xi32>
    %or3A_279 = arith.ori %slice3A_274, %shift_left3A_278 : vector<128x256xi32>
    %swap3A_280 = arith.constant 896 : index
    %swap3A_281 = arith.constant 0 : index
    %swap3A_282 = vector.load %arg3[%swap3A_280, %swap3A_281] : memref<2432x256xi32, #tpu.memory_space<vmem>>, vector<128x256xi32>
    tpu.vector_store %arg3[%swap3A_280, %swap3A_281], %or3A_279 {strides = array<i32>} : memref<2432x256xi32, #tpu.memory_space<vmem>>, vector<128x256xi32>,
    %slice3A_283 = vector.extract_strided_slice %exp3A {offsets = [8, 0, 0], sizes = [1, 128, 512], strides = [1, 1, 1]} : vector<19x128x512xf32> to vector<1x128x512xf32>
    %squeeze3A_284 = vector.shape_cast %slice3A_283 : vector<1x128x512xf32> to vector<128x512xf32>
    %mul3A_285 = arith.mulf %squeeze3A_284, %div3A_14 : vector<128x512xf32>
    %eq3A_286 = arith.constant 8 : i32
    %eq3A_287 = vector.broadcast %eq3A_286 : i32 to vector<128x512xi32>
    %eq3A_288 = arith.cmpi eq, %get3A_9, %eq3A_287 : vector<128x512xi32>
    %sub3A_289 = arith.constant 1.000000e+00 : f32
    %sub3A_290 = vector.broadcast %sub3A_289 : f32 to vector<128x512xf32>
    %sub3A_291 = arith.subf %sub3A_290, %mul3A_285 : vector<128x512xf32>
    %select_n3A_292 = arith.select %eq3A_288, %sub3A_291, %mul3A_285 : vector<128x512xi1>, vector<128x512xf32>
    %mul3A_293 = arith.constant 1.024000e+03 : f32
    %mul3A_294 = vector.broadcast %mul3A_293 : f32 to vector<128x512xf32>
    %mul3A_295 = arith.mulf %select_n3A_292, %mul3A_294 : vector<128x512xf32>
    %convert_element_type3A_296 = arith.fptosi %mul3A_295 : vector<128x512xf32> to vector<128x512xi32>
    %min3A_297 = arith.constant 1023 : i32
    %min3A_298 = vector.broadcast %min3A_297 : i32 to vector<128x512xi32>
    %min3A_299 = arith.minsi %convert_element_type3A_296, %min3A_298 : vector<128x512xi32>
    %jit3A_300 = arith.constant 19456 : i32
    %jit3A_301 = arith.constant 0 : i32
    %broadcast_in_dim3A_302 = vector.broadcast %jit3A_300 : i32 to vector<128x512xi32>
    %broadcast_in_dim3A_303 = vector.broadcast %jit3A_301 : i32 to vector<128x512xi32>
    %select_n3A_304 = arith.select %eq3A_288, %broadcast_in_dim3A_302, %broadcast_in_dim3A_303 : vector<128x512xi1>, vector<128x512xi32>
    %add3A_305 = arith.constant 8192 : i32
    %add3A_306 = vector.broadcast %add3A_305 : i32 to vector<128x512xi32>
    %add3A_307 = arith.addi %select_n3A_304, %add3A_306 : vector<128x512xi32>
    %add3A_308 = arith.addi %add3A_307, %min3A_299 : vector<128x512xi32>
    %slice3A_309 = vector.extract_strided_slice %add3A_308 {offsets = [0, 0], sizes = [128, 256], strides = [1, 1]} : vector<128x512xi32> to vector<128x256xi32>
    %slice3A_310 = vector.extract_strided_slice %add3A_308 {offsets = [0, 256], sizes = [128, 256], strides = [1, 1]} : vector<128x512xi32> to vector<128x256xi32>
    %shift_left3A_311 = arith.constant 16 : i32
    %shift_left3A_312 = vector.broadcast %shift_left3A_311 : i32 to vector<128x256xi32>
    %shift_left3A_313 = arith.shli %slice3A_310, %shift_left3A_312 : vector<128x256xi32>
    %or3A_314 = arith.ori %slice3A_309, %shift_left3A_313 : vector<128x256xi32>
    %swap3A_315 = arith.constant 1024 : index
    %swap3A_316 = arith.constant 0 : index
    %swap3A_317 = vector.load %arg3[%swap3A_315, %swap3A_316] : memref<2432x256xi32, #tpu.memory_space<vmem>>, vector<128x256xi32>
    tpu.vector_store %arg3[%swap3A_315, %swap3A_316], %or3A_314 {strides = array<i32>} : memref<2432x256xi32, #tpu.memory_space<vmem>>, vector<128x256xi32>,
    %slice3A_318 = vector.extract_strided_slice %exp3A {offsets = [9, 0, 0], sizes = [1, 128, 512], strides = [1, 1, 1]} : vector<19x128x512xf32> to vector<1x128x512xf32>
    %squeeze3A_319 = vector.shape_cast %slice3A_318 : vector<1x128x512xf32> to vector<128x512xf32>
    %mul3A_320 = arith.mulf %squeeze3A_319, %div3A_14 : vector<128x512xf32>
    %eq3A_321 = arith.constant 9 : i32
    %eq3A_322 = vector.broadcast %eq3A_321 : i32 to vector<128x512xi32>
    %eq3A_323 = arith.cmpi eq, %get3A_9, %eq3A_322 : vector<128x512xi32>
    %sub3A_324 = arith.constant 1.000000e+00 : f32
    %sub3A_325 = vector.broadcast %sub3A_324 : f32 to vector<128x512xf32>
    %sub3A_326 = arith.subf %sub3A_325, %mul3A_320 : vector<128x512xf32>
    %select_n3A_327 = arith.select %eq3A_323, %sub3A_326, %mul3A_320 : vector<128x512xi1>, vector<128x512xf32>
    %mul3A_328 = arith.constant 1.024000e+03 : f32
    %mul3A_329 = vector.broadcast %mul3A_328 : f32 to vector<128x512xf32>
    %mul3A_330 = arith.mulf %select_n3A_327, %mul3A_329 : vector<128x512xf32>
    %convert_element_type3A_331 = arith.fptosi %mul3A_330 : vector<128x512xf32> to vector<128x512xi32>
    %min3A_332 = arith.constant 1023 : i32
    %min3A_333 = vector.broadcast %min3A_332 : i32 to vector<128x512xi32>
    %min3A_334 = arith.minsi %convert_element_type3A_331, %min3A_333 : vector<128x512xi32>
    %jit3A_335 = arith.constant 19456 : i32
    %jit3A_336 = arith.constant 0 : i32
    %broadcast_in_dim3A_337 = vector.broadcast %jit3A_335 : i32 to vector<128x512xi32>
    %broadcast_in_dim3A_338 = vector.broadcast %jit3A_336 : i32 to vector<128x512xi32>
    %select_n3A_339 = arith.select %eq3A_323, %broadcast_in_dim3A_337, %broadcast_in_dim3A_338 : vector<128x512xi1>, vector<128x512xi32>
    %add3A_340 = arith.constant 9216 : i32
    %add3A_341 = vector.broadcast %add3A_340 : i32 to vector<128x512xi32>
    %add3A_342 = arith.addi %select_n3A_339, %add3A_341 : vector<128x512xi32>
    %add3A_343 = arith.addi %add3A_342, %min3A_334 : vector<128x512xi32>
    %slice3A_344 = vector.extract_strided_slice %add3A_343 {offsets = [0, 0], sizes = [128, 256], strides = [1, 1]} : vector<128x512xi32> to vector<128x256xi32>
    %slice3A_345 = vector.extract_strided_slice %add3A_343 {offsets = [0, 256], sizes = [128, 256], strides = [1, 1]} : vector<128x512xi32> to vector<128x256xi32>
    %shift_left3A_346 = arith.constant 16 : i32
    %shift_left3A_347 = vector.broadcast %shift_left3A_346 : i32 to vector<128x256xi32>
    %shift_left3A_348 = arith.shli %slice3A_345, %shift_left3A_347 : vector<128x256xi32>
    %or3A_349 = arith.ori %slice3A_344, %shift_left3A_348 : vector<128x256xi32>
    %swap3A_350 = arith.constant 1152 : index
    %swap3A_351 = arith.constant 0 : index
    %swap3A_352 = vector.load %arg3[%swap3A_350, %swap3A_351] : memref<2432x256xi32, #tpu.memory_space<vmem>>, vector<128x256xi32>
    tpu.vector_store %arg3[%swap3A_350, %swap3A_351], %or3A_349 {strides = array<i32>} : memref<2432x256xi32, #tpu.memory_space<vmem>>, vector<128x256xi32>,
    %slice3A_353 = vector.extract_strided_slice %exp3A {offsets = [10, 0, 0], sizes = [1, 128, 512], strides = [1, 1, 1]} : vector<19x128x512xf32> to vector<1x128x512xf32>
    %squeeze3A_354 = vector.shape_cast %slice3A_353 : vector<1x128x512xf32> to vector<128x512xf32>
    %mul3A_355 = arith.mulf %squeeze3A_354, %div3A_14 : vector<128x512xf32>
    %eq3A_356 = arith.constant 10 : i32
    %eq3A_357 = vector.broadcast %eq3A_356 : i32 to vector<128x512xi32>
    %eq3A_358 = arith.cmpi eq, %get3A_9, %eq3A_357 : vector<128x512xi32>
    %sub3A_359 = arith.constant 1.000000e+00 : f32
    %sub3A_360 = vector.broadcast %sub3A_359 : f32 to vector<128x512xf32>
    %sub3A_361 = arith.subf %sub3A_360, %mul3A_355 : vector<128x512xf32>
    %select_n3A_362 = arith.select %eq3A_358, %sub3A_361, %mul3A_355 : vector<128x512xi1>, vector<128x512xf32>
    %mul3A_363 = arith.constant 1.024000e+03 : f32
    %mul3A_364 = vector.broadcast %mul3A_363 : f32 to vector<128x512xf32>
    %mul3A_365 = arith.mulf %select_n3A_362, %mul3A_364 : vector<128x512xf32>
    %convert_element_type3A_366 = arith.fptosi %mul3A_365 : vector<128x512xf32> to vector<128x512xi32>
    %min3A_367 = arith.constant 1023 : i32
    %min3A_368 = vector.broadcast %min3A_367 : i32 to vector<128x512xi32>
    %min3A_369 = arith.minsi %convert_element_type3A_366, %min3A_368 : vector<128x512xi32>
    %jit3A_370 = arith.constant 19456 : i32
    %jit3A_371 = arith.constant 0 : i32
    %broadcast_in_dim3A_372 = vector.broadcast %jit3A_370 : i32 to vector<128x512xi32>
    %broadcast_in_dim3A_373 = vector.broadcast %jit3A_371 : i32 to vector<128x512xi32>
    %select_n3A_374 = arith.select %eq3A_358, %broadcast_in_dim3A_372, %broadcast_in_dim3A_373 : vector<128x512xi1>, vector<128x512xi32>
    %add3A_375 = arith.constant 10240 : i32
    %add3A_376 = vector.broadcast %add3A_375 : i32 to vector<128x512xi32>
    %add3A_377 = arith.addi %select_n3A_374, %add3A_376 : vector<128x512xi32>
    %add3A_378 = arith.addi %add3A_377, %min3A_369 : vector<128x512xi32>
    %slice3A_379 = vector.extract_strided_slice %add3A_378 {offsets = [0, 0], sizes = [128, 256], strides = [1, 1]} : vector<128x512xi32> to vector<128x256xi32>
    %slice3A_380 = vector.extract_strided_slice %add3A_378 {offsets = [0, 256], sizes = [128, 256], strides = [1, 1]} : vector<128x512xi32> to vector<128x256xi32>
    %shift_left3A_381 = arith.constant 16 : i32
    %shift_left3A_382 = vector.broadcast %shift_left3A_381 : i32 to vector<128x256xi32>
    %shift_left3A_383 = arith.shli %slice3A_380, %shift_left3A_382 : vector<128x256xi32>
    %or3A_384 = arith.ori %slice3A_379, %shift_left3A_383 : vector<128x256xi32>
    %swap3A_385 = arith.constant 1280 : index
    %swap3A_386 = arith.constant 0 : index
    %swap3A_387 = vector.load %arg3[%swap3A_385, %swap3A_386] : memref<2432x256xi32, #tpu.memory_space<vmem>>, vector<128x256xi32>
    tpu.vector_store %arg3[%swap3A_385, %swap3A_386], %or3A_384 {strides = array<i32>} : memref<2432x256xi32, #tpu.memory_space<vmem>>, vector<128x256xi32>,
    %slice3A_388 = vector.extract_strided_slice %exp3A {offsets = [11, 0, 0], sizes = [1, 128, 512], strides = [1, 1, 1]} : vector<19x128x512xf32> to vector<1x128x512xf32>
    %squeeze3A_389 = vector.shape_cast %slice3A_388 : vector<1x128x512xf32> to vector<128x512xf32>
    %mul3A_390 = arith.mulf %squeeze3A_389, %div3A_14 : vector<128x512xf32>
    %eq3A_391 = arith.constant 11 : i32
    %eq3A_392 = vector.broadcast %eq3A_391 : i32 to vector<128x512xi32>
    %eq3A_393 = arith.cmpi eq, %get3A_9, %eq3A_392 : vector<128x512xi32>
    %sub3A_394 = arith.constant 1.000000e+00 : f32
    %sub3A_395 = vector.broadcast %sub3A_394 : f32 to vector<128x512xf32>
    %sub3A_396 = arith.subf %sub3A_395, %mul3A_390 : vector<128x512xf32>
    %select_n3A_397 = arith.select %eq3A_393, %sub3A_396, %mul3A_390 : vector<128x512xi1>, vector<128x512xf32>
    %mul3A_398 = arith.constant 1.024000e+03 : f32
    %mul3A_399 = vector.broadcast %mul3A_398 : f32 to vector<128x512xf32>
    %mul3A_400 = arith.mulf %select_n3A_397, %mul3A_399 : vector<128x512xf32>
    %convert_element_type3A_401 = arith.fptosi %mul3A_400 : vector<128x512xf32> to vector<128x512xi32>
    %min3A_402 = arith.constant 1023 : i32
    %min3A_403 = vector.broadcast %min3A_402 : i32 to vector<128x512xi32>
    %min3A_404 = arith.minsi %convert_element_type3A_401, %min3A_403 : vector<128x512xi32>
    %jit3A_405 = arith.constant 19456 : i32
    %jit3A_406 = arith.constant 0 : i32
    %broadcast_in_dim3A_407 = vector.broadcast %jit3A_405 : i32 to vector<128x512xi32>
    %broadcast_in_dim3A_408 = vector.broadcast %jit3A_406 : i32 to vector<128x512xi32>
    %select_n3A_409 = arith.select %eq3A_393, %broadcast_in_dim3A_407, %broadcast_in_dim3A_408 : vector<128x512xi1>, vector<128x512xi32>
    %add3A_410 = arith.constant 11264 : i32
    %add3A_411 = vector.broadcast %add3A_410 : i32 to vector<128x512xi32>
    %add3A_412 = arith.addi %select_n3A_409, %add3A_411 : vector<128x512xi32>
    %add3A_413 = arith.addi %add3A_412, %min3A_404 : vector<128x512xi32>
    %slice3A_414 = vector.extract_strided_slice %add3A_413 {offsets = [0, 0], sizes = [128, 256], strides = [1, 1]} : vector<128x512xi32> to vector<128x256xi32>
    %slice3A_415 = vector.extract_strided_slice %add3A_413 {offsets = [0, 256], sizes = [128, 256], strides = [1, 1]} : vector<128x512xi32> to vector<128x256xi32>
    %shift_left3A_416 = arith.constant 16 : i32
    %shift_left3A_417 = vector.broadcast %shift_left3A_416 : i32 to vector<128x256xi32>
    %shift_left3A_418 = arith.shli %slice3A_415, %shift_left3A_417 : vector<128x256xi32>
    %or3A_419 = arith.ori %slice3A_414, %shift_left3A_418 : vector<128x256xi32>
    %swap3A_420 = arith.constant 1408 : index
    %swap3A_421 = arith.constant 0 : index
    %swap3A_422 = vector.load %arg3[%swap3A_420, %swap3A_421] : memref<2432x256xi32, #tpu.memory_space<vmem>>, vector<128x256xi32>
    tpu.vector_store %arg3[%swap3A_420, %swap3A_421], %or3A_419 {strides = array<i32>} : memref<2432x256xi32, #tpu.memory_space<vmem>>, vector<128x256xi32>,
    %slice3A_423 = vector.extract_strided_slice %exp3A {offsets = [12, 0, 0], sizes = [1, 128, 512], strides = [1, 1, 1]} : vector<19x128x512xf32> to vector<1x128x512xf32>
    %squeeze3A_424 = vector.shape_cast %slice3A_423 : vector<1x128x512xf32> to vector<128x512xf32>
    %mul3A_425 = arith.mulf %squeeze3A_424, %div3A_14 : vector<128x512xf32>
    %eq3A_426 = arith.constant 12 : i32
    %eq3A_427 = vector.broadcast %eq3A_426 : i32 to vector<128x512xi32>
    %eq3A_428 = arith.cmpi eq, %get3A_9, %eq3A_427 : vector<128x512xi32>
    %sub3A_429 = arith.constant 1.000000e+00 : f32
    %sub3A_430 = vector.broadcast %sub3A_429 : f32 to vector<128x512xf32>
    %sub3A_431 = arith.subf %sub3A_430, %mul3A_425 : vector<128x512xf32>
    %select_n3A_432 = arith.select %eq3A_428, %sub3A_431, %mul3A_425 : vector<128x512xi1>, vector<128x512xf32>
    %mul3A_433 = arith.constant 1.024000e+03 : f32
    %mul3A_434 = vector.broadcast %mul3A_433 : f32 to vector<128x512xf32>
    %mul3A_435 = arith.mulf %select_n3A_432, %mul3A_434 : vector<128x512xf32>
    %convert_element_type3A_436 = arith.fptosi %mul3A_435 : vector<128x512xf32> to vector<128x512xi32>
    %min3A_437 = arith.constant 1023 : i32
    %min3A_438 = vector.broadcast %min3A_437 : i32 to vector<128x512xi32>
    %min3A_439 = arith.minsi %convert_element_type3A_436, %min3A_438 : vector<128x512xi32>
    %jit3A_440 = arith.constant 19456 : i32
    %jit3A_441 = arith.constant 0 : i32
    %broadcast_in_dim3A_442 = vector.broadcast %jit3A_440 : i32 to vector<128x512xi32>
    %broadcast_in_dim3A_443 = vector.broadcast %jit3A_441 : i32 to vector<128x512xi32>
    %select_n3A_444 = arith.select %eq3A_428, %broadcast_in_dim3A_442, %broadcast_in_dim3A_443 : vector<128x512xi1>, vector<128x512xi32>
    %add3A_445 = arith.constant 12288 : i32
    %add3A_446 = vector.broadcast %add3A_445 : i32 to vector<128x512xi32>
    %add3A_447 = arith.addi %select_n3A_444, %add3A_446 : vector<128x512xi32>
    %add3A_448 = arith.addi %add3A_447, %min3A_439 : vector<128x512xi32>
    %slice3A_449 = vector.extract_strided_slice %add3A_448 {offsets = [0, 0], sizes = [128, 256], strides = [1, 1]} : vector<128x512xi32> to vector<128x256xi32>
    %slice3A_450 = vector.extract_strided_slice %add3A_448 {offsets = [0, 256], sizes = [128, 256], strides = [1, 1]} : vector<128x512xi32> to vector<128x256xi32>
    %shift_left3A_451 = arith.constant 16 : i32
    %shift_left3A_452 = vector.broadcast %shift_left3A_451 : i32 to vector<128x256xi32>
    %shift_left3A_453 = arith.shli %slice3A_450, %shift_left3A_452 : vector<128x256xi32>
    %or3A_454 = arith.ori %slice3A_449, %shift_left3A_453 : vector<128x256xi32>
    %swap3A_455 = arith.constant 1536 : index
    %swap3A_456 = arith.constant 0 : index
    %swap3A_457 = vector.load %arg3[%swap3A_455, %swap3A_456] : memref<2432x256xi32, #tpu.memory_space<vmem>>, vector<128x256xi32>
    tpu.vector_store %arg3[%swap3A_455, %swap3A_456], %or3A_454 {strides = array<i32>} : memref<2432x256xi32, #tpu.memory_space<vmem>>, vector<128x256xi32>,
    %slice3A_458 = vector.extract_strided_slice %exp3A {offsets = [13, 0, 0], sizes = [1, 128, 512], strides = [1, 1, 1]} : vector<19x128x512xf32> to vector<1x128x512xf32>
    %squeeze3A_459 = vector.shape_cast %slice3A_458 : vector<1x128x512xf32> to vector<128x512xf32>
    %mul3A_460 = arith.mulf %squeeze3A_459, %div3A_14 : vector<128x512xf32>
    %eq3A_461 = arith.constant 13 : i32
    %eq3A_462 = vector.broadcast %eq3A_461 : i32 to vector<128x512xi32>
    %eq3A_463 = arith.cmpi eq, %get3A_9, %eq3A_462 : vector<128x512xi32>
    %sub3A_464 = arith.constant 1.000000e+00 : f32
    %sub3A_465 = vector.broadcast %sub3A_464 : f32 to vector<128x512xf32>
    %sub3A_466 = arith.subf %sub3A_465, %mul3A_460 : vector<128x512xf32>
    %select_n3A_467 = arith.select %eq3A_463, %sub3A_466, %mul3A_460 : vector<128x512xi1>, vector<128x512xf32>
    %mul3A_468 = arith.constant 1.024000e+03 : f32
    %mul3A_469 = vector.broadcast %mul3A_468 : f32 to vector<128x512xf32>
    %mul3A_470 = arith.mulf %select_n3A_467, %mul3A_469 : vector<128x512xf32>
    %convert_element_type3A_471 = arith.fptosi %mul3A_470 : vector<128x512xf32> to vector<128x512xi32>
    %min3A_472 = arith.constant 1023 : i32
    %min3A_473 = vector.broadcast %min3A_472 : i32 to vector<128x512xi32>
    %min3A_474 = arith.minsi %convert_element_type3A_471, %min3A_473 : vector<128x512xi32>
    %jit3A_475 = arith.constant 19456 : i32
    %jit3A_476 = arith.constant 0 : i32
    %broadcast_in_dim3A_477 = vector.broadcast %jit3A_475 : i32 to vector<128x512xi32>
    %broadcast_in_dim3A_478 = vector.broadcast %jit3A_476 : i32 to vector<128x512xi32>
    %select_n3A_479 = arith.select %eq3A_463, %broadcast_in_dim3A_477, %broadcast_in_dim3A_478 : vector<128x512xi1>, vector<128x512xi32>
    %add3A_480 = arith.constant 13312 : i32
    %add3A_481 = vector.broadcast %add3A_480 : i32 to vector<128x512xi32>
    %add3A_482 = arith.addi %select_n3A_479, %add3A_481 : vector<128x512xi32>
    %add3A_483 = arith.addi %add3A_482, %min3A_474 : vector<128x512xi32>
    %slice3A_484 = vector.extract_strided_slice %add3A_483 {offsets = [0, 0], sizes = [128, 256], strides = [1, 1]} : vector<128x512xi32> to vector<128x256xi32>
    %slice3A_485 = vector.extract_strided_slice %add3A_483 {offsets = [0, 256], sizes = [128, 256], strides = [1, 1]} : vector<128x512xi32> to vector<128x256xi32>
    %shift_left3A_486 = arith.constant 16 : i32
    %shift_left3A_487 = vector.broadcast %shift_left3A_486 : i32 to vector<128x256xi32>
    %shift_left3A_488 = arith.shli %slice3A_485, %shift_left3A_487 : vector<128x256xi32>
    %or3A_489 = arith.ori %slice3A_484, %shift_left3A_488 : vector<128x256xi32>
    %swap3A_490 = arith.constant 1664 : index
    %swap3A_491 = arith.constant 0 : index
    %swap3A_492 = vector.load %arg3[%swap3A_490, %swap3A_491] : memref<2432x256xi32, #tpu.memory_space<vmem>>, vector<128x256xi32>
    tpu.vector_store %arg3[%swap3A_490, %swap3A_491], %or3A_489 {strides = array<i32>} : memref<2432x256xi32, #tpu.memory_space<vmem>>, vector<128x256xi32>,
    %slice3A_493 = vector.extract_strided_slice %exp3A {offsets = [14, 0, 0], sizes = [1, 128, 512], strides = [1, 1, 1]} : vector<19x128x512xf32> to vector<1x128x512xf32>
    %squeeze3A_494 = vector.shape_cast %slice3A_493 : vector<1x128x512xf32> to vector<128x512xf32>
    %mul3A_495 = arith.mulf %squeeze3A_494, %div3A_14 : vector<128x512xf32>
    %eq3A_496 = arith.constant 14 : i32
    %eq3A_497 = vector.broadcast %eq3A_496 : i32 to vector<128x512xi32>
    %eq3A_498 = arith.cmpi eq, %get3A_9, %eq3A_497 : vector<128x512xi32>
    %sub3A_499 = arith.constant 1.000000e+00 : f32
    %sub3A_500 = vector.broadcast %sub3A_499 : f32 to vector<128x512xf32>
    %sub3A_501 = arith.subf %sub3A_500, %mul3A_495 : vector<128x512xf32>
    %select_n3A_502 = arith.select %eq3A_498, %sub3A_501, %mul3A_495 : vector<128x512xi1>, vector<128x512xf32>
    %mul3A_503 = arith.constant 1.024000e+03 : f32
    %mul3A_504 = vector.broadcast %mul3A_503 : f32 to vector<128x512xf32>
    %mul3A_505 = arith.mulf %select_n3A_502, %mul3A_504 : vector<128x512xf32>
    %convert_element_type3A_506 = arith.fptosi %mul3A_505 : vector<128x512xf32> to vector<128x512xi32>
    %min3A_507 = arith.constant 1023 : i32
    %min3A_508 = vector.broadcast %min3A_507 : i32 to vector<128x512xi32>
    %min3A_509 = arith.minsi %convert_element_type3A_506, %min3A_508 : vector<128x512xi32>
    %jit3A_510 = arith.constant 19456 : i32
    %jit3A_511 = arith.constant 0 : i32
    %broadcast_in_dim3A_512 = vector.broadcast %jit3A_510 : i32 to vector<128x512xi32>
    %broadcast_in_dim3A_513 = vector.broadcast %jit3A_511 : i32 to vector<128x512xi32>
    %select_n3A_514 = arith.select %eq3A_498, %broadcast_in_dim3A_512, %broadcast_in_dim3A_513 : vector<128x512xi1>, vector<128x512xi32>
    %add3A_515 = arith.constant 14336 : i32
    %add3A_516 = vector.broadcast %add3A_515 : i32 to vector<128x512xi32>
    %add3A_517 = arith.addi %select_n3A_514, %add3A_516 : vector<128x512xi32>
    %add3A_518 = arith.addi %add3A_517, %min3A_509 : vector<128x512xi32>
    %slice3A_519 = vector.extract_strided_slice %add3A_518 {offsets = [0, 0], sizes = [128, 256], strides = [1, 1]} : vector<128x512xi32> to vector<128x256xi32>
    %slice3A_520 = vector.extract_strided_slice %add3A_518 {offsets = [0, 256], sizes = [128, 256], strides = [1, 1]} : vector<128x512xi32> to vector<128x256xi32>
    %shift_left3A_521 = arith.constant 16 : i32
    %shift_left3A_522 = vector.broadcast %shift_left3A_521 : i32 to vector<128x256xi32>
    %shift_left3A_523 = arith.shli %slice3A_520, %shift_left3A_522 : vector<128x256xi32>
    %or3A_524 = arith.ori %slice3A_519, %shift_left3A_523 : vector<128x256xi32>
    %swap3A_525 = arith.constant 1792 : index
    %swap3A_526 = arith.constant 0 : index
    %swap3A_527 = vector.load %arg3[%swap3A_525, %swap3A_526] : memref<2432x256xi32, #tpu.memory_space<vmem>>, vector<128x256xi32>
    tpu.vector_store %arg3[%swap3A_525, %swap3A_526], %or3A_524 {strides = array<i32>} : memref<2432x256xi32, #tpu.memory_space<vmem>>, vector<128x256xi32>,
    %slice3A_528 = vector.extract_strided_slice %exp3A {offsets = [15, 0, 0], sizes = [1, 128, 512], strides = [1, 1, 1]} : vector<19x128x512xf32> to vector<1x128x512xf32>
    %squeeze3A_529 = vector.shape_cast %slice3A_528 : vector<1x128x512xf32> to vector<128x512xf32>
    %mul3A_530 = arith.mulf %squeeze3A_529, %div3A_14 : vector<128x512xf32>
    %eq3A_531 = arith.constant 15 : i32
    %eq3A_532 = vector.broadcast %eq3A_531 : i32 to vector<128x512xi32>
    %eq3A_533 = arith.cmpi eq, %get3A_9, %eq3A_532 : vector<128x512xi32>
    %sub3A_534 = arith.constant 1.000000e+00 : f32
    %sub3A_535 = vector.broadcast %sub3A_534 : f32 to vector<128x512xf32>
    %sub3A_536 = arith.subf %sub3A_535, %mul3A_530 : vector<128x512xf32>
    %select_n3A_537 = arith.select %eq3A_533, %sub3A_536, %mul3A_530 : vector<128x512xi1>, vector<128x512xf32>
    %mul3A_538 = arith.constant 1.024000e+03 : f32
    %mul3A_539 = vector.broadcast %mul3A_538 : f32 to vector<128x512xf32>
    %mul3A_540 = arith.mulf %select_n3A_537, %mul3A_539 : vector<128x512xf32>
    %convert_element_type3A_541 = arith.fptosi %mul3A_540 : vector<128x512xf32> to vector<128x512xi32>
    %min3A_542 = arith.constant 1023 : i32
    %min3A_543 = vector.broadcast %min3A_542 : i32 to vector<128x512xi32>
    %min3A_544 = arith.minsi %convert_element_type3A_541, %min3A_543 : vector<128x512xi32>
    %jit3A_545 = arith.constant 19456 : i32
    %jit3A_546 = arith.constant 0 : i32
    %broadcast_in_dim3A_547 = vector.broadcast %jit3A_545 : i32 to vector<128x512xi32>
    %broadcast_in_dim3A_548 = vector.broadcast %jit3A_546 : i32 to vector<128x512xi32>
    %select_n3A_549 = arith.select %eq3A_533, %broadcast_in_dim3A_547, %broadcast_in_dim3A_548 : vector<128x512xi1>, vector<128x512xi32>
    %add3A_550 = arith.constant 15360 : i32
    %add3A_551 = vector.broadcast %add3A_550 : i32 to vector<128x512xi32>
    %add3A_552 = arith.addi %select_n3A_549, %add3A_551 : vector<128x512xi32>
    %add3A_553 = arith.addi %add3A_552, %min3A_544 : vector<128x512xi32>
    %slice3A_554 = vector.extract_strided_slice %add3A_553 {offsets = [0, 0], sizes = [128, 256], strides = [1, 1]} : vector<128x512xi32> to vector<128x256xi32>
    %slice3A_555 = vector.extract_strided_slice %add3A_553 {offsets = [0, 256], sizes = [128, 256], strides = [1, 1]} : vector<128x512xi32> to vector<128x256xi32>
    %shift_left3A_556 = arith.constant 16 : i32
    %shift_left3A_557 = vector.broadcast %shift_left3A_556 : i32 to vector<128x256xi32>
    %shift_left3A_558 = arith.shli %slice3A_555, %shift_left3A_557 : vector<128x256xi32>
    %or3A_559 = arith.ori %slice3A_554, %shift_left3A_558 : vector<128x256xi32>
    %swap3A_560 = arith.constant 1920 : index
    %swap3A_561 = arith.constant 0 : index
    %swap3A_562 = vector.load %arg3[%swap3A_560, %swap3A_561] : memref<2432x256xi32, #tpu.memory_space<vmem>>, vector<128x256xi32>
    tpu.vector_store %arg3[%swap3A_560, %swap3A_561], %or3A_559 {strides = array<i32>} : memref<2432x256xi32, #tpu.memory_space<vmem>>, vector<128x256xi32>,
    %slice3A_563 = vector.extract_strided_slice %exp3A {offsets = [16, 0, 0], sizes = [1, 128, 512], strides = [1, 1, 1]} : vector<19x128x512xf32> to vector<1x128x512xf32>
    %squeeze3A_564 = vector.shape_cast %slice3A_563 : vector<1x128x512xf32> to vector<128x512xf32>
    %mul3A_565 = arith.mulf %squeeze3A_564, %div3A_14 : vector<128x512xf32>
    %eq3A_566 = arith.constant 16 : i32
    %eq3A_567 = vector.broadcast %eq3A_566 : i32 to vector<128x512xi32>
    %eq3A_568 = arith.cmpi eq, %get3A_9, %eq3A_567 : vector<128x512xi32>
    %sub3A_569 = arith.constant 1.000000e+00 : f32
    %sub3A_570 = vector.broadcast %sub3A_569 : f32 to vector<128x512xf32>
    %sub3A_571 = arith.subf %sub3A_570, %mul3A_565 : vector<128x512xf32>
    %select_n3A_572 = arith.select %eq3A_568, %sub3A_571, %mul3A_565 : vector<128x512xi1>, vector<128x512xf32>
    %mul3A_573 = arith.constant 1.024000e+03 : f32
    %mul3A_574 = vector.broadcast %mul3A_573 : f32 to vector<128x512xf32>
    %mul3A_575 = arith.mulf %select_n3A_572, %mul3A_574 : vector<128x512xf32>
    %convert_element_type3A_576 = arith.fptosi %mul3A_575 : vector<128x512xf32> to vector<128x512xi32>
    %min3A_577 = arith.constant 1023 : i32
    %min3A_578 = vector.broadcast %min3A_577 : i32 to vector<128x512xi32>
    %min3A_579 = arith.minsi %convert_element_type3A_576, %min3A_578 : vector<128x512xi32>
    %jit3A_580 = arith.constant 19456 : i32
    %jit3A_581 = arith.constant 0 : i32
    %broadcast_in_dim3A_582 = vector.broadcast %jit3A_580 : i32 to vector<128x512xi32>
    %broadcast_in_dim3A_583 = vector.broadcast %jit3A_581 : i32 to vector<128x512xi32>
    %select_n3A_584 = arith.select %eq3A_568, %broadcast_in_dim3A_582, %broadcast_in_dim3A_583 : vector<128x512xi1>, vector<128x512xi32>
    %add3A_585 = arith.constant 16384 : i32
    %add3A_586 = vector.broadcast %add3A_585 : i32 to vector<128x512xi32>
    %add3A_587 = arith.addi %select_n3A_584, %add3A_586 : vector<128x512xi32>
    %add3A_588 = arith.addi %add3A_587, %min3A_579 : vector<128x512xi32>
    %slice3A_589 = vector.extract_strided_slice %add3A_588 {offsets = [0, 0], sizes = [128, 256], strides = [1, 1]} : vector<128x512xi32> to vector<128x256xi32>
    %slice3A_590 = vector.extract_strided_slice %add3A_588 {offsets = [0, 256], sizes = [128, 256], strides = [1, 1]} : vector<128x512xi32> to vector<128x256xi32>
    %shift_left3A_591 = arith.constant 16 : i32
    %shift_left3A_592 = vector.broadcast %shift_left3A_591 : i32 to vector<128x256xi32>
    %shift_left3A_593 = arith.shli %slice3A_590, %shift_left3A_592 : vector<128x256xi32>
    %or3A_594 = arith.ori %slice3A_589, %shift_left3A_593 : vector<128x256xi32>
    %swap3A_595 = arith.constant 2048 : index
    %swap3A_596 = arith.constant 0 : index
    %swap3A_597 = vector.load %arg3[%swap3A_595, %swap3A_596] : memref<2432x256xi32, #tpu.memory_space<vmem>>, vector<128x256xi32>
    tpu.vector_store %arg3[%swap3A_595, %swap3A_596], %or3A_594 {strides = array<i32>} : memref<2432x256xi32, #tpu.memory_space<vmem>>, vector<128x256xi32>,
    %slice3A_598 = vector.extract_strided_slice %exp3A {offsets = [17, 0, 0], sizes = [1, 128, 512], strides = [1, 1, 1]} : vector<19x128x512xf32> to vector<1x128x512xf32>
    %squeeze3A_599 = vector.shape_cast %slice3A_598 : vector<1x128x512xf32> to vector<128x512xf32>
    %mul3A_600 = arith.mulf %squeeze3A_599, %div3A_14 : vector<128x512xf32>
    %eq3A_601 = arith.constant 17 : i32
    %eq3A_602 = vector.broadcast %eq3A_601 : i32 to vector<128x512xi32>
    %eq3A_603 = arith.cmpi eq, %get3A_9, %eq3A_602 : vector<128x512xi32>
    %sub3A_604 = arith.constant 1.000000e+00 : f32
    %sub3A_605 = vector.broadcast %sub3A_604 : f32 to vector<128x512xf32>
    %sub3A_606 = arith.subf %sub3A_605, %mul3A_600 : vector<128x512xf32>
    %select_n3A_607 = arith.select %eq3A_603, %sub3A_606, %mul3A_600 : vector<128x512xi1>, vector<128x512xf32>
    %mul3A_608 = arith.constant 1.024000e+03 : f32
    %mul3A_609 = vector.broadcast %mul3A_608 : f32 to vector<128x512xf32>
    %mul3A_610 = arith.mulf %select_n3A_607, %mul3A_609 : vector<128x512xf32>
    %convert_element_type3A_611 = arith.fptosi %mul3A_610 : vector<128x512xf32> to vector<128x512xi32>
    %min3A_612 = arith.constant 1023 : i32
    %min3A_613 = vector.broadcast %min3A_612 : i32 to vector<128x512xi32>
    %min3A_614 = arith.minsi %convert_element_type3A_611, %min3A_613 : vector<128x512xi32>
    %jit3A_615 = arith.constant 19456 : i32
    %jit3A_616 = arith.constant 0 : i32
    %broadcast_in_dim3A_617 = vector.broadcast %jit3A_615 : i32 to vector<128x512xi32>
    %broadcast_in_dim3A_618 = vector.broadcast %jit3A_616 : i32 to vector<128x512xi32>
    %select_n3A_619 = arith.select %eq3A_603, %broadcast_in_dim3A_617, %broadcast_in_dim3A_618 : vector<128x512xi1>, vector<128x512xi32>
    %add3A_620 = arith.constant 17408 : i32
    %add3A_621 = vector.broadcast %add3A_620 : i32 to vector<128x512xi32>
    %add3A_622 = arith.addi %select_n3A_619, %add3A_621 : vector<128x512xi32>
    %add3A_623 = arith.addi %add3A_622, %min3A_614 : vector<128x512xi32>
    %slice3A_624 = vector.extract_strided_slice %add3A_623 {offsets = [0, 0], sizes = [128, 256], strides = [1, 1]} : vector<128x512xi32> to vector<128x256xi32>
    %slice3A_625 = vector.extract_strided_slice %add3A_623 {offsets = [0, 256], sizes = [128, 256], strides = [1, 1]} : vector<128x512xi32> to vector<128x256xi32>
    %shift_left3A_626 = arith.constant 16 : i32
    %shift_left3A_627 = vector.broadcast %shift_left3A_626 : i32 to vector<128x256xi32>
    %shift_left3A_628 = arith.shli %slice3A_625, %shift_left3A_627 : vector<128x256xi32>
    %or3A_629 = arith.ori %slice3A_624, %shift_left3A_628 : vector<128x256xi32>
    %swap3A_630 = arith.constant 2176 : index
    %swap3A_631 = arith.constant 0 : index
    %swap3A_632 = vector.load %arg3[%swap3A_630, %swap3A_631] : memref<2432x256xi32, #tpu.memory_space<vmem>>, vector<128x256xi32>
    tpu.vector_store %arg3[%swap3A_630, %swap3A_631], %or3A_629 {strides = array<i32>} : memref<2432x256xi32, #tpu.memory_space<vmem>>, vector<128x256xi32>,
    %slice3A_633 = vector.extract_strided_slice %exp3A {offsets = [18, 0, 0], sizes = [1, 128, 512], strides = [1, 1, 1]} : vector<19x128x512xf32> to vector<1x128x512xf32>
    %squeeze3A_634 = vector.shape_cast %slice3A_633 : vector<1x128x512xf32> to vector<128x512xf32>
    %mul3A_635 = arith.mulf %squeeze3A_634, %div3A_14 : vector<128x512xf32>
    %eq3A_636 = arith.constant 18 : i32
    %eq3A_637 = vector.broadcast %eq3A_636 : i32 to vector<128x512xi32>
    %eq3A_638 = arith.cmpi eq, %get3A_9, %eq3A_637 : vector<128x512xi32>
    %sub3A_639 = arith.constant 1.000000e+00 : f32
    %sub3A_640 = vector.broadcast %sub3A_639 : f32 to vector<128x512xf32>
    %sub3A_641 = arith.subf %sub3A_640, %mul3A_635 : vector<128x512xf32>
    %select_n3A_642 = arith.select %eq3A_638, %sub3A_641, %mul3A_635 : vector<128x512xi1>, vector<128x512xf32>
    %mul3A_643 = arith.constant 1.024000e+03 : f32
    %mul3A_644 = vector.broadcast %mul3A_643 : f32 to vector<128x512xf32>
    %mul3A_645 = arith.mulf %select_n3A_642, %mul3A_644 : vector<128x512xf32>
    %convert_element_type3A_646 = arith.fptosi %mul3A_645 : vector<128x512xf32> to vector<128x512xi32>
    %min3A_647 = arith.constant 1023 : i32
    %min3A_648 = vector.broadcast %min3A_647 : i32 to vector<128x512xi32>
    %min3A_649 = arith.minsi %convert_element_type3A_646, %min3A_648 : vector<128x512xi32>
    %jit3A_650 = arith.constant 19456 : i32
    %jit3A_651 = arith.constant 0 : i32
    %broadcast_in_dim3A_652 = vector.broadcast %jit3A_650 : i32 to vector<128x512xi32>
    %broadcast_in_dim3A_653 = vector.broadcast %jit3A_651 : i32 to vector<128x512xi32>
    %select_n3A_654 = arith.select %eq3A_638, %broadcast_in_dim3A_652, %broadcast_in_dim3A_653 : vector<128x512xi1>, vector<128x512xi32>
    %add3A_655 = arith.constant 18432 : i32
    %add3A_656 = vector.broadcast %add3A_655 : i32 to vector<128x512xi32>
    %add3A_657 = arith.addi %select_n3A_654, %add3A_656 : vector<128x512xi32>
    %add3A_658 = arith.addi %add3A_657, %min3A_649 : vector<128x512xi32>
    %slice3A_659 = vector.extract_strided_slice %add3A_658 {offsets = [0, 0], sizes = [128, 256], strides = [1, 1]} : vector<128x512xi32> to vector<128x256xi32>
    %slice3A_660 = vector.extract_strided_slice %add3A_658 {offsets = [0, 256], sizes = [128, 256], strides = [1, 1]} : vector<128x512xi32> to vector<128x256xi32>
    %shift_left3A_661 = arith.constant 16 : i32
    %shift_left3A_662 = vector.broadcast %shift_left3A_661 : i32 to vector<128x256xi32>
    %shift_left3A_663 = arith.shli %slice3A_660, %shift_left3A_662 : vector<128x256xi32>
    %or3A_664 = arith.ori %slice3A_659, %shift_left3A_663 : vector<128x256xi32>
    %swap3A_665 = arith.constant 2304 : index
    %swap3A_666 = arith.constant 0 : index
    %swap3A_667 = vector.load %arg3[%swap3A_665, %swap3A_666] : memref<2432x256xi32, #tpu.memory_space<vmem>>, vector<128x256xi32>
    tpu.vector_store %arg3[%swap3A_665, %swap3A_666], %or3A_664 {strides = array<i32>} : memref<2432x256xi32, #tpu.memory_space<vmem>>, vector<128x256xi32>,
    return
  }
  func.func @transform_0(%arg0: i32) -> (i32, i32, i32, i32) {
    %add3A = arith.constant 6 : i32
    %add3A_0 = arith.addi %add3A, %arg0 : i32
    %jit3A = arith.constant 4 : i32
    %div3A = arith.divsi %add3A_0, %jit3A : i32
    %sign3A = arith.constant 0 : i32
    %sign3A_1 = arith.cmpi sgt, %add3A_0, %sign3A : i32
    %sign3A_2 = arith.extui %sign3A_1 : i1 to i32
    %sign3A_3 = arith.constant 0 : i32
    %sign3A_4 = arith.cmpi slt, %add3A_0, %sign3A_3 : i32
    %sign3A_5 = arith.extui %sign3A_4 : i1 to i32
    %sign3A_6 = arith.subi %sign3A_2, %sign3A_5 : i32
    %sign3A_7 = arith.constant 0 : i32
    %sign3A_8 = arith.cmpi sgt, %jit3A, %sign3A_7 : i32
    %sign3A_9 = arith.extui %sign3A_8 : i1 to i32
    %sign3A_10 = arith.constant 0 : i32
    %sign3A_11 = arith.cmpi slt, %jit3A, %sign3A_10 : i32
    %sign3A_12 = arith.extui %sign3A_11 : i1 to i32
    %sign3A_13 = arith.subi %sign3A_9, %sign3A_12 : i32
    %ne3A = arith.cmpi ne, %sign3A_6, %sign3A_13 : i32
    %rem3A = arith.remsi %add3A_0, %jit3A : i32
    %ne3A_14 = arith.constant 0 : i32
    %ne3A_15 = arith.cmpi ne, %rem3A, %ne3A_14 : i32
    %and3A = arith.andi %ne3A, %ne3A_15 : i1
    %sub3A = arith.constant 1 : i32
    %sub3A_16 = arith.subi %div3A, %sub3A : i32
    %select_n3A = arith.select %and3A, %sub3A_16, %div3A : i32
    %add3A_17 = arith.constant 6 : i32
    %add3A_18 = arith.addi %add3A_17, %arg0 : i32
    %jit3A_19 = arith.constant 4 : i32
    %eq3A = arith.constant 0 : i32
    %eq3A_20 = arith.cmpi eq, %jit3A_19, %eq3A : i32
    %jit3A_21 = arith.constant 1 : i32
    %select_n3A_22 = arith.select %eq3A_20, %jit3A_21, %jit3A_19 : i32
    %rem3A_23 = arith.remsi %add3A_18, %select_n3A_22 : i32
    %ne3A_24 = arith.constant 0 : i32
    %ne3A_25 = arith.cmpi ne, %rem3A_23, %ne3A_24 : i32
    %lt3A = arith.constant 0 : i32
    %lt3A_26 = arith.cmpi slt, %rem3A_23, %lt3A : i32
    %lt3A_27 = arith.constant 0 : i32
    %lt3A_28 = arith.cmpi slt, %select_n3A_22, %lt3A_27 : i32
    %ne3A_29 = arith.xori %lt3A_26, %lt3A_28 : i1
    %and3A_30 = arith.andi %ne3A_29, %ne3A_25 : i1
    %add3A_31 = arith.addi %rem3A_23, %select_n3A_22 : i32
    %select_n3A_32 = arith.select %and3A_30, %add3A_31, %rem3A_23 : i32
    %c0_i32 = arith.constant 0 : i32
    %c0_i32_33 = arith.constant 0 : i32
    %c0_i32_34 = arith.constant 0 : i32
    return %select_n3A, %c0_i32, %select_n3A_32, %c0_i32_33 : i32, i32, i32, i32
  }
  func.func @transform_1(%arg0: i32) -> (i32, i32, i32) {
    %add3A = arith.constant 6 : i32
    %add3A_0 = arith.addi %add3A, %arg0 : i32
    %jit3A = arith.constant 4 : i32
    %div3A = arith.divsi %add3A_0, %jit3A : i32
    %sign3A = arith.constant 0 : i32
    %sign3A_1 = arith.cmpi sgt, %add3A_0, %sign3A : i32
    %sign3A_2 = arith.extui %sign3A_1 : i1 to i32
    %sign3A_3 = arith.constant 0 : i32
    %sign3A_4 = arith.cmpi slt, %add3A_0, %sign3A_3 : i32
    %sign3A_5 = arith.extui %sign3A_4 : i1 to i32
    %sign3A_6 = arith.subi %sign3A_2, %sign3A_5 : i32
    %sign3A_7 = arith.constant 0 : i32
    %sign3A_8 = arith.cmpi sgt, %jit3A, %sign3A_7 : i32
    %sign3A_9 = arith.extui %sign3A_8 : i1 to i32
    %sign3A_10 = arith.constant 0 : i32
    %sign3A_11 = arith.cmpi slt, %jit3A, %sign3A_10 : i32
    %sign3A_12 = arith.extui %sign3A_11 : i1 to i32
    %sign3A_13 = arith.subi %sign3A_9, %sign3A_12 : i32
    %ne3A = arith.cmpi ne, %sign3A_6, %sign3A_13 : i32
    %rem3A = arith.remsi %add3A_0, %jit3A : i32
    %ne3A_14 = arith.constant 0 : i32
    %ne3A_15 = arith.cmpi ne, %rem3A, %ne3A_14 : i32
    %and3A = arith.andi %ne3A, %ne3A_15 : i1
    %sub3A = arith.constant 1 : i32
    %sub3A_16 = arith.subi %div3A, %sub3A : i32
    %select_n3A = arith.select %and3A, %sub3A_16, %div3A : i32
    %add3A_17 = arith.constant 6 : i32
    %add3A_18 = arith.addi %add3A_17, %arg0 : i32
    %jit3A_19 = arith.constant 4 : i32
    %eq3A = arith.constant 0 : i32
    %eq3A_20 = arith.cmpi eq, %jit3A_19, %eq3A : i32
    %jit3A_21 = arith.constant 1 : i32
    %select_n3A_22 = arith.select %eq3A_20, %jit3A_21, %jit3A_19 : i32
    %rem3A_23 = arith.remsi %add3A_18, %select_n3A_22 : i32
    %ne3A_24 = arith.constant 0 : i32
    %ne3A_25 = arith.cmpi ne, %rem3A_23, %ne3A_24 : i32
    %lt3A = arith.constant 0 : i32
    %lt3A_26 = arith.cmpi slt, %rem3A_23, %lt3A : i32
    %lt3A_27 = arith.constant 0 : i32
    %lt3A_28 = arith.cmpi slt, %select_n3A_22, %lt3A_27 : i32
    %ne3A_29 = arith.xori %lt3A_26, %lt3A_28 : i1
    %and3A_30 = arith.andi %ne3A_29, %ne3A_25 : i1
    %add3A_31 = arith.addi %rem3A_23, %select_n3A_22 : i32
    %select_n3A_32 = arith.select %and3A_30, %add3A_31, %rem3A_23 : i32
    %c0_i32 = arith.constant 0 : i32
    %c0_i32_33 = arith.constant 0 : i32
    return %select_n3A, %select_n3A_32, %c0_i32 : i32, i32, i32
  }
  func.func @transform_2(%arg0: i32) -> (i32, i32) {
    %c0_i32 = arith.constant 0 : i32
    %c0_i32_0 = arith.constant 0 : i32
    return %arg0, %c0_i32 : i32, i32
  }
}

module attributes {stable_mosaic.version = 14 : i64} {
  func.func @_prep_body(%arg0: i32, %arg1: memref<1x19x128x512xf32, #tpu.memory_space<vmem>>, %arg2: memref<1x128x512xi32, #tpu.memory_space<vmem>>, %arg3: memref<2432x256xi32, #tpu.memory_space<vmem>>) attributes {dimension_semantics = [#tpu.dimension_semantics<arbitrary>], iteration_bounds = array<i64: 6>, scalar_prefetch = 0 : i64, scratch_operands = 0 : i64, tpu.core_type = #tpu.core_type<tc>, window_params = [{transform_indices = @transform_0, window_bounds = array<i64: 1, 19, 128, 512>}, {transform_indices = @transform_1, window_bounds = array<i64: 1, 128, 512>}, {transform_indices = @transform_2, window_bounds = array<i64: 2432, 256>}]} {
    %get3A = arith.constant 0 : index
    %get3A_0 = arith.constant 0 : index
    %get3A_1 = arith.constant 0 : index
    %get3A_2 = arith.constant 0 : index
    %get3A_3 = vector.load %arg1[%get3A, %get3A_0, %get3A_1, %get3A_2] : memref<1x19x128x512xf32, #tpu.memory_space<vmem>>, vector<1x19x128x512xf32>
    %get3A_4 = vector.shape_cast %get3A_3 : vector<1x19x128x512xf32> to vector<19x128x512xf32>
    %get3A_5 = arith.constant 0 : index
    %get3A_6 = arith.constant 0 : index
    %get3A_7 = arith.constant 0 : index
    %get3A_8 = vector.load %arg2[%get3A_5, %get3A_6, %get3A_7] : memref<1x128x512xi32, #tpu.memory_space<vmem>>, vector<1x128x512xi32>
    %get3A_9 = vector.shape_cast %get3A_8 : vector<1x128x512xi32> to vector<128x512xi32>
    %reduce_max3A = arith.constant dense<0xFF800000> : vector<128x512xf32>
    %reduce_max3A_10 = vector.multi_reduction <maximumf>, %get3A_4, %reduce_max3A [0] : vector<19x128x512xf32> to vector<128x512xf32>
    %broadcast_in_dim3A = vector.shape_cast %reduce_max3A_10 : vector<128x512xf32> to vector<1x128x512xf32>
    %sub3A = vector.broadcast %broadcast_in_dim3A : vector<1x128x512xf32> to vector<19x128x512xf32>
    %sub3A_11 = arith.subf %get3A_4, %sub3A : vector<19x128x512xf32>
    %exp3A = math.exp %sub3A_11 : vector<19x128x512xf32>
    %reduce_sum3A = arith.constant dense<0.000000e+00> : vector<128x512xf32>
    %reduce_sum3A_12 = vector.multi_reduction <add>, %exp3A, %reduce_sum3A [0] : vector<19x128x512xf32> to vector<128x512xf32>
    %div3A = arith.constant 1.000000e+00 : f32
    %div3A_13 = vector.broadcast %div3A : f32 to vector<128x512xf32>
    %div3A_14 = arith.divf %div3A_13, %reduce_sum3A_12 : vector<128x512xf32>
    %slice3A = vector.extract_strided_slice %exp3A {offsets = [0, 0, 0], sizes = [1, 128, 512], strides = [1, 1, 1]} : vector<19x128x512xf32> to vector<1x128x512xf32>
    %squeeze3A = vector.shape_cast %slice3A : vector<1x128x512xf32> to vector<128x512xf32>
    %mul3A = arith.mulf %squeeze3A, %div3A_14 : vector<128x512xf32>
    %eq3A = arith.constant 0 : i32
    %eq3A_15 = vector.broadcast %eq3A : i32 to vector<128x512xi32>
    %eq3A_16 = arith.cmpi eq, %get3A_9, %eq3A_15 : vector<128x512xi32>
    %sub3A_17 = arith.constant 1.000000e+00 : f32
    %sub3A_18 = vector.broadcast %sub3A_17 : f32 to vector<128x512xf32>
    %sub3A_19 = arith.subf %sub3A_18, %mul3A : vector<128x512xf32>
    %select_n3A = arith.select %eq3A_16, %sub3A_19, %mul3A : vector<128x512xi1>, vector<128x512xf32>
    %mul3A_20 = arith.constant 1.024000e+03 : f32
    %mul3A_21 = vector.broadcast %mul3A_20 : f32 to vector<128x512xf32>
    %mul3A_22 = arith.mulf %select_n3A, %mul3A_21 : vector<128x512xf32>
    %convert_element_type3A = arith.fptosi %mul3A_22 : vector<128x512xf32> to vector<128x512xi32>
    %min3A = arith.constant 1023 : i32
    %min3A_23 = vector.broadcast %min3A : i32 to vector<128x512xi32>
    %min3A_24 = arith.minsi %convert_element_type3A, %min3A_23 : vector<128x512xi32>
    %jit3A = arith.constant 19456 : i32
    %jit3A_25 = arith.constant 0 : i32
    %broadcast_in_dim3A_26 = vector.broadcast %jit3A : i32 to vector<128x512xi32>
    %broadcast_in_dim3A_27 = vector.broadcast %jit3A_25 : i32 to vector<128x512xi32>
    %select_n3A_28 = arith.select %eq3A_16, %broadcast_in_dim3A_26, %broadcast_in_dim3A_27 : vector<128x512xi1>, vector<128x512xi32>
    %add3A = arith.constant 0 : i32
    %add3A_29 = vector.broadcast %add3A : i32 to vector<128x512xi32>
    %add3A_30 = arith.addi %select_n3A_28, %add3A_29 : vector<128x512xi32>
    %add3A_31 = arith.addi %add3A_30, %min3A_24 : vector<128x512xi32>
    %slice3A_32 = vector.extract_strided_slice %add3A_31 {offsets = [0, 0], sizes = [128, 256], strides = [1, 1]} : vector<128x512xi32> to vector<128x256xi32>
    %slice3A_33 = vector.extract_strided_slice %add3A_31 {offsets = [0, 256], sizes = [128, 256], strides = [1, 1]} : vector<128x512xi32> to vector<128x256xi32>
    %shift_left3A = arith.constant 16 : i32
    %shift_left3A_34 = vector.broadcast %shift_left3A : i32 to vector<128x256xi32>
    %shift_left3A_35 = arith.shli %slice3A_33, %shift_left3A_34 : vector<128x256xi32>
    %or3A = arith.ori %slice3A_32, %shift_left3A_35 : vector<128x256xi32>
    %swap3A = arith.constant 0 : index
    %swap3A_36 = arith.constant 0 : index
    %swap3A_37 = vector.load %arg3[%swap3A, %swap3A_36] : memref<2432x256xi32, #tpu.memory_space<vmem>>, vector<128x256xi32>
    tpu.vector_store %arg3[%swap3A, %swap3A_36], %or3A {strides = array<i32>} : memref<2432x256xi32, #tpu.memory_space<vmem>>, vector<128x256xi32>,
    %slice3A_38 = vector.extract_strided_slice %exp3A {offsets = [1, 0, 0], sizes = [1, 128, 512], strides = [1, 1, 1]} : vector<19x128x512xf32> to vector<1x128x512xf32>
    %squeeze3A_39 = vector.shape_cast %slice3A_38 : vector<1x128x512xf32> to vector<128x512xf32>
    %mul3A_40 = arith.mulf %squeeze3A_39, %div3A_14 : vector<128x512xf32>
    %eq3A_41 = arith.constant 1 : i32
    %eq3A_42 = vector.broadcast %eq3A_41 : i32 to vector<128x512xi32>
    %eq3A_43 = arith.cmpi eq, %get3A_9, %eq3A_42 : vector<128x512xi32>
    %sub3A_44 = arith.constant 1.000000e+00 : f32
    %sub3A_45 = vector.broadcast %sub3A_44 : f32 to vector<128x512xf32>
    %sub3A_46 = arith.subf %sub3A_45, %mul3A_40 : vector<128x512xf32>
    %select_n3A_47 = arith.select %eq3A_43, %sub3A_46, %mul3A_40 : vector<128x512xi1>, vector<128x512xf32>
    %mul3A_48 = arith.constant 1.024000e+03 : f32
    %mul3A_49 = vector.broadcast %mul3A_48 : f32 to vector<128x512xf32>
    %mul3A_50 = arith.mulf %select_n3A_47, %mul3A_49 : vector<128x512xf32>
    %convert_element_type3A_51 = arith.fptosi %mul3A_50 : vector<128x512xf32> to vector<128x512xi32>
    %min3A_52 = arith.constant 1023 : i32
    %min3A_53 = vector.broadcast %min3A_52 : i32 to vector<128x512xi32>
    %min3A_54 = arith.minsi %convert_element_type3A_51, %min3A_53 : vector<128x512xi32>
    %jit3A_55 = arith.constant 19456 : i32
    %jit3A_56 = arith.constant 0 : i32
    %broadcast_in_dim3A_57 = vector.broadcast %jit3A_55 : i32 to vector<128x512xi32>
    %broadcast_in_dim3A_58 = vector.broadcast %jit3A_56 : i32 to vector<128x512xi32>
    %select_n3A_59 = arith.select %eq3A_43, %broadcast_in_dim3A_57, %broadcast_in_dim3A_58 : vector<128x512xi1>, vector<128x512xi32>
    %add3A_60 = arith.constant 1024 : i32
    %add3A_61 = vector.broadcast %add3A_60 : i32 to vector<128x512xi32>
    %add3A_62 = arith.addi %select_n3A_59, %add3A_61 : vector<128x512xi32>
    %add3A_63 = arith.addi %add3A_62, %min3A_54 : vector<128x512xi32>
    %slice3A_64 = vector.extract_strided_slice %add3A_63 {offsets = [0, 0], sizes = [128, 256], strides = [1, 1]} : vector<128x512xi32> to vector<128x256xi32>
    %slice3A_65 = vector.extract_strided_slice %add3A_63 {offsets = [0, 256], sizes = [128, 256], strides = [1, 1]} : vector<128x512xi32> to vector<128x256xi32>
    %shift_left3A_66 = arith.constant 16 : i32
    %shift_left3A_67 = vector.broadcast %shift_left3A_66 : i32 to vector<128x256xi32>
    %shift_left3A_68 = arith.shli %slice3A_65, %shift_left3A_67 : vector<128x256xi32>
    %or3A_69 = arith.ori %slice3A_64, %shift_left3A_68 : vector<128x256xi32>
    %swap3A_70 = arith.constant 128 : index
    %swap3A_71 = arith.constant 0 : index
    %swap3A_72 = vector.load %arg3[%swap3A_70, %swap3A_71] : memref<2432x256xi32, #tpu.memory_space<vmem>>, vector<128x256xi32>
    tpu.vector_store %arg3[%swap3A_70, %swap3A_71], %or3A_69 {strides = array<i32>} : memref<2432x256xi32, #tpu.memory_space<vmem>>, vector<128x256xi32>,
    %slice3A_73 = vector.extract_strided_slice %exp3A {offsets = [2, 0, 0], sizes = [1, 128, 512], strides = [1, 1, 1]} : vector<19x128x512xf32> to vector<1x128x512xf32>
    %squeeze3A_74 = vector.shape_cast %slice3A_73 : vector<1x128x512xf32> to vector<128x512xf32>
    %mul3A_75 = arith.mulf %squeeze3A_74, %div3A_14 : vector<128x512xf32>
    %eq3A_76 = arith.constant 2 : i32
    %eq3A_77 = vector.broadcast %eq3A_76 : i32 to vector<128x512xi32>
    %eq3A_78 = arith.cmpi eq, %get3A_9, %eq3A_77 : vector<128x512xi32>
    %sub3A_79 = arith.constant 1.000000e+00 : f32
    %sub3A_80 = vector.broadcast %sub3A_79 : f32 to vector<128x512xf32>
    %sub3A_81 = arith.subf %sub3A_80, %mul3A_75 : vector<128x512xf32>
    %select_n3A_82 = arith.select %eq3A_78, %sub3A_81, %mul3A_75 : vector<128x512xi1>, vector<128x512xf32>
    %mul3A_83 = arith.constant 1.024000e+03 : f32
    %mul3A_84 = vector.broadcast %mul3A_83 : f32 to vector<128x512xf32>
    %mul3A_85 = arith.mulf %select_n3A_82, %mul3A_84 : vector<128x512xf32>
    %convert_element_type3A_86 = arith.fptosi %mul3A_85 : vector<128x512xf32> to vector<128x512xi32>
    %min3A_87 = arith.constant 1023 : i32
    %min3A_88 = vector.broadcast %min3A_87 : i32 to vector<128x512xi32>
    %min3A_89 = arith.minsi %convert_element_type3A_86, %min3A_88 : vector<128x512xi32>
    %jit3A_90 = arith.constant 19456 : i32
    %jit3A_91 = arith.constant 0 : i32
    %broadcast_in_dim3A_92 = vector.broadcast %jit3A_90 : i32 to vector<128x512xi32>
    %broadcast_in_dim3A_93 = vector.broadcast %jit3A_91 : i32 to vector<128x512xi32>
    %select_n3A_94 = arith.select %eq3A_78, %broadcast_in_dim3A_92, %broadcast_in_dim3A_93 : vector<128x512xi1>, vector<128x512xi32>
    %add3A_95 = arith.constant 2048 : i32
    %add3A_96 = vector.broadcast %add3A_95 : i32 to vector<128x512xi32>
    %add3A_97 = arith.addi %select_n3A_94, %add3A_96 : vector<128x512xi32>
    %add3A_98 = arith.addi %add3A_97, %min3A_89 : vector<128x512xi32>
    %slice3A_99 = vector.extract_strided_slice %add3A_98 {offsets = [0, 0], sizes = [128, 256], strides = [1, 1]} : vector<128x512xi32> to vector<128x256xi32>
    %slice3A_100 = vector.extract_strided_slice %add3A_98 {offsets = [0, 256], sizes = [128, 256], strides = [1, 1]} : vector<128x512xi32> to vector<128x256xi32>
    %shift_left3A_101 = arith.constant 16 : i32
    %shift_left3A_102 = vector.broadcast %shift_left3A_101 : i32 to vector<128x256xi32>
    %shift_left3A_103 = arith.shli %slice3A_100, %shift_left3A_102 : vector<128x256xi32>
    %or3A_104 = arith.ori %slice3A_99, %shift_left3A_103 : vector<128x256xi32>
    %swap3A_105 = arith.constant 256 : index
    %swap3A_106 = arith.constant 0 : index
    %swap3A_107 = vector.load %arg3[%swap3A_105, %swap3A_106] : memref<2432x256xi32, #tpu.memory_space<vmem>>, vector<128x256xi32>
    tpu.vector_store %arg3[%swap3A_105, %swap3A_106], %or3A_104 {strides = array<i32>} : memref<2432x256xi32, #tpu.memory_space<vmem>>, vector<128x256xi32>,
    %slice3A_108 = vector.extract_strided_slice %exp3A {offsets = [3, 0, 0], sizes = [1, 128, 512], strides = [1, 1, 1]} : vector<19x128x512xf32> to vector<1x128x512xf32>
    %squeeze3A_109 = vector.shape_cast %slice3A_108 : vector<1x128x512xf32> to vector<128x512xf32>
    %mul3A_110 = arith.mulf %squeeze3A_109, %div3A_14 : vector<128x512xf32>
    %eq3A_111 = arith.constant 3 : i32
    %eq3A_112 = vector.broadcast %eq3A_111 : i32 to vector<128x512xi32>
    %eq3A_113 = arith.cmpi eq, %get3A_9, %eq3A_112 : vector<128x512xi32>
    %sub3A_114 = arith.constant 1.000000e+00 : f32
    %sub3A_115 = vector.broadcast %sub3A_114 : f32 to vector<128x512xf32>
    %sub3A_116 = arith.subf %sub3A_115, %mul3A_110 : vector<128x512xf32>
    %select_n3A_117 = arith.select %eq3A_113, %sub3A_116, %mul3A_110 : vector<128x512xi1>, vector<128x512xf32>
    %mul3A_118 = arith.constant 1.024000e+03 : f32
    %mul3A_119 = vector.broadcast %mul3A_118 : f32 to vector<128x512xf32>
    %mul3A_120 = arith.mulf %select_n3A_117, %mul3A_119 : vector<128x512xf32>
    %convert_element_type3A_121 = arith.fptosi %mul3A_120 : vector<128x512xf32> to vector<128x512xi32>
    %min3A_122 = arith.constant 1023 : i32
    %min3A_123 = vector.broadcast %min3A_122 : i32 to vector<128x512xi32>
    %min3A_124 = arith.minsi %convert_element_type3A_121, %min3A_123 : vector<128x512xi32>
    %jit3A_125 = arith.constant 19456 : i32
    %jit3A_126 = arith.constant 0 : i32
    %broadcast_in_dim3A_127 = vector.broadcast %jit3A_125 : i32 to vector<128x512xi32>
    %broadcast_in_dim3A_128 = vector.broadcast %jit3A_126 : i32 to vector<128x512xi32>
    %select_n3A_129 = arith.select %eq3A_113, %broadcast_in_dim3A_127, %broadcast_in_dim3A_128 : vector<128x512xi1>, vector<128x512xi32>
    %add3A_130 = arith.constant 3072 : i32
    %add3A_131 = vector.broadcast %add3A_130 : i32 to vector<128x512xi32>
    %add3A_132 = arith.addi %select_n3A_129, %add3A_131 : vector<128x512xi32>
    %add3A_133 = arith.addi %add3A_132, %min3A_124 : vector<128x512xi32>
    %slice3A_134 = vector.extract_strided_slice %add3A_133 {offsets = [0, 0], sizes = [128, 256], strides = [1, 1]} : vector<128x512xi32> to vector<128x256xi32>
    %slice3A_135 = vector.extract_strided_slice %add3A_133 {offsets = [0, 256], sizes = [128, 256], strides = [1, 1]} : vector<128x512xi32> to vector<128x256xi32>
    %shift_left3A_136 = arith.constant 16 : i32
    %shift_left3A_137 = vector.broadcast %shift_left3A_136 : i32 to vector<128x256xi32>
    %shift_left3A_138 = arith.shli %slice3A_135, %shift_left3A_137 : vector<128x256xi32>
    %or3A_139 = arith.ori %slice3A_134, %shift_left3A_138 : vector<128x256xi32>
    %swap3A_140 = arith.constant 384 : index
    %swap3A_141 = arith.constant 0 : index
    %swap3A_142 = vector.load %arg3[%swap3A_140, %swap3A_141] : memref<2432x256xi32, #tpu.memory_space<vmem>>, vector<128x256xi32>
    tpu.vector_store %arg3[%swap3A_140, %swap3A_141], %or3A_139 {strides = array<i32>} : memref<2432x256xi32, #tpu.memory_space<vmem>>, vector<128x256xi32>,
    %slice3A_143 = vector.extract_strided_slice %exp3A {offsets = [4, 0, 0], sizes = [1, 128, 512], strides = [1, 1, 1]} : vector<19x128x512xf32> to vector<1x128x512xf32>
    %squeeze3A_144 = vector.shape_cast %slice3A_143 : vector<1x128x512xf32> to vector<128x512xf32>
    %mul3A_145 = arith.mulf %squeeze3A_144, %div3A_14 : vector<128x512xf32>
    %eq3A_146 = arith.constant 4 : i32
    %eq3A_147 = vector.broadcast %eq3A_146 : i32 to vector<128x512xi32>
    %eq3A_148 = arith.cmpi eq, %get3A_9, %eq3A_147 : vector<128x512xi32>
    %sub3A_149 = arith.constant 1.000000e+00 : f32
    %sub3A_150 = vector.broadcast %sub3A_149 : f32 to vector<128x512xf32>
    %sub3A_151 = arith.subf %sub3A_150, %mul3A_145 : vector<128x512xf32>
    %select_n3A_152 = arith.select %eq3A_148, %sub3A_151, %mul3A_145 : vector<128x512xi1>, vector<128x512xf32>
    %mul3A_153 = arith.constant 1.024000e+03 : f32
    %mul3A_154 = vector.broadcast %mul3A_153 : f32 to vector<128x512xf32>
    %mul3A_155 = arith.mulf %select_n3A_152, %mul3A_154 : vector<128x512xf32>
    %convert_element_type3A_156 = arith.fptosi %mul3A_155 : vector<128x512xf32> to vector<128x512xi32>
    %min3A_157 = arith.constant 1023 : i32
    %min3A_158 = vector.broadcast %min3A_157 : i32 to vector<128x512xi32>
    %min3A_159 = arith.minsi %convert_element_type3A_156, %min3A_158 : vector<128x512xi32>
    %jit3A_160 = arith.constant 19456 : i32
    %jit3A_161 = arith.constant 0 : i32
    %broadcast_in_dim3A_162 = vector.broadcast %jit3A_160 : i32 to vector<128x512xi32>
    %broadcast_in_dim3A_163 = vector.broadcast %jit3A_161 : i32 to vector<128x512xi32>
    %select_n3A_164 = arith.select %eq3A_148, %broadcast_in_dim3A_162, %broadcast_in_dim3A_163 : vector<128x512xi1>, vector<128x512xi32>
    %add3A_165 = arith.constant 4096 : i32
    %add3A_166 = vector.broadcast %add3A_165 : i32 to vector<128x512xi32>
    %add3A_167 = arith.addi %select_n3A_164, %add3A_166 : vector<128x512xi32>
    %add3A_168 = arith.addi %add3A_167, %min3A_159 : vector<128x512xi32>
    %slice3A_169 = vector.extract_strided_slice %add3A_168 {offsets = [0, 0], sizes = [128, 256], strides = [1, 1]} : vector<128x512xi32> to vector<128x256xi32>
    %slice3A_170 = vector.extract_strided_slice %add3A_168 {offsets = [0, 256], sizes = [128, 256], strides = [1, 1]} : vector<128x512xi32> to vector<128x256xi32>
    %shift_left3A_171 = arith.constant 16 : i32
    %shift_left3A_172 = vector.broadcast %shift_left3A_171 : i32 to vector<128x256xi32>
    %shift_left3A_173 = arith.shli %slice3A_170, %shift_left3A_172 : vector<128x256xi32>
    %or3A_174 = arith.ori %slice3A_169, %shift_left3A_173 : vector<128x256xi32>
    %swap3A_175 = arith.constant 512 : index
    %swap3A_176 = arith.constant 0 : index
    %swap3A_177 = vector.load %arg3[%swap3A_175, %swap3A_176] : memref<2432x256xi32, #tpu.memory_space<vmem>>, vector<128x256xi32>
    tpu.vector_store %arg3[%swap3A_175, %swap3A_176], %or3A_174 {strides = array<i32>} : memref<2432x256xi32, #tpu.memory_space<vmem>>, vector<128x256xi32>,
    %slice3A_178 = vector.extract_strided_slice %exp3A {offsets = [5, 0, 0], sizes = [1, 128, 512], strides = [1, 1, 1]} : vector<19x128x512xf32> to vector<1x128x512xf32>
    %squeeze3A_179 = vector.shape_cast %slice3A_178 : vector<1x128x512xf32> to vector<128x512xf32>
    %mul3A_180 = arith.mulf %squeeze3A_179, %div3A_14 : vector<128x512xf32>
    %eq3A_181 = arith.constant 5 : i32
    %eq3A_182 = vector.broadcast %eq3A_181 : i32 to vector<128x512xi32>
    %eq3A_183 = arith.cmpi eq, %get3A_9, %eq3A_182 : vector<128x512xi32>
    %sub3A_184 = arith.constant 1.000000e+00 : f32
    %sub3A_185 = vector.broadcast %sub3A_184 : f32 to vector<128x512xf32>
    %sub3A_186 = arith.subf %sub3A_185, %mul3A_180 : vector<128x512xf32>
    %select_n3A_187 = arith.select %eq3A_183, %sub3A_186, %mul3A_180 : vector<128x512xi1>, vector<128x512xf32>
    %mul3A_188 = arith.constant 1.024000e+03 : f32
    %mul3A_189 = vector.broadcast %mul3A_188 : f32 to vector<128x512xf32>
    %mul3A_190 = arith.mulf %select_n3A_187, %mul3A_189 : vector<128x512xf32>
    %convert_element_type3A_191 = arith.fptosi %mul3A_190 : vector<128x512xf32> to vector<128x512xi32>
    %min3A_192 = arith.constant 1023 : i32
    %min3A_193 = vector.broadcast %min3A_192 : i32 to vector<128x512xi32>
    %min3A_194 = arith.minsi %convert_element_type3A_191, %min3A_193 : vector<128x512xi32>
    %jit3A_195 = arith.constant 19456 : i32
    %jit3A_196 = arith.constant 0 : i32
    %broadcast_in_dim3A_197 = vector.broadcast %jit3A_195 : i32 to vector<128x512xi32>
    %broadcast_in_dim3A_198 = vector.broadcast %jit3A_196 : i32 to vector<128x512xi32>
    %select_n3A_199 = arith.select %eq3A_183, %broadcast_in_dim3A_197, %broadcast_in_dim3A_198 : vector<128x512xi1>, vector<128x512xi32>
    %add3A_200 = arith.constant 5120 : i32
    %add3A_201 = vector.broadcast %add3A_200 : i32 to vector<128x512xi32>
    %add3A_202 = arith.addi %select_n3A_199, %add3A_201 : vector<128x512xi32>
    %add3A_203 = arith.addi %add3A_202, %min3A_194 : vector<128x512xi32>
    %slice3A_204 = vector.extract_strided_slice %add3A_203 {offsets = [0, 0], sizes = [128, 256], strides = [1, 1]} : vector<128x512xi32> to vector<128x256xi32>
    %slice3A_205 = vector.extract_strided_slice %add3A_203 {offsets = [0, 256], sizes = [128, 256], strides = [1, 1]} : vector<128x512xi32> to vector<128x256xi32>
    %shift_left3A_206 = arith.constant 16 : i32
    %shift_left3A_207 = vector.broadcast %shift_left3A_206 : i32 to vector<128x256xi32>
    %shift_left3A_208 = arith.shli %slice3A_205, %shift_left3A_207 : vector<128x256xi32>
    %or3A_209 = arith.ori %slice3A_204, %shift_left3A_208 : vector<128x256xi32>
    %swap3A_210 = arith.constant 640 : index
    %swap3A_211 = arith.constant 0 : index
    %swap3A_212 = vector.load %arg3[%swap3A_210, %swap3A_211] : memref<2432x256xi32, #tpu.memory_space<vmem>>, vector<128x256xi32>
    tpu.vector_store %arg3[%swap3A_210, %swap3A_211], %or3A_209 {strides = array<i32>} : memref<2432x256xi32, #tpu.memory_space<vmem>>, vector<128x256xi32>,
    %slice3A_213 = vector.extract_strided_slice %exp3A {offsets = [6, 0, 0], sizes = [1, 128, 512], strides = [1, 1, 1]} : vector<19x128x512xf32> to vector<1x128x512xf32>
    %squeeze3A_214 = vector.shape_cast %slice3A_213 : vector<1x128x512xf32> to vector<128x512xf32>
    %mul3A_215 = arith.mulf %squeeze3A_214, %div3A_14 : vector<128x512xf32>
    %eq3A_216 = arith.constant 6 : i32
    %eq3A_217 = vector.broadcast %eq3A_216 : i32 to vector<128x512xi32>
    %eq3A_218 = arith.cmpi eq, %get3A_9, %eq3A_217 : vector<128x512xi32>
    %sub3A_219 = arith.constant 1.000000e+00 : f32
    %sub3A_220 = vector.broadcast %sub3A_219 : f32 to vector<128x512xf32>
    %sub3A_221 = arith.subf %sub3A_220, %mul3A_215 : vector<128x512xf32>
    %select_n3A_222 = arith.select %eq3A_218, %sub3A_221, %mul3A_215 : vector<128x512xi1>, vector<128x512xf32>
    %mul3A_223 = arith.constant 1.024000e+03 : f32
    %mul3A_224 = vector.broadcast %mul3A_223 : f32 to vector<128x512xf32>
    %mul3A_225 = arith.mulf %select_n3A_222, %mul3A_224 : vector<128x512xf32>
    %convert_element_type3A_226 = arith.fptosi %mul3A_225 : vector<128x512xf32> to vector<128x512xi32>
    %min3A_227 = arith.constant 1023 : i32
    %min3A_228 = vector.broadcast %min3A_227 : i32 to vector<128x512xi32>
    %min3A_229 = arith.minsi %convert_element_type3A_226, %min3A_228 : vector<128x512xi32>
    %jit3A_230 = arith.constant 19456 : i32
    %jit3A_231 = arith.constant 0 : i32
    %broadcast_in_dim3A_232 = vector.broadcast %jit3A_230 : i32 to vector<128x512xi32>
    %broadcast_in_dim3A_233 = vector.broadcast %jit3A_231 : i32 to vector<128x512xi32>
    %select_n3A_234 = arith.select %eq3A_218, %broadcast_in_dim3A_232, %broadcast_in_dim3A_233 : vector<128x512xi1>, vector<128x512xi32>
    %add3A_235 = arith.constant 6144 : i32
    %add3A_236 = vector.broadcast %add3A_235 : i32 to vector<128x512xi32>
    %add3A_237 = arith.addi %select_n3A_234, %add3A_236 : vector<128x512xi32>
    %add3A_238 = arith.addi %add3A_237, %min3A_229 : vector<128x512xi32>
    %slice3A_239 = vector.extract_strided_slice %add3A_238 {offsets = [0, 0], sizes = [128, 256], strides = [1, 1]} : vector<128x512xi32> to vector<128x256xi32>
    %slice3A_240 = vector.extract_strided_slice %add3A_238 {offsets = [0, 256], sizes = [128, 256], strides = [1, 1]} : vector<128x512xi32> to vector<128x256xi32>
    %shift_left3A_241 = arith.constant 16 : i32
    %shift_left3A_242 = vector.broadcast %shift_left3A_241 : i32 to vector<128x256xi32>
    %shift_left3A_243 = arith.shli %slice3A_240, %shift_left3A_242 : vector<128x256xi32>
    %or3A_244 = arith.ori %slice3A_239, %shift_left3A_243 : vector<128x256xi32>
    %swap3A_245 = arith.constant 768 : index
    %swap3A_246 = arith.constant 0 : index
    %swap3A_247 = vector.load %arg3[%swap3A_245, %swap3A_246] : memref<2432x256xi32, #tpu.memory_space<vmem>>, vector<128x256xi32>
    tpu.vector_store %arg3[%swap3A_245, %swap3A_246], %or3A_244 {strides = array<i32>} : memref<2432x256xi32, #tpu.memory_space<vmem>>, vector<128x256xi32>,
    %slice3A_248 = vector.extract_strided_slice %exp3A {offsets = [7, 0, 0], sizes = [1, 128, 512], strides = [1, 1, 1]} : vector<19x128x512xf32> to vector<1x128x512xf32>
    %squeeze3A_249 = vector.shape_cast %slice3A_248 : vector<1x128x512xf32> to vector<128x512xf32>
    %mul3A_250 = arith.mulf %squeeze3A_249, %div3A_14 : vector<128x512xf32>
    %eq3A_251 = arith.constant 7 : i32
    %eq3A_252 = vector.broadcast %eq3A_251 : i32 to vector<128x512xi32>
    %eq3A_253 = arith.cmpi eq, %get3A_9, %eq3A_252 : vector<128x512xi32>
    %sub3A_254 = arith.constant 1.000000e+00 : f32
    %sub3A_255 = vector.broadcast %sub3A_254 : f32 to vector<128x512xf32>
    %sub3A_256 = arith.subf %sub3A_255, %mul3A_250 : vector<128x512xf32>
    %select_n3A_257 = arith.select %eq3A_253, %sub3A_256, %mul3A_250 : vector<128x512xi1>, vector<128x512xf32>
    %mul3A_258 = arith.constant 1.024000e+03 : f32
    %mul3A_259 = vector.broadcast %mul3A_258 : f32 to vector<128x512xf32>
    %mul3A_260 = arith.mulf %select_n3A_257, %mul3A_259 : vector<128x512xf32>
    %convert_element_type3A_261 = arith.fptosi %mul3A_260 : vector<128x512xf32> to vector<128x512xi32>
    %min3A_262 = arith.constant 1023 : i32
    %min3A_263 = vector.broadcast %min3A_262 : i32 to vector<128x512xi32>
    %min3A_264 = arith.minsi %convert_element_type3A_261, %min3A_263 : vector<128x512xi32>
    %jit3A_265 = arith.constant 19456 : i32
    %jit3A_266 = arith.constant 0 : i32
    %broadcast_in_dim3A_267 = vector.broadcast %jit3A_265 : i32 to vector<128x512xi32>
    %broadcast_in_dim3A_268 = vector.broadcast %jit3A_266 : i32 to vector<128x512xi32>
    %select_n3A_269 = arith.select %eq3A_253, %broadcast_in_dim3A_267, %broadcast_in_dim3A_268 : vector<128x512xi1>, vector<128x512xi32>
    %add3A_270 = arith.constant 7168 : i32
    %add3A_271 = vector.broadcast %add3A_270 : i32 to vector<128x512xi32>
    %add3A_272 = arith.addi %select_n3A_269, %add3A_271 : vector<128x512xi32>
    %add3A_273 = arith.addi %add3A_272, %min3A_264 : vector<128x512xi32>
    %slice3A_274 = vector.extract_strided_slice %add3A_273 {offsets = [0, 0], sizes = [128, 256], strides = [1, 1]} : vector<128x512xi32> to vector<128x256xi32>
    %slice3A_275 = vector.extract_strided_slice %add3A_273 {offsets = [0, 256], sizes = [128, 256], strides = [1, 1]} : vector<128x512xi32> to vector<128x256xi32>
    %shift_left3A_276 = arith.constant 16 : i32
    %shift_left3A_277 = vector.broadcast %shift_left3A_276 : i32 to vector<128x256xi32>
    %shift_left3A_278 = arith.shli %slice3A_275, %shift_left3A_277 : vector<128x256xi32>
    %or3A_279 = arith.ori %slice3A_274, %shift_left3A_278 : vector<128x256xi32>
    %swap3A_280 = arith.constant 896 : index
    %swap3A_281 = arith.constant 0 : index
    %swap3A_282 = vector.load %arg3[%swap3A_280, %swap3A_281] : memref<2432x256xi32, #tpu.memory_space<vmem>>, vector<128x256xi32>
    tpu.vector_store %arg3[%swap3A_280, %swap3A_281], %or3A_279 {strides = array<i32>} : memref<2432x256xi32, #tpu.memory_space<vmem>>, vector<128x256xi32>,
    %slice3A_283 = vector.extract_strided_slice %exp3A {offsets = [8, 0, 0], sizes = [1, 128, 512], strides = [1, 1, 1]} : vector<19x128x512xf32> to vector<1x128x512xf32>
    %squeeze3A_284 = vector.shape_cast %slice3A_283 : vector<1x128x512xf32> to vector<128x512xf32>
    %mul3A_285 = arith.mulf %squeeze3A_284, %div3A_14 : vector<128x512xf32>
    %eq3A_286 = arith.constant 8 : i32
    %eq3A_287 = vector.broadcast %eq3A_286 : i32 to vector<128x512xi32>
    %eq3A_288 = arith.cmpi eq, %get3A_9, %eq3A_287 : vector<128x512xi32>
    %sub3A_289 = arith.constant 1.000000e+00 : f32
    %sub3A_290 = vector.broadcast %sub3A_289 : f32 to vector<128x512xf32>
    %sub3A_291 = arith.subf %sub3A_290, %mul3A_285 : vector<128x512xf32>
    %select_n3A_292 = arith.select %eq3A_288, %sub3A_291, %mul3A_285 : vector<128x512xi1>, vector<128x512xf32>
    %mul3A_293 = arith.constant 1.024000e+03 : f32
    %mul3A_294 = vector.broadcast %mul3A_293 : f32 to vector<128x512xf32>
    %mul3A_295 = arith.mulf %select_n3A_292, %mul3A_294 : vector<128x512xf32>
    %convert_element_type3A_296 = arith.fptosi %mul3A_295 : vector<128x512xf32> to vector<128x512xi32>
    %min3A_297 = arith.constant 1023 : i32
    %min3A_298 = vector.broadcast %min3A_297 : i32 to vector<128x512xi32>
    %min3A_299 = arith.minsi %convert_element_type3A_296, %min3A_298 : vector<128x512xi32>
    %jit3A_300 = arith.constant 19456 : i32
    %jit3A_301 = arith.constant 0 : i32
    %broadcast_in_dim3A_302 = vector.broadcast %jit3A_300 : i32 to vector<128x512xi32>
    %broadcast_in_dim3A_303 = vector.broadcast %jit3A_301 : i32 to vector<128x512xi32>
    %select_n3A_304 = arith.select %eq3A_288, %broadcast_in_dim3A_302, %broadcast_in_dim3A_303 : vector<128x512xi1>, vector<128x512xi32>
    %add3A_305 = arith.constant 8192 : i32
    %add3A_306 = vector.broadcast %add3A_305 : i32 to vector<128x512xi32>
    %add3A_307 = arith.addi %select_n3A_304, %add3A_306 : vector<128x512xi32>
    %add3A_308 = arith.addi %add3A_307, %min3A_299 : vector<128x512xi32>
    %slice3A_309 = vector.extract_strided_slice %add3A_308 {offsets = [0, 0], sizes = [128, 256], strides = [1, 1]} : vector<128x512xi32> to vector<128x256xi32>
    %slice3A_310 = vector.extract_strided_slice %add3A_308 {offsets = [0, 256], sizes = [128, 256], strides = [1, 1]} : vector<128x512xi32> to vector<128x256xi32>
    %shift_left3A_311 = arith.constant 16 : i32
    %shift_left3A_312 = vector.broadcast %shift_left3A_311 : i32 to vector<128x256xi32>
    %shift_left3A_313 = arith.shli %slice3A_310, %shift_left3A_312 : vector<128x256xi32>
    %or3A_314 = arith.ori %slice3A_309, %shift_left3A_313 : vector<128x256xi32>
    %swap3A_315 = arith.constant 1024 : index
    %swap3A_316 = arith.constant 0 : index
    %swap3A_317 = vector.load %arg3[%swap3A_315, %swap3A_316] : memref<2432x256xi32, #tpu.memory_space<vmem>>, vector<128x256xi32>
    tpu.vector_store %arg3[%swap3A_315, %swap3A_316], %or3A_314 {strides = array<i32>} : memref<2432x256xi32, #tpu.memory_space<vmem>>, vector<128x256xi32>,
    %slice3A_318 = vector.extract_strided_slice %exp3A {offsets = [9, 0, 0], sizes = [1, 128, 512], strides = [1, 1, 1]} : vector<19x128x512xf32> to vector<1x128x512xf32>
    %squeeze3A_319 = vector.shape_cast %slice3A_318 : vector<1x128x512xf32> to vector<128x512xf32>
    %mul3A_320 = arith.mulf %squeeze3A_319, %div3A_14 : vector<128x512xf32>
    %eq3A_321 = arith.constant 9 : i32
    %eq3A_322 = vector.broadcast %eq3A_321 : i32 to vector<128x512xi32>
    %eq3A_323 = arith.cmpi eq, %get3A_9, %eq3A_322 : vector<128x512xi32>
    %sub3A_324 = arith.constant 1.000000e+00 : f32
    %sub3A_325 = vector.broadcast %sub3A_324 : f32 to vector<128x512xf32>
    %sub3A_326 = arith.subf %sub3A_325, %mul3A_320 : vector<128x512xf32>
    %select_n3A_327 = arith.select %eq3A_323, %sub3A_326, %mul3A_320 : vector<128x512xi1>, vector<128x512xf32>
    %mul3A_328 = arith.constant 1.024000e+03 : f32
    %mul3A_329 = vector.broadcast %mul3A_328 : f32 to vector<128x512xf32>
    %mul3A_330 = arith.mulf %select_n3A_327, %mul3A_329 : vector<128x512xf32>
    %convert_element_type3A_331 = arith.fptosi %mul3A_330 : vector<128x512xf32> to vector<128x512xi32>
    %min3A_332 = arith.constant 1023 : i32
    %min3A_333 = vector.broadcast %min3A_332 : i32 to vector<128x512xi32>
    %min3A_334 = arith.minsi %convert_element_type3A_331, %min3A_333 : vector<128x512xi32>
    %jit3A_335 = arith.constant 19456 : i32
    %jit3A_336 = arith.constant 0 : i32
    %broadcast_in_dim3A_337 = vector.broadcast %jit3A_335 : i32 to vector<128x512xi32>
    %broadcast_in_dim3A_338 = vector.broadcast %jit3A_336 : i32 to vector<128x512xi32>
    %select_n3A_339 = arith.select %eq3A_323, %broadcast_in_dim3A_337, %broadcast_in_dim3A_338 : vector<128x512xi1>, vector<128x512xi32>
    %add3A_340 = arith.constant 9216 : i32
    %add3A_341 = vector.broadcast %add3A_340 : i32 to vector<128x512xi32>
    %add3A_342 = arith.addi %select_n3A_339, %add3A_341 : vector<128x512xi32>
    %add3A_343 = arith.addi %add3A_342, %min3A_334 : vector<128x512xi32>
    %slice3A_344 = vector.extract_strided_slice %add3A_343 {offsets = [0, 0], sizes = [128, 256], strides = [1, 1]} : vector<128x512xi32> to vector<128x256xi32>
    %slice3A_345 = vector.extract_strided_slice %add3A_343 {offsets = [0, 256], sizes = [128, 256], strides = [1, 1]} : vector<128x512xi32> to vector<128x256xi32>
    %shift_left3A_346 = arith.constant 16 : i32
    %shift_left3A_347 = vector.broadcast %shift_left3A_346 : i32 to vector<128x256xi32>
    %shift_left3A_348 = arith.shli %slice3A_345, %shift_left3A_347 : vector<128x256xi32>
    %or3A_349 = arith.ori %slice3A_344, %shift_left3A_348 : vector<128x256xi32>
    %swap3A_350 = arith.constant 1152 : index
    %swap3A_351 = arith.constant 0 : index
    %swap3A_352 = vector.load %arg3[%swap3A_350, %swap3A_351] : memref<2432x256xi32, #tpu.memory_space<vmem>>, vector<128x256xi32>
    tpu.vector_store %arg3[%swap3A_350, %swap3A_351], %or3A_349 {strides = array<i32>} : memref<2432x256xi32, #tpu.memory_space<vmem>>, vector<128x256xi32>,
    %slice3A_353 = vector.extract_strided_slice %exp3A {offsets = [10, 0, 0], sizes = [1, 128, 512], strides = [1, 1, 1]} : vector<19x128x512xf32> to vector<1x128x512xf32>
    %squeeze3A_354 = vector.shape_cast %slice3A_353 : vector<1x128x512xf32> to vector<128x512xf32>
    %mul3A_355 = arith.mulf %squeeze3A_354, %div3A_14 : vector<128x512xf32>
    %eq3A_356 = arith.constant 10 : i32
    %eq3A_357 = vector.broadcast %eq3A_356 : i32 to vector<128x512xi32>
    %eq3A_358 = arith.cmpi eq, %get3A_9, %eq3A_357 : vector<128x512xi32>
    %sub3A_359 = arith.constant 1.000000e+00 : f32
    %sub3A_360 = vector.broadcast %sub3A_359 : f32 to vector<128x512xf32>
    %sub3A_361 = arith.subf %sub3A_360, %mul3A_355 : vector<128x512xf32>
    %select_n3A_362 = arith.select %eq3A_358, %sub3A_361, %mul3A_355 : vector<128x512xi1>, vector<128x512xf32>
    %mul3A_363 = arith.constant 1.024000e+03 : f32
    %mul3A_364 = vector.broadcast %mul3A_363 : f32 to vector<128x512xf32>
    %mul3A_365 = arith.mulf %select_n3A_362, %mul3A_364 : vector<128x512xf32>
    %convert_element_type3A_366 = arith.fptosi %mul3A_365 : vector<128x512xf32> to vector<128x512xi32>
    %min3A_367 = arith.constant 1023 : i32
    %min3A_368 = vector.broadcast %min3A_367 : i32 to vector<128x512xi32>
    %min3A_369 = arith.minsi %convert_element_type3A_366, %min3A_368 : vector<128x512xi32>
    %jit3A_370 = arith.constant 19456 : i32
    %jit3A_371 = arith.constant 0 : i32
    %broadcast_in_dim3A_372 = vector.broadcast %jit3A_370 : i32 to vector<128x512xi32>
    %broadcast_in_dim3A_373 = vector.broadcast %jit3A_371 : i32 to vector<128x512xi32>
    %select_n3A_374 = arith.select %eq3A_358, %broadcast_in_dim3A_372, %broadcast_in_dim3A_373 : vector<128x512xi1>, vector<128x512xi32>
    %add3A_375 = arith.constant 10240 : i32
    %add3A_376 = vector.broadcast %add3A_375 : i32 to vector<128x512xi32>
    %add3A_377 = arith.addi %select_n3A_374, %add3A_376 : vector<128x512xi32>
    %add3A_378 = arith.addi %add3A_377, %min3A_369 : vector<128x512xi32>
    %slice3A_379 = vector.extract_strided_slice %add3A_378 {offsets = [0, 0], sizes = [128, 256], strides = [1, 1]} : vector<128x512xi32> to vector<128x256xi32>
    %slice3A_380 = vector.extract_strided_slice %add3A_378 {offsets = [0, 256], sizes = [128, 256], strides = [1, 1]} : vector<128x512xi32> to vector<128x256xi32>
    %shift_left3A_381 = arith.constant 16 : i32
    %shift_left3A_382 = vector.broadcast %shift_left3A_381 : i32 to vector<128x256xi32>
    %shift_left3A_383 = arith.shli %slice3A_380, %shift_left3A_382 : vector<128x256xi32>
    %or3A_384 = arith.ori %slice3A_379, %shift_left3A_383 : vector<128x256xi32>
    %swap3A_385 = arith.constant 1280 : index
    %swap3A_386 = arith.constant 0 : index
    %swap3A_387 = vector.load %arg3[%swap3A_385, %swap3A_386] : memref<2432x256xi32, #tpu.memory_space<vmem>>, vector<128x256xi32>
    tpu.vector_store %arg3[%swap3A_385, %swap3A_386], %or3A_384 {strides = array<i32>} : memref<2432x256xi32, #tpu.memory_space<vmem>>, vector<128x256xi32>,
    %slice3A_388 = vector.extract_strided_slice %exp3A {offsets = [11, 0, 0], sizes = [1, 128, 512], strides = [1, 1, 1]} : vector<19x128x512xf32> to vector<1x128x512xf32>
    %squeeze3A_389 = vector.shape_cast %slice3A_388 : vector<1x128x512xf32> to vector<128x512xf32>
    %mul3A_390 = arith.mulf %squeeze3A_389, %div3A_14 : vector<128x512xf32>
    %eq3A_391 = arith.constant 11 : i32
    %eq3A_392 = vector.broadcast %eq3A_391 : i32 to vector<128x512xi32>
    %eq3A_393 = arith.cmpi eq, %get3A_9, %eq3A_392 : vector<128x512xi32>
    %sub3A_394 = arith.constant 1.000000e+00 : f32
    %sub3A_395 = vector.broadcast %sub3A_394 : f32 to vector<128x512xf32>
    %sub3A_396 = arith.subf %sub3A_395, %mul3A_390 : vector<128x512xf32>
    %select_n3A_397 = arith.select %eq3A_393, %sub3A_396, %mul3A_390 : vector<128x512xi1>, vector<128x512xf32>
    %mul3A_398 = arith.constant 1.024000e+03 : f32
    %mul3A_399 = vector.broadcast %mul3A_398 : f32 to vector<128x512xf32>
    %mul3A_400 = arith.mulf %select_n3A_397, %mul3A_399 : vector<128x512xf32>
    %convert_element_type3A_401 = arith.fptosi %mul3A_400 : vector<128x512xf32> to vector<128x512xi32>
    %min3A_402 = arith.constant 1023 : i32
    %min3A_403 = vector.broadcast %min3A_402 : i32 to vector<128x512xi32>
    %min3A_404 = arith.minsi %convert_element_type3A_401, %min3A_403 : vector<128x512xi32>
    %jit3A_405 = arith.constant 19456 : i32
    %jit3A_406 = arith.constant 0 : i32
    %broadcast_in_dim3A_407 = vector.broadcast %jit3A_405 : i32 to vector<128x512xi32>
    %broadcast_in_dim3A_408 = vector.broadcast %jit3A_406 : i32 to vector<128x512xi32>
    %select_n3A_409 = arith.select %eq3A_393, %broadcast_in_dim3A_407, %broadcast_in_dim3A_408 : vector<128x512xi1>, vector<128x512xi32>
    %add3A_410 = arith.constant 11264 : i32
    %add3A_411 = vector.broadcast %add3A_410 : i32 to vector<128x512xi32>
    %add3A_412 = arith.addi %select_n3A_409, %add3A_411 : vector<128x512xi32>
    %add3A_413 = arith.addi %add3A_412, %min3A_404 : vector<128x512xi32>
    %slice3A_414 = vector.extract_strided_slice %add3A_413 {offsets = [0, 0], sizes = [128, 256], strides = [1, 1]} : vector<128x512xi32> to vector<128x256xi32>
    %slice3A_415 = vector.extract_strided_slice %add3A_413 {offsets = [0, 256], sizes = [128, 256], strides = [1, 1]} : vector<128x512xi32> to vector<128x256xi32>
    %shift_left3A_416 = arith.constant 16 : i32
    %shift_left3A_417 = vector.broadcast %shift_left3A_416 : i32 to vector<128x256xi32>
    %shift_left3A_418 = arith.shli %slice3A_415, %shift_left3A_417 : vector<128x256xi32>
    %or3A_419 = arith.ori %slice3A_414, %shift_left3A_418 : vector<128x256xi32>
    %swap3A_420 = arith.constant 1408 : index
    %swap3A_421 = arith.constant 0 : index
    %swap3A_422 = vector.load %arg3[%swap3A_420, %swap3A_421] : memref<2432x256xi32, #tpu.memory_space<vmem>>, vector<128x256xi32>
    tpu.vector_store %arg3[%swap3A_420, %swap3A_421], %or3A_419 {strides = array<i32>} : memref<2432x256xi32, #tpu.memory_space<vmem>>, vector<128x256xi32>,
    %slice3A_423 = vector.extract_strided_slice %exp3A {offsets = [12, 0, 0], sizes = [1, 128, 512], strides = [1, 1, 1]} : vector<19x128x512xf32> to vector<1x128x512xf32>
    %squeeze3A_424 = vector.shape_cast %slice3A_423 : vector<1x128x512xf32> to vector<128x512xf32>
    %mul3A_425 = arith.mulf %squeeze3A_424, %div3A_14 : vector<128x512xf32>
    %eq3A_426 = arith.constant 12 : i32
    %eq3A_427 = vector.broadcast %eq3A_426 : i32 to vector<128x512xi32>
    %eq3A_428 = arith.cmpi eq, %get3A_9, %eq3A_427 : vector<128x512xi32>
    %sub3A_429 = arith.constant 1.000000e+00 : f32
    %sub3A_430 = vector.broadcast %sub3A_429 : f32 to vector<128x512xf32>
    %sub3A_431 = arith.subf %sub3A_430, %mul3A_425 : vector<128x512xf32>
    %select_n3A_432 = arith.select %eq3A_428, %sub3A_431, %mul3A_425 : vector<128x512xi1>, vector<128x512xf32>
    %mul3A_433 = arith.constant 1.024000e+03 : f32
    %mul3A_434 = vector.broadcast %mul3A_433 : f32 to vector<128x512xf32>
    %mul3A_435 = arith.mulf %select_n3A_432, %mul3A_434 : vector<128x512xf32>
    %convert_element_type3A_436 = arith.fptosi %mul3A_435 : vector<128x512xf32> to vector<128x512xi32>
    %min3A_437 = arith.constant 1023 : i32
    %min3A_438 = vector.broadcast %min3A_437 : i32 to vector<128x512xi32>
    %min3A_439 = arith.minsi %convert_element_type3A_436, %min3A_438 : vector<128x512xi32>
    %jit3A_440 = arith.constant 19456 : i32
    %jit3A_441 = arith.constant 0 : i32
    %broadcast_in_dim3A_442 = vector.broadcast %jit3A_440 : i32 to vector<128x512xi32>
    %broadcast_in_dim3A_443 = vector.broadcast %jit3A_441 : i32 to vector<128x512xi32>
    %select_n3A_444 = arith.select %eq3A_428, %broadcast_in_dim3A_442, %broadcast_in_dim3A_443 : vector<128x512xi1>, vector<128x512xi32>
    %add3A_445 = arith.constant 12288 : i32
    %add3A_446 = vector.broadcast %add3A_445 : i32 to vector<128x512xi32>
    %add3A_447 = arith.addi %select_n3A_444, %add3A_446 : vector<128x512xi32>
    %add3A_448 = arith.addi %add3A_447, %min3A_439 : vector<128x512xi32>
    %slice3A_449 = vector.extract_strided_slice %add3A_448 {offsets = [0, 0], sizes = [128, 256], strides = [1, 1]} : vector<128x512xi32> to vector<128x256xi32>
    %slice3A_450 = vector.extract_strided_slice %add3A_448 {offsets = [0, 256], sizes = [128, 256], strides = [1, 1]} : vector<128x512xi32> to vector<128x256xi32>
    %shift_left3A_451 = arith.constant 16 : i32
    %shift_left3A_452 = vector.broadcast %shift_left3A_451 : i32 to vector<128x256xi32>
    %shift_left3A_453 = arith.shli %slice3A_450, %shift_left3A_452 : vector<128x256xi32>
    %or3A_454 = arith.ori %slice3A_449, %shift_left3A_453 : vector<128x256xi32>
    %swap3A_455 = arith.constant 1536 : index
    %swap3A_456 = arith.constant 0 : index
    %swap3A_457 = vector.load %arg3[%swap3A_455, %swap3A_456] : memref<2432x256xi32, #tpu.memory_space<vmem>>, vector<128x256xi32>
    tpu.vector_store %arg3[%swap3A_455, %swap3A_456], %or3A_454 {strides = array<i32>} : memref<2432x256xi32, #tpu.memory_space<vmem>>, vector<128x256xi32>,
    %slice3A_458 = vector.extract_strided_slice %exp3A {offsets = [13, 0, 0], sizes = [1, 128, 512], strides = [1, 1, 1]} : vector<19x128x512xf32> to vector<1x128x512xf32>
    %squeeze3A_459 = vector.shape_cast %slice3A_458 : vector<1x128x512xf32> to vector<128x512xf32>
    %mul3A_460 = arith.mulf %squeeze3A_459, %div3A_14 : vector<128x512xf32>
    %eq3A_461 = arith.constant 13 : i32
    %eq3A_462 = vector.broadcast %eq3A_461 : i32 to vector<128x512xi32>
    %eq3A_463 = arith.cmpi eq, %get3A_9, %eq3A_462 : vector<128x512xi32>
    %sub3A_464 = arith.constant 1.000000e+00 : f32
    %sub3A_465 = vector.broadcast %sub3A_464 : f32 to vector<128x512xf32>
    %sub3A_466 = arith.subf %sub3A_465, %mul3A_460 : vector<128x512xf32>
    %select_n3A_467 = arith.select %eq3A_463, %sub3A_466, %mul3A_460 : vector<128x512xi1>, vector<128x512xf32>
    %mul3A_468 = arith.constant 1.024000e+03 : f32
    %mul3A_469 = vector.broadcast %mul3A_468 : f32 to vector<128x512xf32>
    %mul3A_470 = arith.mulf %select_n3A_467, %mul3A_469 : vector<128x512xf32>
    %convert_element_type3A_471 = arith.fptosi %mul3A_470 : vector<128x512xf32> to vector<128x512xi32>
    %min3A_472 = arith.constant 1023 : i32
    %min3A_473 = vector.broadcast %min3A_472 : i32 to vector<128x512xi32>
    %min3A_474 = arith.minsi %convert_element_type3A_471, %min3A_473 : vector<128x512xi32>
    %jit3A_475 = arith.constant 19456 : i32
    %jit3A_476 = arith.constant 0 : i32
    %broadcast_in_dim3A_477 = vector.broadcast %jit3A_475 : i32 to vector<128x512xi32>
    %broadcast_in_dim3A_478 = vector.broadcast %jit3A_476 : i32 to vector<128x512xi32>
    %select_n3A_479 = arith.select %eq3A_463, %broadcast_in_dim3A_477, %broadcast_in_dim3A_478 : vector<128x512xi1>, vector<128x512xi32>
    %add3A_480 = arith.constant 13312 : i32
    %add3A_481 = vector.broadcast %add3A_480 : i32 to vector<128x512xi32>
    %add3A_482 = arith.addi %select_n3A_479, %add3A_481 : vector<128x512xi32>
    %add3A_483 = arith.addi %add3A_482, %min3A_474 : vector<128x512xi32>
    %slice3A_484 = vector.extract_strided_slice %add3A_483 {offsets = [0, 0], sizes = [128, 256], strides = [1, 1]} : vector<128x512xi32> to vector<128x256xi32>
    %slice3A_485 = vector.extract_strided_slice %add3A_483 {offsets = [0, 256], sizes = [128, 256], strides = [1, 1]} : vector<128x512xi32> to vector<128x256xi32>
    %shift_left3A_486 = arith.constant 16 : i32
    %shift_left3A_487 = vector.broadcast %shift_left3A_486 : i32 to vector<128x256xi32>
    %shift_left3A_488 = arith.shli %slice3A_485, %shift_left3A_487 : vector<128x256xi32>
    %or3A_489 = arith.ori %slice3A_484, %shift_left3A_488 : vector<128x256xi32>
    %swap3A_490 = arith.constant 1664 : index
    %swap3A_491 = arith.constant 0 : index
    %swap3A_492 = vector.load %arg3[%swap3A_490, %swap3A_491] : memref<2432x256xi32, #tpu.memory_space<vmem>>, vector<128x256xi32>
    tpu.vector_store %arg3[%swap3A_490, %swap3A_491], %or3A_489 {strides = array<i32>} : memref<2432x256xi32, #tpu.memory_space<vmem>>, vector<128x256xi32>,
    %slice3A_493 = vector.extract_strided_slice %exp3A {offsets = [14, 0, 0], sizes = [1, 128, 512], strides = [1, 1, 1]} : vector<19x128x512xf32> to vector<1x128x512xf32>
    %squeeze3A_494 = vector.shape_cast %slice3A_493 : vector<1x128x512xf32> to vector<128x512xf32>
    %mul3A_495 = arith.mulf %squeeze3A_494, %div3A_14 : vector<128x512xf32>
    %eq3A_496 = arith.constant 14 : i32
    %eq3A_497 = vector.broadcast %eq3A_496 : i32 to vector<128x512xi32>
    %eq3A_498 = arith.cmpi eq, %get3A_9, %eq3A_497 : vector<128x512xi32>
    %sub3A_499 = arith.constant 1.000000e+00 : f32
    %sub3A_500 = vector.broadcast %sub3A_499 : f32 to vector<128x512xf32>
    %sub3A_501 = arith.subf %sub3A_500, %mul3A_495 : vector<128x512xf32>
    %select_n3A_502 = arith.select %eq3A_498, %sub3A_501, %mul3A_495 : vector<128x512xi1>, vector<128x512xf32>
    %mul3A_503 = arith.constant 1.024000e+03 : f32
    %mul3A_504 = vector.broadcast %mul3A_503 : f32 to vector<128x512xf32>
    %mul3A_505 = arith.mulf %select_n3A_502, %mul3A_504 : vector<128x512xf32>
    %convert_element_type3A_506 = arith.fptosi %mul3A_505 : vector<128x512xf32> to vector<128x512xi32>
    %min3A_507 = arith.constant 1023 : i32
    %min3A_508 = vector.broadcast %min3A_507 : i32 to vector<128x512xi32>
    %min3A_509 = arith.minsi %convert_element_type3A_506, %min3A_508 : vector<128x512xi32>
    %jit3A_510 = arith.constant 19456 : i32
    %jit3A_511 = arith.constant 0 : i32
    %broadcast_in_dim3A_512 = vector.broadcast %jit3A_510 : i32 to vector<128x512xi32>
    %broadcast_in_dim3A_513 = vector.broadcast %jit3A_511 : i32 to vector<128x512xi32>
    %select_n3A_514 = arith.select %eq3A_498, %broadcast_in_dim3A_512, %broadcast_in_dim3A_513 : vector<128x512xi1>, vector<128x512xi32>
    %add3A_515 = arith.constant 14336 : i32
    %add3A_516 = vector.broadcast %add3A_515 : i32 to vector<128x512xi32>
    %add3A_517 = arith.addi %select_n3A_514, %add3A_516 : vector<128x512xi32>
    %add3A_518 = arith.addi %add3A_517, %min3A_509 : vector<128x512xi32>
    %slice3A_519 = vector.extract_strided_slice %add3A_518 {offsets = [0, 0], sizes = [128, 256], strides = [1, 1]} : vector<128x512xi32> to vector<128x256xi32>
    %slice3A_520 = vector.extract_strided_slice %add3A_518 {offsets = [0, 256], sizes = [128, 256], strides = [1, 1]} : vector<128x512xi32> to vector<128x256xi32>
    %shift_left3A_521 = arith.constant 16 : i32
    %shift_left3A_522 = vector.broadcast %shift_left3A_521 : i32 to vector<128x256xi32>
    %shift_left3A_523 = arith.shli %slice3A_520, %shift_left3A_522 : vector<128x256xi32>
    %or3A_524 = arith.ori %slice3A_519, %shift_left3A_523 : vector<128x256xi32>
    %swap3A_525 = arith.constant 1792 : index
    %swap3A_526 = arith.constant 0 : index
    %swap3A_527 = vector.load %arg3[%swap3A_525, %swap3A_526] : memref<2432x256xi32, #tpu.memory_space<vmem>>, vector<128x256xi32>
    tpu.vector_store %arg3[%swap3A_525, %swap3A_526], %or3A_524 {strides = array<i32>} : memref<2432x256xi32, #tpu.memory_space<vmem>>, vector<128x256xi32>,
    %slice3A_528 = vector.extract_strided_slice %exp3A {offsets = [15, 0, 0], sizes = [1, 128, 512], strides = [1, 1, 1]} : vector<19x128x512xf32> to vector<1x128x512xf32>
    %squeeze3A_529 = vector.shape_cast %slice3A_528 : vector<1x128x512xf32> to vector<128x512xf32>
    %mul3A_530 = arith.mulf %squeeze3A_529, %div3A_14 : vector<128x512xf32>
    %eq3A_531 = arith.constant 15 : i32
    %eq3A_532 = vector.broadcast %eq3A_531 : i32 to vector<128x512xi32>
    %eq3A_533 = arith.cmpi eq, %get3A_9, %eq3A_532 : vector<128x512xi32>
    %sub3A_534 = arith.constant 1.000000e+00 : f32
    %sub3A_535 = vector.broadcast %sub3A_534 : f32 to vector<128x512xf32>
    %sub3A_536 = arith.subf %sub3A_535, %mul3A_530 : vector<128x512xf32>
    %select_n3A_537 = arith.select %eq3A_533, %sub3A_536, %mul3A_530 : vector<128x512xi1>, vector<128x512xf32>
    %mul3A_538 = arith.constant 1.024000e+03 : f32
    %mul3A_539 = vector.broadcast %mul3A_538 : f32 to vector<128x512xf32>
    %mul3A_540 = arith.mulf %select_n3A_537, %mul3A_539 : vector<128x512xf32>
    %convert_element_type3A_541 = arith.fptosi %mul3A_540 : vector<128x512xf32> to vector<128x512xi32>
    %min3A_542 = arith.constant 1023 : i32
    %min3A_543 = vector.broadcast %min3A_542 : i32 to vector<128x512xi32>
    %min3A_544 = arith.minsi %convert_element_type3A_541, %min3A_543 : vector<128x512xi32>
    %jit3A_545 = arith.constant 19456 : i32
    %jit3A_546 = arith.constant 0 : i32
    %broadcast_in_dim3A_547 = vector.broadcast %jit3A_545 : i32 to vector<128x512xi32>
    %broadcast_in_dim3A_548 = vector.broadcast %jit3A_546 : i32 to vector<128x512xi32>
    %select_n3A_549 = arith.select %eq3A_533, %broadcast_in_dim3A_547, %broadcast_in_dim3A_548 : vector<128x512xi1>, vector<128x512xi32>
    %add3A_550 = arith.constant 15360 : i32
    %add3A_551 = vector.broadcast %add3A_550 : i32 to vector<128x512xi32>
    %add3A_552 = arith.addi %select_n3A_549, %add3A_551 : vector<128x512xi32>
    %add3A_553 = arith.addi %add3A_552, %min3A_544 : vector<128x512xi32>
    %slice3A_554 = vector.extract_strided_slice %add3A_553 {offsets = [0, 0], sizes = [128, 256], strides = [1, 1]} : vector<128x512xi32> to vector<128x256xi32>
    %slice3A_555 = vector.extract_strided_slice %add3A_553 {offsets = [0, 256], sizes = [128, 256], strides = [1, 1]} : vector<128x512xi32> to vector<128x256xi32>
    %shift_left3A_556 = arith.constant 16 : i32
    %shift_left3A_557 = vector.broadcast %shift_left3A_556 : i32 to vector<128x256xi32>
    %shift_left3A_558 = arith.shli %slice3A_555, %shift_left3A_557 : vector<128x256xi32>
    %or3A_559 = arith.ori %slice3A_554, %shift_left3A_558 : vector<128x256xi32>
    %swap3A_560 = arith.constant 1920 : index
    %swap3A_561 = arith.constant 0 : index
    %swap3A_562 = vector.load %arg3[%swap3A_560, %swap3A_561] : memref<2432x256xi32, #tpu.memory_space<vmem>>, vector<128x256xi32>
    tpu.vector_store %arg3[%swap3A_560, %swap3A_561], %or3A_559 {strides = array<i32>} : memref<2432x256xi32, #tpu.memory_space<vmem>>, vector<128x256xi32>,
    %slice3A_563 = vector.extract_strided_slice %exp3A {offsets = [16, 0, 0], sizes = [1, 128, 512], strides = [1, 1, 1]} : vector<19x128x512xf32> to vector<1x128x512xf32>
    %squeeze3A_564 = vector.shape_cast %slice3A_563 : vector<1x128x512xf32> to vector<128x512xf32>
    %mul3A_565 = arith.mulf %squeeze3A_564, %div3A_14 : vector<128x512xf32>
    %eq3A_566 = arith.constant 16 : i32
    %eq3A_567 = vector.broadcast %eq3A_566 : i32 to vector<128x512xi32>
    %eq3A_568 = arith.cmpi eq, %get3A_9, %eq3A_567 : vector<128x512xi32>
    %sub3A_569 = arith.constant 1.000000e+00 : f32
    %sub3A_570 = vector.broadcast %sub3A_569 : f32 to vector<128x512xf32>
    %sub3A_571 = arith.subf %sub3A_570, %mul3A_565 : vector<128x512xf32>
    %select_n3A_572 = arith.select %eq3A_568, %sub3A_571, %mul3A_565 : vector<128x512xi1>, vector<128x512xf32>
    %mul3A_573 = arith.constant 1.024000e+03 : f32
    %mul3A_574 = vector.broadcast %mul3A_573 : f32 to vector<128x512xf32>
    %mul3A_575 = arith.mulf %select_n3A_572, %mul3A_574 : vector<128x512xf32>
    %convert_element_type3A_576 = arith.fptosi %mul3A_575 : vector<128x512xf32> to vector<128x512xi32>
    %min3A_577 = arith.constant 1023 : i32
    %min3A_578 = vector.broadcast %min3A_577 : i32 to vector<128x512xi32>
    %min3A_579 = arith.minsi %convert_element_type3A_576, %min3A_578 : vector<128x512xi32>
    %jit3A_580 = arith.constant 19456 : i32
    %jit3A_581 = arith.constant 0 : i32
    %broadcast_in_dim3A_582 = vector.broadcast %jit3A_580 : i32 to vector<128x512xi32>
    %broadcast_in_dim3A_583 = vector.broadcast %jit3A_581 : i32 to vector<128x512xi32>
    %select_n3A_584 = arith.select %eq3A_568, %broadcast_in_dim3A_582, %broadcast_in_dim3A_583 : vector<128x512xi1>, vector<128x512xi32>
    %add3A_585 = arith.constant 16384 : i32
    %add3A_586 = vector.broadcast %add3A_585 : i32 to vector<128x512xi32>
    %add3A_587 = arith.addi %select_n3A_584, %add3A_586 : vector<128x512xi32>
    %add3A_588 = arith.addi %add3A_587, %min3A_579 : vector<128x512xi32>
    %slice3A_589 = vector.extract_strided_slice %add3A_588 {offsets = [0, 0], sizes = [128, 256], strides = [1, 1]} : vector<128x512xi32> to vector<128x256xi32>
    %slice3A_590 = vector.extract_strided_slice %add3A_588 {offsets = [0, 256], sizes = [128, 256], strides = [1, 1]} : vector<128x512xi32> to vector<128x256xi32>
    %shift_left3A_591 = arith.constant 16 : i32
    %shift_left3A_592 = vector.broadcast %shift_left3A_591 : i32 to vector<128x256xi32>
    %shift_left3A_593 = arith.shli %slice3A_590, %shift_left3A_592 : vector<128x256xi32>
    %or3A_594 = arith.ori %slice3A_589, %shift_left3A_593 : vector<128x256xi32>
    %swap3A_595 = arith.constant 2048 : index
    %swap3A_596 = arith.constant 0 : index
    %swap3A_597 = vector.load %arg3[%swap3A_595, %swap3A_596] : memref<2432x256xi32, #tpu.memory_space<vmem>>, vector<128x256xi32>
    tpu.vector_store %arg3[%swap3A_595, %swap3A_596], %or3A_594 {strides = array<i32>} : memref<2432x256xi32, #tpu.memory_space<vmem>>, vector<128x256xi32>,
    %slice3A_598 = vector.extract_strided_slice %exp3A {offsets = [17, 0, 0], sizes = [1, 128, 512], strides = [1, 1, 1]} : vector<19x128x512xf32> to vector<1x128x512xf32>
    %squeeze3A_599 = vector.shape_cast %slice3A_598 : vector<1x128x512xf32> to vector<128x512xf32>
    %mul3A_600 = arith.mulf %squeeze3A_599, %div3A_14 : vector<128x512xf32>
    %eq3A_601 = arith.constant 17 : i32
    %eq3A_602 = vector.broadcast %eq3A_601 : i32 to vector<128x512xi32>
    %eq3A_603 = arith.cmpi eq, %get3A_9, %eq3A_602 : vector<128x512xi32>
    %sub3A_604 = arith.constant 1.000000e+00 : f32
    %sub3A_605 = vector.broadcast %sub3A_604 : f32 to vector<128x512xf32>
    %sub3A_606 = arith.subf %sub3A_605, %mul3A_600 : vector<128x512xf32>
    %select_n3A_607 = arith.select %eq3A_603, %sub3A_606, %mul3A_600 : vector<128x512xi1>, vector<128x512xf32>
    %mul3A_608 = arith.constant 1.024000e+03 : f32
    %mul3A_609 = vector.broadcast %mul3A_608 : f32 to vector<128x512xf32>
    %mul3A_610 = arith.mulf %select_n3A_607, %mul3A_609 : vector<128x512xf32>
    %convert_element_type3A_611 = arith.fptosi %mul3A_610 : vector<128x512xf32> to vector<128x512xi32>
    %min3A_612 = arith.constant 1023 : i32
    %min3A_613 = vector.broadcast %min3A_612 : i32 to vector<128x512xi32>
    %min3A_614 = arith.minsi %convert_element_type3A_611, %min3A_613 : vector<128x512xi32>
    %jit3A_615 = arith.constant 19456 : i32
    %jit3A_616 = arith.constant 0 : i32
    %broadcast_in_dim3A_617 = vector.broadcast %jit3A_615 : i32 to vector<128x512xi32>
    %broadcast_in_dim3A_618 = vector.broadcast %jit3A_616 : i32 to vector<128x512xi32>
    %select_n3A_619 = arith.select %eq3A_603, %broadcast_in_dim3A_617, %broadcast_in_dim3A_618 : vector<128x512xi1>, vector<128x512xi32>
    %add3A_620 = arith.constant 17408 : i32
    %add3A_621 = vector.broadcast %add3A_620 : i32 to vector<128x512xi32>
    %add3A_622 = arith.addi %select_n3A_619, %add3A_621 : vector<128x512xi32>
    %add3A_623 = arith.addi %add3A_622, %min3A_614 : vector<128x512xi32>
    %slice3A_624 = vector.extract_strided_slice %add3A_623 {offsets = [0, 0], sizes = [128, 256], strides = [1, 1]} : vector<128x512xi32> to vector<128x256xi32>
    %slice3A_625 = vector.extract_strided_slice %add3A_623 {offsets = [0, 256], sizes = [128, 256], strides = [1, 1]} : vector<128x512xi32> to vector<128x256xi32>
    %shift_left3A_626 = arith.constant 16 : i32
    %shift_left3A_627 = vector.broadcast %shift_left3A_626 : i32 to vector<128x256xi32>
    %shift_left3A_628 = arith.shli %slice3A_625, %shift_left3A_627 : vector<128x256xi32>
    %or3A_629 = arith.ori %slice3A_624, %shift_left3A_628 : vector<128x256xi32>
    %swap3A_630 = arith.constant 2176 : index
    %swap3A_631 = arith.constant 0 : index
    %swap3A_632 = vector.load %arg3[%swap3A_630, %swap3A_631] : memref<2432x256xi32, #tpu.memory_space<vmem>>, vector<128x256xi32>
    tpu.vector_store %arg3[%swap3A_630, %swap3A_631], %or3A_629 {strides = array<i32>} : memref<2432x256xi32, #tpu.memory_space<vmem>>, vector<128x256xi32>,
    %slice3A_633 = vector.extract_strided_slice %exp3A {offsets = [18, 0, 0], sizes = [1, 128, 512], strides = [1, 1, 1]} : vector<19x128x512xf32> to vector<1x128x512xf32>
    %squeeze3A_634 = vector.shape_cast %slice3A_633 : vector<1x128x512xf32> to vector<128x512xf32>
    %mul3A_635 = arith.mulf %squeeze3A_634, %div3A_14 : vector<128x512xf32>
    %eq3A_636 = arith.constant 18 : i32
    %eq3A_637 = vector.broadcast %eq3A_636 : i32 to vector<128x512xi32>
    %eq3A_638 = arith.cmpi eq, %get3A_9, %eq3A_637 : vector<128x512xi32>
    %sub3A_639 = arith.constant 1.000000e+00 : f32
    %sub3A_640 = vector.broadcast %sub3A_639 : f32 to vector<128x512xf32>
    %sub3A_641 = arith.subf %sub3A_640, %mul3A_635 : vector<128x512xf32>
    %select_n3A_642 = arith.select %eq3A_638, %sub3A_641, %mul3A_635 : vector<128x512xi1>, vector<128x512xf32>
    %mul3A_643 = arith.constant 1.024000e+03 : f32
    %mul3A_644 = vector.broadcast %mul3A_643 : f32 to vector<128x512xf32>
    %mul3A_645 = arith.mulf %select_n3A_642, %mul3A_644 : vector<128x512xf32>
    %convert_element_type3A_646 = arith.fptosi %mul3A_645 : vector<128x512xf32> to vector<128x512xi32>
    %min3A_647 = arith.constant 1023 : i32
    %min3A_648 = vector.broadcast %min3A_647 : i32 to vector<128x512xi32>
    %min3A_649 = arith.minsi %convert_element_type3A_646, %min3A_648 : vector<128x512xi32>
    %jit3A_650 = arith.constant 19456 : i32
    %jit3A_651 = arith.constant 0 : i32
    %broadcast_in_dim3A_652 = vector.broadcast %jit3A_650 : i32 to vector<128x512xi32>
    %broadcast_in_dim3A_653 = vector.broadcast %jit3A_651 : i32 to vector<128x512xi32>
    %select_n3A_654 = arith.select %eq3A_638, %broadcast_in_dim3A_652, %broadcast_in_dim3A_653 : vector<128x512xi1>, vector<128x512xi32>
    %add3A_655 = arith.constant 18432 : i32
    %add3A_656 = vector.broadcast %add3A_655 : i32 to vector<128x512xi32>
    %add3A_657 = arith.addi %select_n3A_654, %add3A_656 : vector<128x512xi32>
    %add3A_658 = arith.addi %add3A_657, %min3A_649 : vector<128x512xi32>
    %slice3A_659 = vector.extract_strided_slice %add3A_658 {offsets = [0, 0], sizes = [128, 256], strides = [1, 1]} : vector<128x512xi32> to vector<128x256xi32>
    %slice3A_660 = vector.extract_strided_slice %add3A_658 {offsets = [0, 256], sizes = [128, 256], strides = [1, 1]} : vector<128x512xi32> to vector<128x256xi32>
    %shift_left3A_661 = arith.constant 16 : i32
    %shift_left3A_662 = vector.broadcast %shift_left3A_661 : i32 to vector<128x256xi32>
    %shift_left3A_663 = arith.shli %slice3A_660, %shift_left3A_662 : vector<128x256xi32>
    %or3A_664 = arith.ori %slice3A_659, %shift_left3A_663 : vector<128x256xi32>
    %swap3A_665 = arith.constant 2304 : index
    %swap3A_666 = arith.constant 0 : index
    %swap3A_667 = vector.load %arg3[%swap3A_665, %swap3A_666] : memref<2432x256xi32, #tpu.memory_space<vmem>>, vector<128x256xi32>
    tpu.vector_store %arg3[%swap3A_665, %swap3A_666], %or3A_664 {strides = array<i32>} : memref<2432x256xi32, #tpu.memory_space<vmem>>, vector<128x256xi32>,
    return
  }
  func.func @transform_0(%arg0: i32) -> (i32, i32, i32, i32) {
    %add3A = arith.constant 0 : i32
    %add3A_0 = arith.addi %add3A, %arg0 : i32
    %jit3A = arith.constant 4 : i32
    %div3A = arith.divsi %add3A_0, %jit3A : i32
    %sign3A = arith.constant 0 : i32
    %sign3A_1 = arith.cmpi sgt, %add3A_0, %sign3A : i32
    %sign3A_2 = arith.extui %sign3A_1 : i1 to i32
    %sign3A_3 = arith.constant 0 : i32
    %sign3A_4 = arith.cmpi slt, %add3A_0, %sign3A_3 : i32
    %sign3A_5 = arith.extui %sign3A_4 : i1 to i32
    %sign3A_6 = arith.subi %sign3A_2, %sign3A_5 : i32
    %sign3A_7 = arith.constant 0 : i32
    %sign3A_8 = arith.cmpi sgt, %jit3A, %sign3A_7 : i32
    %sign3A_9 = arith.extui %sign3A_8 : i1 to i32
    %sign3A_10 = arith.constant 0 : i32
    %sign3A_11 = arith.cmpi slt, %jit3A, %sign3A_10 : i32
    %sign3A_12 = arith.extui %sign3A_11 : i1 to i32
    %sign3A_13 = arith.subi %sign3A_9, %sign3A_12 : i32
    %ne3A = arith.cmpi ne, %sign3A_6, %sign3A_13 : i32
    %rem3A = arith.remsi %add3A_0, %jit3A : i32
    %ne3A_14 = arith.constant 0 : i32
    %ne3A_15 = arith.cmpi ne, %rem3A, %ne3A_14 : i32
    %and3A = arith.andi %ne3A, %ne3A_15 : i1
    %sub3A = arith.constant 1 : i32
    %sub3A_16 = arith.subi %div3A, %sub3A : i32
    %select_n3A = arith.select %and3A, %sub3A_16, %div3A : i32
    %add3A_17 = arith.constant 0 : i32
    %add3A_18 = arith.addi %add3A_17, %arg0 : i32
    %jit3A_19 = arith.constant 4 : i32
    %eq3A = arith.constant 0 : i32
    %eq3A_20 = arith.cmpi eq, %jit3A_19, %eq3A : i32
    %jit3A_21 = arith.constant 1 : i32
    %select_n3A_22 = arith.select %eq3A_20, %jit3A_21, %jit3A_19 : i32
    %rem3A_23 = arith.remsi %add3A_18, %select_n3A_22 : i32
    %ne3A_24 = arith.constant 0 : i32
    %ne3A_25 = arith.cmpi ne, %rem3A_23, %ne3A_24 : i32
    %lt3A = arith.constant 0 : i32
    %lt3A_26 = arith.cmpi slt, %rem3A_23, %lt3A : i32
    %lt3A_27 = arith.constant 0 : i32
    %lt3A_28 = arith.cmpi slt, %select_n3A_22, %lt3A_27 : i32
    %ne3A_29 = arith.xori %lt3A_26, %lt3A_28 : i1
    %and3A_30 = arith.andi %ne3A_29, %ne3A_25 : i1
    %add3A_31 = arith.addi %rem3A_23, %select_n3A_22 : i32
    %select_n3A_32 = arith.select %and3A_30, %add3A_31, %rem3A_23 : i32
    %c0_i32 = arith.constant 0 : i32
    %c0_i32_33 = arith.constant 0 : i32
    %c0_i32_34 = arith.constant 0 : i32
    return %select_n3A, %c0_i32, %select_n3A_32, %c0_i32_33 : i32, i32, i32, i32
  }
  func.func @transform_1(%arg0: i32) -> (i32, i32, i32) {
    %add3A = arith.constant 0 : i32
    %add3A_0 = arith.addi %add3A, %arg0 : i32
    %jit3A = arith.constant 4 : i32
    %div3A = arith.divsi %add3A_0, %jit3A : i32
    %sign3A = arith.constant 0 : i32
    %sign3A_1 = arith.cmpi sgt, %add3A_0, %sign3A : i32
    %sign3A_2 = arith.extui %sign3A_1 : i1 to i32
    %sign3A_3 = arith.constant 0 : i32
    %sign3A_4 = arith.cmpi slt, %add3A_0, %sign3A_3 : i32
    %sign3A_5 = arith.extui %sign3A_4 : i1 to i32
    %sign3A_6 = arith.subi %sign3A_2, %sign3A_5 : i32
    %sign3A_7 = arith.constant 0 : i32
    %sign3A_8 = arith.cmpi sgt, %jit3A, %sign3A_7 : i32
    %sign3A_9 = arith.extui %sign3A_8 : i1 to i32
    %sign3A_10 = arith.constant 0 : i32
    %sign3A_11 = arith.cmpi slt, %jit3A, %sign3A_10 : i32
    %sign3A_12 = arith.extui %sign3A_11 : i1 to i32
    %sign3A_13 = arith.subi %sign3A_9, %sign3A_12 : i32
    %ne3A = arith.cmpi ne, %sign3A_6, %sign3A_13 : i32
    %rem3A = arith.remsi %add3A_0, %jit3A : i32
    %ne3A_14 = arith.constant 0 : i32
    %ne3A_15 = arith.cmpi ne, %rem3A, %ne3A_14 : i32
    %and3A = arith.andi %ne3A, %ne3A_15 : i1
    %sub3A = arith.constant 1 : i32
    %sub3A_16 = arith.subi %div3A, %sub3A : i32
    %select_n3A = arith.select %and3A, %sub3A_16, %div3A : i32
    %add3A_17 = arith.constant 0 : i32
    %add3A_18 = arith.addi %add3A_17, %arg0 : i32
    %jit3A_19 = arith.constant 4 : i32
    %eq3A = arith.constant 0 : i32
    %eq3A_20 = arith.cmpi eq, %jit3A_19, %eq3A : i32
    %jit3A_21 = arith.constant 1 : i32
    %select_n3A_22 = arith.select %eq3A_20, %jit3A_21, %jit3A_19 : i32
    %rem3A_23 = arith.remsi %add3A_18, %select_n3A_22 : i32
    %ne3A_24 = arith.constant 0 : i32
    %ne3A_25 = arith.cmpi ne, %rem3A_23, %ne3A_24 : i32
    %lt3A = arith.constant 0 : i32
    %lt3A_26 = arith.cmpi slt, %rem3A_23, %lt3A : i32
    %lt3A_27 = arith.constant 0 : i32
    %lt3A_28 = arith.cmpi slt, %select_n3A_22, %lt3A_27 : i32
    %ne3A_29 = arith.xori %lt3A_26, %lt3A_28 : i1
    %and3A_30 = arith.andi %ne3A_29, %ne3A_25 : i1
    %add3A_31 = arith.addi %rem3A_23, %select_n3A_22 : i32
    %select_n3A_32 = arith.select %and3A_30, %add3A_31, %rem3A_23 : i32
    %c0_i32 = arith.constant 0 : i32
    %c0_i32_33 = arith.constant 0 : i32
    return %select_n3A, %select_n3A_32, %c0_i32 : i32, i32, i32
  }
  func.func @transform_2(%arg0: i32) -> (i32, i32) {
    %c0_i32 = arith.constant 0 : i32
    %c0_i32_0 = arith.constant 0 : i32
    return %arg0, %c0_i32 : i32, i32
  }
}

module attributes {stable_mosaic.version = 14 : i64} {
  func.func @_finalize_body(%arg0: memref<32x38912xf32, #tpu.memory_space<vmem>>, %arg1: memref<32x38912xf32, #tpu.memory_space<vmem>>, %arg2: memref<1x1xf32, #tpu.memory_space<vmem>>) attributes {dimension_semantics = [], scalar_prefetch = 0 : i64, scratch_operands = 0 : i64, tpu.core_type = #tpu.core_type<tc>} {
    %get3A = arith.constant 0 : index
    %get3A_0 = arith.constant 0 : index
    %get3A_1 = vector.load %arg0[%get3A, %get3A_0] : memref<32x38912xf32, #tpu.memory_space<vmem>>, vector<32x38912xf32>
    %reduce_sum3A = arith.constant dense<0.000000e+00> : vector<38912xf32>
    %reduce_sum3A_2 = vector.multi_reduction <add>, %get3A_1, %reduce_sum3A [0] : vector<32x38912xf32> to vector<38912xf32>
    %get3A_3 = arith.constant 0 : index
    %get3A_4 = arith.constant 0 : index
    %get3A_5 = vector.load %arg1[%get3A_3, %get3A_4] : memref<32x38912xf32, #tpu.memory_space<vmem>>, vector<32x38912xf32>
    %reduce_sum3A_6 = arith.constant dense<0.000000e+00> : vector<38912xf32>
    %reduce_sum3A_7 = vector.multi_reduction <add>, %get3A_5, %reduce_sum3A_6 [0] : vector<32x38912xf32> to vector<38912xf32>
    %add3A = arith.addf %reduce_sum3A_2, %reduce_sum3A_7 : vector<38912xf32>
    %slice3A = vector.extract_strided_slice %add3A {offsets = [0], sizes = [1024], strides = [1]} : vector<38912xf32> to vector<1024xf32>
    %slice3A_8 = vector.extract_strided_slice %add3A {offsets = [1024], sizes = [1024], strides = [1]} : vector<38912xf32> to vector<1024xf32>
    %slice3A_9 = vector.extract_strided_slice %add3A {offsets = [2048], sizes = [1024], strides = [1]} : vector<38912xf32> to vector<1024xf32>
    %slice3A_10 = vector.extract_strided_slice %add3A {offsets = [3072], sizes = [1024], strides = [1]} : vector<38912xf32> to vector<1024xf32>
    %slice3A_11 = vector.extract_strided_slice %add3A {offsets = [4096], sizes = [1024], strides = [1]} : vector<38912xf32> to vector<1024xf32>
    %slice3A_12 = vector.extract_strided_slice %add3A {offsets = [5120], sizes = [1024], strides = [1]} : vector<38912xf32> to vector<1024xf32>
    %slice3A_13 = vector.extract_strided_slice %add3A {offsets = [6144], sizes = [1024], strides = [1]} : vector<38912xf32> to vector<1024xf32>
    %slice3A_14 = vector.extract_strided_slice %add3A {offsets = [7168], sizes = [1024], strides = [1]} : vector<38912xf32> to vector<1024xf32>
    %slice3A_15 = vector.extract_strided_slice %add3A {offsets = [8192], sizes = [1024], strides = [1]} : vector<38912xf32> to vector<1024xf32>
    %slice3A_16 = vector.extract_strided_slice %add3A {offsets = [9216], sizes = [1024], strides = [1]} : vector<38912xf32> to vector<1024xf32>
    %slice3A_17 = vector.extract_strided_slice %add3A {offsets = [10240], sizes = [1024], strides = [1]} : vector<38912xf32> to vector<1024xf32>
    %slice3A_18 = vector.extract_strided_slice %add3A {offsets = [11264], sizes = [1024], strides = [1]} : vector<38912xf32> to vector<1024xf32>
    %slice3A_19 = vector.extract_strided_slice %add3A {offsets = [12288], sizes = [1024], strides = [1]} : vector<38912xf32> to vector<1024xf32>
    %slice3A_20 = vector.extract_strided_slice %add3A {offsets = [13312], sizes = [1024], strides = [1]} : vector<38912xf32> to vector<1024xf32>
    %slice3A_21 = vector.extract_strided_slice %add3A {offsets = [14336], sizes = [1024], strides = [1]} : vector<38912xf32> to vector<1024xf32>
    %slice3A_22 = vector.extract_strided_slice %add3A {offsets = [15360], sizes = [1024], strides = [1]} : vector<38912xf32> to vector<1024xf32>
    %slice3A_23 = vector.extract_strided_slice %add3A {offsets = [16384], sizes = [1024], strides = [1]} : vector<38912xf32> to vector<1024xf32>
    %slice3A_24 = vector.extract_strided_slice %add3A {offsets = [17408], sizes = [1024], strides = [1]} : vector<38912xf32> to vector<1024xf32>
    %slice3A_25 = vector.extract_strided_slice %add3A {offsets = [18432], sizes = [1024], strides = [1]} : vector<38912xf32> to vector<1024xf32>
    %slice3A_26 = vector.extract_strided_slice %add3A {offsets = [19456], sizes = [1024], strides = [1]} : vector<38912xf32> to vector<1024xf32>
    %slice3A_27 = vector.extract_strided_slice %add3A {offsets = [20480], sizes = [1024], strides = [1]} : vector<38912xf32> to vector<1024xf32>
    %slice3A_28 = vector.extract_strided_slice %add3A {offsets = [21504], sizes = [1024], strides = [1]} : vector<38912xf32> to vector<1024xf32>
    %slice3A_29 = vector.extract_strided_slice %add3A {offsets = [22528], sizes = [1024], strides = [1]} : vector<38912xf32> to vector<1024xf32>
    %slice3A_30 = vector.extract_strided_slice %add3A {offsets = [23552], sizes = [1024], strides = [1]} : vector<38912xf32> to vector<1024xf32>
    %slice3A_31 = vector.extract_strided_slice %add3A {offsets = [24576], sizes = [1024], strides = [1]} : vector<38912xf32> to vector<1024xf32>
    %slice3A_32 = vector.extract_strided_slice %add3A {offsets = [25600], sizes = [1024], strides = [1]} : vector<38912xf32> to vector<1024xf32>
    %slice3A_33 = vector.extract_strided_slice %add3A {offsets = [26624], sizes = [1024], strides = [1]} : vector<38912xf32> to vector<1024xf32>
    %slice3A_34 = vector.extract_strided_slice %add3A {offsets = [27648], sizes = [1024], strides = [1]} : vector<38912xf32> to vector<1024xf32>
    %slice3A_35 = vector.extract_strided_slice %add3A {offsets = [28672], sizes = [1024], strides = [1]} : vector<38912xf32> to vector<1024xf32>
    %slice3A_36 = vector.extract_strided_slice %add3A {offsets = [29696], sizes = [1024], strides = [1]} : vector<38912xf32> to vector<1024xf32>
    %slice3A_37 = vector.extract_strided_slice %add3A {offsets = [30720], sizes = [1024], strides = [1]} : vector<38912xf32> to vector<1024xf32>
    %slice3A_38 = vector.extract_strided_slice %add3A {offsets = [31744], sizes = [1024], strides = [1]} : vector<38912xf32> to vector<1024xf32>
    %slice3A_39 = vector.extract_strided_slice %add3A {offsets = [32768], sizes = [1024], strides = [1]} : vector<38912xf32> to vector<1024xf32>
    %slice3A_40 = vector.extract_strided_slice %add3A {offsets = [33792], sizes = [1024], strides = [1]} : vector<38912xf32> to vector<1024xf32>
    %slice3A_41 = vector.extract_strided_slice %add3A {offsets = [34816], sizes = [1024], strides = [1]} : vector<38912xf32> to vector<1024xf32>
    %slice3A_42 = vector.extract_strided_slice %add3A {offsets = [35840], sizes = [1024], strides = [1]} : vector<38912xf32> to vector<1024xf32>
    %slice3A_43 = vector.extract_strided_slice %add3A {offsets = [36864], sizes = [1024], strides = [1]} : vector<38912xf32> to vector<1024xf32>
    %slice3A_44 = vector.extract_strided_slice %add3A {offsets = [37888], sizes = [1024], strides = [1]} : vector<38912xf32> to vector<1024xf32>
    %stack3A = vector.shape_cast %slice3A : vector<1024xf32> to vector<1x1024xf32>
    %stack3A_45 = vector.shape_cast %slice3A_8 : vector<1024xf32> to vector<1x1024xf32>
    %stack3A_46 = vector.shape_cast %slice3A_9 : vector<1024xf32> to vector<1x1024xf32>
    %stack3A_47 = vector.shape_cast %slice3A_10 : vector<1024xf32> to vector<1x1024xf32>
    %stack3A_48 = vector.shape_cast %slice3A_11 : vector<1024xf32> to vector<1x1024xf32>
    %stack3A_49 = vector.shape_cast %slice3A_12 : vector<1024xf32> to vector<1x1024xf32>
    %stack3A_50 = vector.shape_cast %slice3A_13 : vector<1024xf32> to vector<1x1024xf32>
    %stack3A_51 = vector.shape_cast %slice3A_14 : vector<1024xf32> to vector<1x1024xf32>
    %stack3A_52 = vector.shape_cast %slice3A_15 : vector<1024xf32> to vector<1x1024xf32>
    %stack3A_53 = vector.shape_cast %slice3A_16 : vector<1024xf32> to vector<1x1024xf32>
    %stack3A_54 = vector.shape_cast %slice3A_17 : vector<1024xf32> to vector<1x1024xf32>
    %stack3A_55 = vector.shape_cast %slice3A_18 : vector<1024xf32> to vector<1x1024xf32>
    %stack3A_56 = vector.shape_cast %slice3A_19 : vector<1024xf32> to vector<1x1024xf32>
    %stack3A_57 = vector.shape_cast %slice3A_20 : vector<1024xf32> to vector<1x1024xf32>
    %stack3A_58 = vector.shape_cast %slice3A_21 : vector<1024xf32> to vector<1x1024xf32>
    %stack3A_59 = vector.shape_cast %slice3A_22 : vector<1024xf32> to vector<1x1024xf32>
    %stack3A_60 = vector.shape_cast %slice3A_23 : vector<1024xf32> to vector<1x1024xf32>
    %stack3A_61 = vector.shape_cast %slice3A_24 : vector<1024xf32> to vector<1x1024xf32>
    %stack3A_62 = vector.shape_cast %slice3A_25 : vector<1024xf32> to vector<1x1024xf32>
    %stack3A_63 = tpu.concatenate %stack3A, %stack3A_45, %stack3A_46, %stack3A_47, %stack3A_48, %stack3A_49, %stack3A_50, %stack3A_51, %stack3A_52, %stack3A_53, %stack3A_54, %stack3A_55, %stack3A_56, %stack3A_57, %stack3A_58, %stack3A_59, %stack3A_60, %stack3A_61, %stack3A_62 in 0 : vector<1x1024xf32>, vector<1x1024xf32>, vector<1x1024xf32>, vector<1x1024xf32>, vector<1x1024xf32>, vector<1x1024xf32>, vector<1x1024xf32>, vector<1x1024xf32>, vector<1x1024xf32>, vector<1x1024xf32>, vector<1x1024xf32>, vector<1x1024xf32>, vector<1x1024xf32>, vector<1x1024xf32>, vector<1x1024xf32>, vector<1x1024xf32>, vector<1x1024xf32>, vector<1x1024xf32>, vector<1x1024xf32> -> vector<19x1024xf32>
    %stack3A_64 = vector.shape_cast %slice3A_26 : vector<1024xf32> to vector<1x1024xf32>
    %stack3A_65 = vector.shape_cast %slice3A_27 : vector<1024xf32> to vector<1x1024xf32>
    %stack3A_66 = vector.shape_cast %slice3A_28 : vector<1024xf32> to vector<1x1024xf32>
    %stack3A_67 = vector.shape_cast %slice3A_29 : vector<1024xf32> to vector<1x1024xf32>
    %stack3A_68 = vector.shape_cast %slice3A_30 : vector<1024xf32> to vector<1x1024xf32>
    %stack3A_69 = vector.shape_cast %slice3A_31 : vector<1024xf32> to vector<1x1024xf32>
    %stack3A_70 = vector.shape_cast %slice3A_32 : vector<1024xf32> to vector<1x1024xf32>
    %stack3A_71 = vector.shape_cast %slice3A_33 : vector<1024xf32> to vector<1x1024xf32>
    %stack3A_72 = vector.shape_cast %slice3A_34 : vector<1024xf32> to vector<1x1024xf32>
    %stack3A_73 = vector.shape_cast %slice3A_35 : vector<1024xf32> to vector<1x1024xf32>
    %stack3A_74 = vector.shape_cast %slice3A_36 : vector<1024xf32> to vector<1x1024xf32>
    %stack3A_75 = vector.shape_cast %slice3A_37 : vector<1024xf32> to vector<1x1024xf32>
    %stack3A_76 = vector.shape_cast %slice3A_38 : vector<1024xf32> to vector<1x1024xf32>
    %stack3A_77 = vector.shape_cast %slice3A_39 : vector<1024xf32> to vector<1x1024xf32>
    %stack3A_78 = vector.shape_cast %slice3A_40 : vector<1024xf32> to vector<1x1024xf32>
    %stack3A_79 = vector.shape_cast %slice3A_41 : vector<1024xf32> to vector<1x1024xf32>
    %stack3A_80 = vector.shape_cast %slice3A_42 : vector<1024xf32> to vector<1x1024xf32>
    %stack3A_81 = vector.shape_cast %slice3A_43 : vector<1024xf32> to vector<1x1024xf32>
    %stack3A_82 = vector.shape_cast %slice3A_44 : vector<1024xf32> to vector<1x1024xf32>
    %stack3A_83 = tpu.concatenate %stack3A_64, %stack3A_65, %stack3A_66, %stack3A_67, %stack3A_68, %stack3A_69, %stack3A_70, %stack3A_71, %stack3A_72, %stack3A_73, %stack3A_74, %stack3A_75, %stack3A_76, %stack3A_77, %stack3A_78, %stack3A_79, %stack3A_80, %stack3A_81, %stack3A_82 in 0 : vector<1x1024xf32>, vector<1x1024xf32>, vector<1x1024xf32>, vector<1x1024xf32>, vector<1x1024xf32>, vector<1x1024xf32>, vector<1x1024xf32>, vector<1x1024xf32>, vector<1x1024xf32>, vector<1x1024xf32>, vector<1x1024xf32>, vector<1x1024xf32>, vector<1x1024xf32>, vector<1x1024xf32>, vector<1x1024xf32>, vector<1x1024xf32>, vector<1x1024xf32>, vector<1x1024xf32>, vector<1x1024xf32> -> vector<19x1024xf32>
    %iota3A = tpu.iota {dimensions = array<i32: 1>} : vector<19x1024xi32>
    %convert_element_type3A = arith.sitofp %iota3A : vector<19x1024xi32> to vector<19x1024xf32>
    %add3A_84 = arith.constant 5.000000e-01 : f32
    %add3A_85 = vector.broadcast %add3A_84 : f32 to vector<19x1024xf32>
    %add3A_86 = arith.addf %convert_element_type3A, %add3A_85 : vector<19x1024xf32>
    %mul3A = arith.constant 9.765625E-4 : f32
    %mul3A_87 = vector.broadcast %mul3A : f32 to vector<19x1024xf32>
    %mul3A_88 = arith.mulf %add3A_86, %mul3A_87 : vector<19x1024xf32>
    %mul3A_89 = arith.mulf %stack3A_63, %mul3A_88 : vector<19x1024xf32>
    %mul3A_90 = arith.mulf %stack3A_83, %mul3A_88 : vector<19x1024xf32>
    %iota3A_91 = tpu.iota {dimensions = array<i32: 0>} : vector<1024x1024xi32>
    %iota3A_92 = tpu.iota {dimensions = array<i32: 1>} : vector<1024x1024xi32>
    %gt3A = arith.cmpi sgt, %iota3A_91, %iota3A_92 : vector<1024x1024xi32>
    %convert_element_type3A_93 = arith.extui %gt3A : vector<1024x1024xi1> to vector<1024x1024xi32>
    %convert_element_type3A_94 = arith.sitofp %convert_element_type3A_93 : vector<1024x1024xi32> to vector<1024x1024xf32>
    %add3A_95 = arith.addf %stack3A_83, %stack3A_63 : vector<19x1024xf32>
    %dot_general3A = arith.constant dense<0.000000e+00> : vector<19x1024xf32>
    %dot_general3A_96 = tpu.matmul %add3A_95, %convert_element_type3A_94, %dot_general3A {dimension_numbers = #tpu.dot_dimension_numbers<[1], [0], [0], [1], [0, 0, 1, 1], [], []>, transpose_lhs_hint = false} : vector<19x1024xf32>, vector<1024x1024xf32>, vector<19x1024xf32> -> vector<19x1024xf32>
    %dot_general3A_97 = arith.constant dense<0.000000e+00> : vector<19x1024xf32>
    %dot_general3A_98 = tpu.matmul %stack3A_83, %convert_element_type3A_94, %dot_general3A_97 {dimension_numbers = #tpu.dot_dimension_numbers<[1], [0], [0], [1], [0, 0, 1, 1], [], []>, transpose_lhs_hint = false} : vector<19x1024xf32>, vector<1024x1024xf32>, vector<19x1024xf32> -> vector<19x1024xf32>
    %reduce_sum3A_99 = arith.constant dense<0.000000e+00> : vector<19xf32>
    %reduce_sum3A_100 = vector.multi_reduction <add>, %stack3A_83, %reduce_sum3A_99 [1] : vector<19x1024xf32> to vector<19xf32>
    %broadcast_in_dim3A = vector.shape_cast %reduce_sum3A_100 : vector<19xf32> to vector<19x1xf32>
    %add3A_101 = vector.broadcast %broadcast_in_dim3A : vector<19x1xf32> to vector<19x1024xf32>
    %add3A_102 = arith.addf %add3A_101, %dot_general3A_96 : vector<19x1024xf32>
    %sub3A = arith.subf %add3A_102, %dot_general3A_98 : vector<19x1024xf32>
    %max3A = arith.constant 5.000000e-01 : f32
    %max3A_103 = vector.broadcast %max3A : f32 to vector<19x1024xf32>
    %max3A_104 = arith.maximumf %sub3A, %max3A_103 : vector<19x1024xf32>
    %div3A = arith.divf %mul3A_90, %max3A_104 : vector<19x1024xf32>
    %sub3A_105 = vector.broadcast %broadcast_in_dim3A : vector<19x1xf32> to vector<19x1024xf32>
    %sub3A_106 = arith.subf %sub3A_105, %dot_general3A_98 : vector<19x1024xf32>
    %sub3A_107 = arith.subf %sub3A_106, %stack3A_83 : vector<19x1024xf32>
    %mul3A_108 = arith.mulf %mul3A_89, %sub3A_107 : vector<19x1024xf32>
    %add3A_109 = arith.addf %max3A_104, %stack3A_63 : vector<19x1024xf32>
    %mul3A_110 = arith.mulf %max3A_104, %add3A_109 : vector<19x1024xf32>
    %div3A_111 = arith.divf %mul3A_108, %mul3A_110 : vector<19x1024xf32>
    %add3A_112 = arith.addf %div3A, %div3A_111 : vector<19x1024xf32>
    %reduce_sum3A_113 = arith.constant dense<0.000000e+00> : vector<19xf32>
    %reduce_sum3A_114 = vector.multi_reduction <add>, %add3A_112, %reduce_sum3A_113 [1] : vector<19x1024xf32> to vector<19xf32>
    %broadcast_in_dim3A_115 = vector.shape_cast %reduce_sum3A_114 : vector<19xf32> to vector<19x1xf32>
    %iota3A_116 = tpu.iota {dimensions = array<i32: 1>} : vector<19x1024xi32>
    %convert_element_type3A_117 = arith.sitofp %iota3A_116 : vector<19x1024xi32> to vector<19x1024xf32>
    %add3A_118 = arith.constant 1.000000e+00 : f32
    %add3A_119 = vector.broadcast %add3A_118 : f32 to vector<19x1024xf32>
    %add3A_120 = arith.addf %convert_element_type3A_117, %add3A_119 : vector<19x1024xf32>
    %mul3A_121 = arith.constant 9.765625E-4 : f32
    %mul3A_122 = vector.broadcast %mul3A_121 : f32 to vector<19x1024xf32>
    %mul3A_123 = arith.mulf %add3A_120, %mul3A_122 : vector<19x1024xf32>
    %gt3A_124 = arith.constant 0.000000e+00 : f32
    %gt3A_125 = vector.broadcast %gt3A_124 : f32 to vector<19x1024xf32>
    %gt3A_126 = arith.cmpf ogt, %add3A_95, %gt3A_125 : vector<19x1024xf32>
    %jit3A = arith.constant 0.000000e+00 : f32
    %broadcast_in_dim3A_127 = vector.broadcast %jit3A : f32 to vector<19x1024xf32>
    %select_n3A = arith.select %gt3A_126, %mul3A_123, %broadcast_in_dim3A_127 : vector<19x1024xi1>, vector<19x1024xf32>
    %reduce_max3A = arith.constant dense<0xFF800000> : vector<19xf32>
    %reduce_max3A_128 = vector.multi_reduction <maximumf>, %select_n3A, %reduce_max3A [1] : vector<19x1024xf32> to vector<19xf32>
    %broadcast_in_dim3A_129 = vector.shape_cast %reduce_max3A_128 : vector<19xf32> to vector<19x1xf32>
    %gt3A_130 = arith.constant 0.000000e+00 : f32
    %gt3A_131 = vector.broadcast %gt3A_130 : f32 to vector<19x1xf32>
    %gt3A_132 = arith.cmpf ogt, %broadcast_in_dim3A, %gt3A_131 : vector<19x1xf32>
    %select_n3A_133 = arith.select %gt3A_132, %broadcast_in_dim3A_115, %broadcast_in_dim3A_129 : vector<19x1xi1>, vector<19x1xf32>
    %reduce_sum3A_134 = vector.shape_cast %select_n3A_133 : vector<19x1xf32> to vector<1x19x1xf32>
    %reduce_sum3A_135 = arith.constant dense<0.000000e+00> : vector<1xf32>
    %reduce_sum3A_136 = vector.multi_reduction <add>, %reduce_sum3A_134, %reduce_sum3A_135 [1, 2] : vector<1x19x1xf32> to vector<1xf32>
    %reduce_sum3A_137 = vector.shape_cast %reduce_sum3A_136 : vector<1xf32> to vector<1x1x1xf32>
    %reduce_sum3A_138 = vector.extract %reduce_sum3A_137[0, 0, 0] : f32 from vector<1x1x1xf32>
    %broadcast_in_dim3A_139 = vector.broadcast %reduce_sum3A_138 : f32 to vector<1x1xf32>
    %mul3A_140 = arith.constant 0.0526315793 : f32
    %mul3A_141 = vector.broadcast %mul3A_140 : f32 to vector<1x1xf32>
    %mul3A_142 = arith.mulf %broadcast_in_dim3A_139, %mul3A_141 : vector<1x1xf32>
    %swap3A = arith.constant 0 : index
    %swap3A_143 = arith.constant 0 : index
    %swap3A_144 = vector.load %arg2[%swap3A, %swap3A_143] : memref<1x1xf32, #tpu.memory_space<vmem>>, vector<1x1xf32>
    tpu.vector_store %arg2[%swap3A, %swap3A_143], %mul3A_142 {strides = array<i32>} : memref<1x1xf32, #tpu.memory_space<vmem>>, vector<1x1xf32>,
    return
  }
}

</mosaic_0001>

<sc_bundles>
// kernel: kernel.10.cloned.1.call-start
scs
__scs_entry_jumppad:
0x0: {  	(pc) =	sbr.rel $0x88, $3  }
0x1: {  	(tag) =	ssettag $0x0;
	lr =	simm.s32 $0x1  }
0x2: {  	[smem:$0x3F9F] =	sst lr;
	_ =	strace $0xD0000000  }
0x3: {  	_ = 	snop  }
0x4: {  	_ = 	snop  }
0x5: {  	_ = 	snop  }
0x6: {  	_ = 	snop  }
0x7: {  	_ = 	snop  }
__scs_overlays_trampoline_lowered:
0x8: {  	[smem:$0x3FAE] =	sst s0  }
0x9: {  	[smem:$0x3FAF] =	sst s1  }
0xa: {  	[smem:$0x3FB0] =	sst s2  }
0xb: {  	[smem:$0x3FB1] =	sst s3  }
0xc: {  	[smem:$0x3FB2] =	sst s4  }
0xd: {  	[smem:$0x3FB3] =	sst s5  }
0xe: {  	[smem:$0x3FB4] =	sst s6  }
0xf: {  	[smem:$0x3FB5] =	sst s7  }
0x10: {  	[smem:$0x3FB6] =	sst s8  }
0x11: {  	[smem:$0x3FB7] =	sst s9;
	s0 =	simm.s32 @!p0 $0x0  }
0x12: {  	s1 =	sld [smem:$0x3F9D];
	s0 =	simm.s32 @p0 $0x1  }
0x13: {  	[smem:$0x3FB8] =	sst s0;
	s0 =	simm.s32 @!p1 $0x0  }
0x14: {  	s2 =	sld [smem:$0x3F9C];
	s0 =	simm.s32 @p1 $0x1  }
0x15: {  	[smem:$0x3FB9] =	sst s0;
	s0 =	simm.s32 @!p2 $0x0  }
0x16: {  	s3 =	sld [smem:$0x3FDB];
	s0 =	simm.s32 @p2 $0x1  }
0x17: {  	s4 =	simm.s32 $0x1BF5;
	[smem:$0x3FBB] =	sst s0  }
0x18: {  	s0 =	sld [smem:$0x3F9E];
	_ =	swait.ge [sflag:s4], $0x0  }
0x19: {  	s7 =	sld [smem:$0x3F9F]  }
0x1a: {  	s8 =	sadd.s32 $0xFFFFE003, lr  }
0x1b: {  	s9 =	sadd.s32 $0xFFFFFEF7, lr;
	s5 =	simm.s32 $0xFFFFFFFF;
	p2 =	slt.u32 s8, $0xFFFFF086  }
0x1c: {  	p1 =	slt.u32 s9, $0xF7A;
	s5 =	simm.s32 @!p2 $0x0  }
0x1d: {  	s5 =	simm.s32 @p1 $0x1;
	p0 =	seq.s32 s7, s2  }
0x1e: {  	s7 =	smul.u32 @!p0 $0xF7A, s2;
	p2 =	seq.s32 @!p0 s5, $0x0  }
0x1f: {  	s9 =	smul.u32 $0xF7A, s1;
	s8 =	simm.s32 @!p0 $0x1BF5;
	p2 =	por !p2, p0  }
0x20: {  	[sflag:s8] =	ssyncset.s32 @!p0 $0xFFFFF086;
	s6 =	sadd.s32 @!p0 s3, s7;
	s7 =	simm.s32 @!p0 $0x108  }
0x21: {  	s3 =	sadd.s32 s3, s9;
	s6 =	sadd.s32 @!p0 $0x88, s6;
	s7 =	simm.s32 @p2 $0x1082  }
0x22: {  	[simem:s7], [sflag:s8] =	dma.local @!p0 [hbm:s6], $0xF7A  }
0x23: {  	s9 =	sor.u32 $0xD0000000, s2;
	s6 =	simm.s32 $0x108;
	_ =	swait.ge @!p0 [sflag:s8], $0x0  }
0x24: {  	s3 =	sadd.s32 $0x88, s3;
	s6 =	simm.s32 @!p1 $0x1082;
	[sflag:s4] =	ssyncset.s32 $0xFFFFF086  }
0x25: {  	[simem:s6], [sflag:s4] =	dma.local [hbm:s3], $0xF7A  }
0x26: {  	[smem:$0x3F9F] =	sst s1;
	(tag) =	ssettag s2;
	_ =	strace s9  }
0x27: {  	s1 =	sld [smem:$0x3FAF]  }
0x28: {  	s2 =	sld [smem:$0x3FB0]  }
0x29: {  	s4 =	sld [smem:$0x3FB2]  }
0x2a: {  	p0 =	seq.s32 s5, $0x0;
	s5 =	sld [smem:$0x3FB3]  }
0x2b: {  	s6 =	sld [smem:$0x3FB4]  }
0x2c: {  	s7 =	sld [smem:$0x3FB5]  }
0x2d: {  	s3 =	simm.s32 $0x108;
	s8 =	sld [smem:$0x3FB6]  }
0x2e: {  	s3 =	simm.s32 @!p0 $0x1082;
	s9 =	sld [smem:$0x3FB7]  }
0x2f: {  	lr =	sadd.s32 s0, s3;
	s0 =	sld [smem:$0x3FAE]  }
0x30: {  	s3 =	sld [smem:$0x3FB1]  }
0x31: {  	[smem:$0x3FBA] =	sst s10  }
0x32: {  	s10 =	sld [smem:$0x3FB8];
	_ =	sdelay $0x3  }
0x33: {  	p0 =	seq.s32 s10, $0x1;
	s10 =	sld [smem:$0x3FBA];
	_ =	sdelay $0x3  }
0x34: {  	[smem:$0x3FBA] =	sst s10  }
0x35: {  	s10 =	sld [smem:$0x3FB9];
	_ =	sdelay $0x3  }
0x36: {  	p1 =	seq.s32 s10, $0x1;
	s10 =	sld [smem:$0x3FBA];
	_ =	sdelay $0x3  }
0x37: {  	[smem:$0x3FBA] =	sst s10  }
0x38: {  	s10 =	sld [smem:$0x3FBB]  }
0x39: {  	_ = 	snop;
	(pc) =	sbr.ind lr, $3  }
0x3a: {  	_ = 	snop  }
0x3b: {  	_ = 	snop  }
0x3c: {  	p2 =	seq.s32 s10, $0x1;
	s10 =	sld [smem:$0x3FBA]  }
0x3d: {  	_ =	shalt  }
0x3e: {  	_ =	shalt  }
0x3f: {  	_ =	shalt  }
0x40: {  	_ =	shalt  }
0x41: {  	_ =	shalt  }
0x42: {  	_ =	shalt  }
0x43: {  	_ =	shalt  }
0x44: {  	_ =	shalt  }
0x45: {  	_ =	shalt  }
0x46: {  	_ =	shalt  }
0x47: {  	_ =	shalt  }
0x48: {  	_ =	shalt  }
0x49: {  	_ =	shalt  }
0x4a: {  	_ =	shalt  }
0x4b: {  	_ =	shalt  }
0x4c: {  	_ =	shalt  }
0x4d: {  	_ =	shalt  }
0x4e: {  	_ =	shalt  }
0x4f: {  	_ =	shalt  }
0x50: {  	_ =	shalt  }
0x51: {  	_ =	shalt  }
0x52: {  	_ =	shalt  }
0x53: {  	_ =	shalt  }
0x54: {  	_ =	shalt  }
0x55: {  	_ =	shalt  }
0x56: {  	_ =	shalt  }
0x57: {  	_ =	shalt  }
0x58: {  	_ =	shalt  }
0x59: {  	_ =	shalt  }
0x5a: {  	_ =	shalt  }
0x5b: {  	_ =	shalt  }
0x5c: {  	_ =	shalt  }
0x5d: {  	_ =	shalt  }
0x5e: {  	_ =	shalt  }
0x5f: {  	_ =	shalt  }
0x60: {  	_ =	shalt  }
0x61: {  	_ =	shalt  }
0x62: {  	_ =	shalt  }
0x63: {  	_ =	shalt  }
0x64: {  	_ =	shalt  }
0x65: {  	_ =	shalt  }
0x66: {  	_ =	shalt  }
0x67: {  	_ =	shalt  }
0x68: {  	_ =	shalt  }
0x69: {  	_ =	shalt  }
0x6a: {  	_ =	shalt  }
0x6b: {  	_ =	shalt  }
0x6c: {  	_ =	shalt  }
0x6d: {  	_ =	shalt  }
0x6e: {  	_ =	shalt  }
0x6f: {  	_ =	shalt  }
0x70: {  	_ =	shalt  }
0x71: {  	_ =	shalt  }
0x72: {  	_ =	shalt  }
0x73: {  	_ =	shalt  }
0x74: {  	_ =	shalt  }
0x75: {  	_ =	shalt  }
0x76: {  	_ =	shalt  }
0x77: {  	_ =	shalt  }
0x78: {  	_ =	shalt  }
0x79: {  	_ =	shalt  }
0x7a: {  	_ =	shalt  }
0x7b: {  	_ =	shalt  }
0x7c: {  	_ =	shalt  }
0x7d: {  	_ =	shalt  }
0x7e: {  	_ =	shalt  }
0x7f: {  	_ =	shalt  }
0x80: {  	_ =	shalt  }
0x81: {  	_ =	shalt  }
0x82: {  	_ =	shalt  }
0x83: {  	_ =	shalt  }
0x84: {  	_ =	shalt  }
0x85: {  	_ =	shalt  }
0x86: {  	_ =	shalt  }
0x87: {  	_ =	shalt  }
.Lfunc_end0:
.L_simem_size_0:
called_computation.1_lowered:
.L_overlay_start_0:
0x88: {  	s2 =	sld [smem:$0x3FD9]  }
0x89: {  	s3 =	sld [smem:$0x3FFE];
	_ =	sdelay $0x1  }
0x8a: {  	s1 =	srdreg.scid  }
0x8b: {  	s0 =	sand.u32 $0x1, s1  }
0x8c: {  	s16 =	sshll.u32 s0, $0xA;
	s2 =	sadd.s32 s3, s2  }
0x8d: {  	s2 =	sadd.s32 s2, s16  }
0x8e: {  	[smem:$0x3FC6] =	sst s2  }
0x8f: {  	_ = 	snop  }
0x90: {  	(tm) =	ssettm $0x1  }
0x91: {  	s17 =	sld [smem:$0x3FFB];
	_ =	sdelay $0x3  }
0x92: {  	_ =	strace s17  }
0x93: {  	s2 =	sld [smem:$0x3FFC];
	_ =	sdelay $0x3  }
0x94: {  	_ =	strace s2  }
0x95: {  	s2 =	sld [smem:$0x3FFD];
	_ =	sdelay $0x3  }
0x96: {  	_ =	strace s2  }
0x97: {  	_ =	strace $0x8FFFFFFF  }
0x98: {  	s18 =	sld [smem:$0x3FDB];
	_ =	sdelay $0x1  }
0x99: {  	s19 =	simm.s32 $_scs_section_size  }
0x9a: {  	s4 =	simm.s32 $_size__tile_overlayer_lowered;
	s5 =	simm.s32 $_tile_overlayer_lowered  }
0x9b: {  	s22 =	simm.s32 $0x1BFF;
	s21 =	sshll.u32 s5, $0x1;
	s2 =	sadd.s32 s19, s18  }
0x9c: {  	s6 =	simm.s32 $0x0;
	s20 =	sshll.u32 s4, $0x1;
	s4 =	sadd.s32 s21, s2  }
0x9d: {  	[timem:s6], [sflag:s22] =	dma.local [hbm:s4], s20  }
0x9e: {  	_ =	swait.ge [sflag:s22], s20  }
0x9f: {  	s3 =	ssub.s32 $0x0, s20;
	[sflag:s22] =	ssyncset.done $0x0  }
0xa0: {  	[sflag:s22] =	ssyncadd.s32 s3;
	_ =	sdelay $0x1  }
0xa1: {  	s23 =	simm.s32 $0x1B8B  }
0xa2: {  	_ =	swait.ge [sflag:s23], $0x1  }
0xa3: {  	[sflag:s23] =	ssyncset.done $0x0  }
0xa4: {  	s25 =	simm.s32 $0x1B8E;
	s24 =	sld [smem:$0x3FFE];
	[sflag:s23] =	ssyncadd.s32 $0xFFFFFFFF  }
0xa5: {  	s26 =	simm.s32 $execute0_lowered;
	[smem:$0x3FD2] =	sst s25  }
0xa6: {  	s4 =	sshll.u32 s26, $0x1;
	_ =	strace $0x80000046;
	[dreg:$0x1] =	wrdreg $0xFFFFFFFF  }
0xa7: {  	s28 =	simm.s32 $_size_execute0_lowered;
	s2 =	sadd.s32 s2, s4;
	[dreg:$0x0] =	wrdreg $0x0  }
0xa8: {  	s4 =	sshll.u32 s28, $0x1;
	[dreg:$0x2] =	wrdreg s2  }
0xa9: {  	[dreg:$0x3] =	wrdreg s4  }
0xaa: {  	[dreg:$0x4] =	wrdreg $0xC0  }
0xab: {  	_ =	task [dreg:s6], $0x5FFFF  }
0xac: {  	[dreg:$0x1] =	wrdreg $0xFFFFFFFF  }
0xad: {  	[dreg:$0x0] =	wrdreg $0x60  }
0xae: {  	[dreg:$0x2] =	wrdreg s24  }
0xaf: {  	[dreg:$0x3] =	wrdreg $0xA  }
0xb0: {  	_ =	task.clear_ibuf [dreg:s6], $0x4FFFF;
	_ =	strace $0x90000046  }
0xb1: {  	s29 =	simm.s32 $0xA;
	_ =	strace $0x80000048  }
0xb2: {  	_ =	swait.ge [sflag:s29], $0x1  }
0xb3: {  	[sflag:s29] =	ssyncadd.s32 $0xFFFFFFFF  }
0xb4: {  	_ =	strace $0x90000048  }
0xb5: {  	_ =	sfence  }
0xb6: {  	s30 =	sld [smem:$0x0];
	_ =	sdelay $0x2  }
0xb7: {  	s31 =	sshll.u32 s1, $0xD;
	s1 =	sshrl.u32 s1, $0x2  }
0xb8: {  	s3 =	sand.u32 $0x4000, s31;
	s1 =	sadd.s32 s1, s30  }
0xb9: {  	s0 =	sor.u32 s3, s0;
	s1 =	sshll.u32 s1, $0x11  }
0xba: {  	s0 =	sor.u32 s1, s0  }
0xbb: {  	s0 =	sadd.s32 $0x8F2B, s0  }
0xbc: {  	[sflag:s0] =	ssyncadd.remote.s32 $0x1  }
0xbd: {  	_ =	sfence.sel $0xFFFF  }
0xbe: {  	[dreg:$0x0] =	wrdreg $0xFFFFFFFF;
	(pc) =	sbr.abs _section_cstart, $3  }
0xbf: {  	[dreg:$0x1] =	wrdreg $0xFFFFFFFF  }
0xc0: {  	_ =	task.clear_ibuf [dreg:s6], $0x2FFFF;
	_ =	strace $0x9FFFFFFF  }
0xc1: {  	(tm) =	ssettm $0x7FFFFFFF  }
tec
execute0_lowered:
.L_overlay_start_1:
0x0: {  	(tag) =	ssettag $0x1  }
0x1: {  	s4 =	rddreg [dreg:$0x0]  }
0x2: {  	s2 =	srdreg.scid;
	s1 =	stileid.u32  }
0x3: {  	s0 =	rddreg [dreg:$0x1];
	s10 =	simm.s32 $0xA000;
	s11 =	simm.s32 $0x1  }
0x4: {  	s12 =	simm.s32 $0x2;
	s13 =	simm.s32 $0x80;
	s14 =	simm.s32 $0x400  }
0x5: {  	s15 =	simm.s32 $0x3;
	s16 =	simm.s32 $0x0;
	s5 =	sand.u32 $0x1, s2  }
0x6: {  	s3 =	sshll.u32 s1, $0x1;
	s2 =	simm.s32 $0x0;
	s30 =	sshrl.u32 s1, $0x2  }
0x7: {  	s6 =	sor.u32 s5, s3;
	[smem:$0x7FF] =	sst s2;
	s7 =	smul.u32 $0x4C000, s30  }
0x8: {  	s3 =	sadd.s32 $0x1200, s4;
	s8 =	sshll.u32 s6, $0x7;
	s31 =	smul.u32 $0x5F00, s6  }
0x9: {  	s5 =	ssub.s32 $0x2, s5;
	s6 =	smul.u32 $0x5F, s6;
	s8 =	sand.u32 $0x380, s8  }
0xa: {  	_ =	strace $0x80000047;
	s9 =	sshrl.u32 s5, $0x1;
	s7 =	sor.u32 s7, s8  }
0xb: {  	s9 =	ssub.s32 s5, s9;
	s5 =	sadd.s32 $0x1, s6;
	s7 =	sshrl.u32 s7, $0x3  }
0xc: {  	s6 =	sadd.s32 $0x2, s6;
	s8 =	smax.u32 s9, $0x1;
	s7 =	sadd.s32 s7, s4  }
0xd: {  	v0 =	vimm.f32 $0.0e+00;
	v1 =	vimm.f32 $1.000000000e+00;
	s9 =	simm.s32 $0x9800;
	s4 =	sadd.s32 s3, s31;
	s7 =	sadd.s32 $0xBF200, s7  }
.LBB2_1:
0xe: {  	s18 =	simm.s32 $0x100;
	s17 =	simm.s32 $0x0  }
.LBB2_2:
0xf: {  	p0 =	sne.s32 s18, $0x25F00;
	[tilespmem:s17+$0x30] =	vst v0;
	s19 =	smov.u32 s18;
	s18 =	sadd.s32 $0x100, s18  }
.Ltmp0:
0x10: {  	[tilespmem:s17+$0x20] =	vst v0;
	(pc) =	sbr.rel @p0 .LBB2_2-.Ltmp0, $3  }
0x11: {  	[tilespmem:s17+$0x0] =	vst v0  }
0x12: {  	[tilespmem:s17+$0x10] =	vst v0;
	_ =	sdelay $0x1  }
0x13: {  	s17 =	sshra.s32 s19, $0x2  }
0x14: {  	[tilespmem:s17+$0x30] =	vst v0  }
0x15: {  	[tilespmem:s17+$0x20] =	vst v0  }
0x16: {  	[tilespmem:s17+$0x0] =	vst v0  }
0x17: {  	[tilespmem:s17+$0x10] =	vst v0;
	s17 =	simm.s32 $0x0;
	s18 =	simm.s32 $0x0  }
0x18: {  	[tilespmem:s9], [sflag:$0x1] =	stream.linear.gather [hbm4b:s4+s17], $0x800, $0x38;
	[tilespmem:$0xA800] =	vst v63  }
.LBB2_4:
0x19: {  	s19 =	sshll.u32 s18, $0x1  }
0x1a: {  	s20 =	sadd.s32 s19, s5  }
0x1b: {  	s20 =	sshll.u32 s20, $0x8  }
0x1c: {  	s20 =	sadd.s32 s3, s20  }
0x1d: {  	[tilespmem:s10], [sflag:$0x2] =	stream.linear.gather [hbm4b:s20+s17], $0x800, $0x38;
	[tilespmem:$0xA800] =	vst v63  }
0x1e: {  	_ =	swait.ge [sflag:s11], $0x800  }
0x1f: {  	[sflag:s11] =	ssyncset.done $0x0  }
0x20: {  	s20 =	simm.s32 $0x0;
	[sflag:s11] =	ssyncadd.s32 $0xFFFFF800  }
.LBB2_5:
0x21: {  	s21 =	sshll.u32 s20, $0x7  }
0x22: {  	s21 =	sand.u32 $0x3FFFFF80, s21  }
0x23: {  	s22 =	sadd.s32 $0x9800, s21  }
0x24: {  	v2 =	vmov s22;
	_ =	sdelay $0x2  }
0x25: {  	p0 =	por $0x1, $0x1;
	s21 =	simm.s32 $0x0  }
.LBB2_6:
0x26: {  	s21 =	sshra.s32 s21, $0x2  }
0x27: {  	v3 =	vld.idx.msk [tilespmem:v2+s21+$0x0 ss:$0x1], $0xffff;
	_ =	sdelay $0x2  }
0x28: {  	v4 =	vld.idx.msk [tilespmem:v2+s21+$0x10 ss:$0x1], $0xffff  }
0x29: {  	v56 =	vld.idx.msk [tilespmem:v2+s21+$0x30 ss:$0x1], $0xffff  }
0x2a: {  	v57 =	vld.idx.msk [tilespmem:v2+s21+$0x50 ss:$0x1], $0xffff;
	v5 =	vand.u32 $0xFFFF, v3  }
0x2b: {  	v6 =	vld.idx.msk [tilespmem:v2+s21+$0x20 ss:$0x1], $0xffff;
	v3 =	vshrl.u32 v3, $0x10  }
0x2c: {  	v9 =	vld.idx.msk [tilespmem:v2+s21+$0x60 ss:$0x1], $0xffff  }
0x2d: {  	v10 =	vld.idx.msk [tilespmem:v2+s21+$0x70 ss:$0x1], $0xffff;
	v7 =	vand.u32 $0xFFFF, v4  }
0x2e: {  	v8 =	vld.idx.msk [tilespmem:v2+s21+$0x40 ss:$0x1], $0xffff;
	v58 =	vand.u32 $0xFFFF, v56  }
0x2f: {  	v59 =	vand.u32 $0xFFFF, v57;
	[tilespmem:v5+s2+$0x0] =	vst.idx.add.f32.msk $0xffff, v1  }
0x30: {  	[tilespmem:v3+s2+$0x0] =	vst.idx.add.f32.msk $0xffff, v1;
	v3 =	vand.u32 $0xFFFF, v6  }
0x31: {  	v61 =	vand.u32 $0xFFFF, v9  }
0x32: {  	v62 =	vand.u32 $0xFFFF, v10;
	[tilespmem:v7+s2+$0x0] =	vst.idx.add.f32.msk $0xffff, v1  }
0x33: {  	v4 =	vshrl.u32 v4, $0x10;
	[tilespmem:v58+s2+$0x0] =	vst.idx.add.f32.msk $0xffff, v1  }
0x34: {  	v60 =	vshrl.u32 v57, $0x10;
	[tilespmem:v59+s2+$0x0] =	vst.idx.add.f32.msk $0xffff, v1  }
0x35: {  	[tilespmem:v3+s2+$0x0] =	vst.idx.add.f32.msk $0xffff, v1;
	v3 =	vand.u32 $0xFFFF, v8  }
0x36: {  	v63 =	vshrl.u32 v10, $0x10;
	[tilespmem:v61+s2+$0x0] =	vst.idx.add.f32.msk $0xffff, v1  }
0x37: {  	v5 =	vshrl.u32 v56, $0x10;
	[tilespmem:v62+s2+$0x0] =	vst.idx.add.f32.msk $0xffff, v1  }
0x38: {  	v6 =	vshrl.u32 v6, $0x10;
	[tilespmem:v4+s2+$0x0] =	vst.idx.add.f32.msk $0xffff, v1  }
0x39: {  	[tilespmem:v60+s2+$0x0] =	vst.idx.add.f32.msk $0xffff, v1;
	v8 =	vshrl.u32 v8, $0x10  }
0x3a: {  	p1 =	por p0, p0;
	[tilespmem:v3+s2+$0x0] =	vst.idx.add.f32.msk $0xffff, v1;
	v3 =	vshrl.u32 v9, $0x10  }
.Ltmp1:
0x3b: {  	[tilespmem:v63+s2+$0x0] =	vst.idx.add.f32.msk $0xffff, v1;
	(pc) =	sbr.rel @p1 .LBB2_6-.Ltmp1, $4  }
0x3c: {  	[tilespmem:v5+s2+$0x0] =	vst.idx.add.f32.msk $0xffff, v1  }
0x3d: {  	[tilespmem:v6+s2+$0x0] =	vst.idx.add.f32.msk $0xffff, v1  }
0x3e: {  	[tilespmem:v8+s2+$0x0] =	vst.idx.add.f32.msk $0xffff, v1  }
0x3f: {  	p0 =	por $0x0, $0x0;
	s21 =	simm.s32 $0x1000;
	[tilespmem:v3+s2+$0x0] =	vst.idx.add.f32.msk $0xffff, v1  }
0x40: {  	s20 =	sadd.s32 $0x1, s20  }
0x41: {  	p0 =	sne.s32 s20, $0x8  }
.Ltmp2:
0x42: {  	_ = 	snop;
	(pc) =	sbr.rel @p0 .LBB2_5-.Ltmp2, $1  }
0x43: {  	_ =	sdelay $0x3  }
0x44: {  	s19 =	sadd.s32 s19, s6  }
0x45: {  	s19 =	sshll.u32 s19, $0x8  }
0x46: {  	s20 =	sadd.s32 s3, s19;
	s19 =	simm.s32 $0x0  }
0x47: {  	[tilespmem:s9], [sflag:$0x1] =	stream.linear.gather [hbm4b:s20+s19], $0x800, $0x38;
	[tilespmem:$0xA800] =	vst v63  }
0x48: {  	_ =	swait.ge [sflag:s12], $0x800  }
0x49: {  	[sflag:s12] =	ssyncset.done $0x0  }
0x4a: {  	[sflag:s12] =	ssyncadd.s32 $0xFFFFF800  }
.LBB2_9:
0x4b: {  	s20 =	sshll.u32 s19, $0x7  }
0x4c: {  	s21 =	sadd.s32 $0xA000, s20  }
0x4d: {  	v2 =	vmov s21;
	_ =	sdelay $0x1  }
0x4e: {  	s20 =	sadd.s32 $0x9800, s20  }
0x4f: {  	p0 =	por $0x1, $0x1;
	v3 =	vmov s20;
	s20 =	simm.s32 $0x0  }
.LBB2_10:
0x50: {  	s20 =	sshra.s32 s20, $0x2  }
0x51: {  	v4 =	vld.idx.msk [tilespmem:v2+s20+$0x0 ss:$0x1], $0xffff;
	_ =	sdelay $0x2  }
0x52: {  	v5 =	vld.idx.msk [tilespmem:v3+s20+$0x810 ss:$0x1], $0xffff  }
0x53: {  	v7 =	vld.idx.msk [tilespmem:v3+s20+$0x820 ss:$0x1], $0xffff  }
0x54: {  	v59 =	vld.idx.msk [tilespmem:v3+s20+$0x850 ss:$0x1], $0xffff;
	v6 =	vand.u32 $0xFFFF, v4  }
0x55: {  	v58 =	vld.idx.msk [tilespmem:v3+s20+$0x830 ss:$0x1], $0xffff;
	v4 =	vshrl.u32 v4, $0x10  }
0x56: {  	v10 =	vld.idx.msk [tilespmem:v3+s20+$0x860 ss:$0x1], $0xffff  }
0x57: {  	v11 =	vld.idx.msk [tilespmem:v3+s20+$0x870 ss:$0x1], $0xffff;
	v8 =	vand.u32 $0xFFFF, v5  }
0x58: {  	v9 =	vld.idx.msk [tilespmem:v3+s20+$0x840 ss:$0x1], $0xffff;
	v5 =	vshrl.u32 v5, $0x10  }
0x59: {  	v60 =	vand.u32 $0xFFFF, v59;
	[tilespmem:v6+s2+$0x0] =	vst.idx.add.f32.msk $0xffff, v1  }
0x5a: {  	[tilespmem:v4+s2+$0x0] =	vst.idx.add.f32.msk $0xffff, v1;
	v4 =	vand.u32 $0xFFFF, v7  }
0x5b: {  	v61 =	vand.u32 $0xFFFF, v10  }
0x5c: {  	v62 =	vand.u32 $0xFFFF, v11;
	[tilespmem:v8+s2+$0x0] =	vst.idx.add.f32.msk $0xffff, v1  }
0x5d: {  	[tilespmem:v5+s2+$0x0] =	vst.idx.add.f32.msk $0xffff, v1;
	v5 =	vand.u32 $0xFFFF, v58  }
0x5e: {  	v63 =	vshrl.u32 v11, $0x10;
	[tilespmem:v60+s2+$0x0] =	vst.idx.add.f32.msk $0xffff, v1  }
0x5f: {  	[tilespmem:v4+s2+$0x0] =	vst.idx.add.f32.msk $0xffff, v1;
	v4 =	vand.u32 $0xFFFF, v9  }
0x60: {  	[tilespmem:v61+s2+$0x0] =	vst.idx.add.f32.msk $0xffff, v1;
	v7 =	vshrl.u32 v7, $0x10  }
0x61: {  	v6 =	vshrl.u32 v58, $0x10;
	[tilespmem:v62+s2+$0x0] =	vst.idx.add.f32.msk $0xffff, v1  }
0x62: {  	[tilespmem:v5+s2+$0x0] =	vst.idx.add.f32.msk $0xffff, v1;
	v5 =	vshrl.u32 v59, $0x10  }
0x63: {  	[tilespmem:v63+s2+$0x0] =	vst.idx.add.f32.msk $0xffff, v1;
	v9 =	vshrl.u32 v9, $0x10  }
0x64: {  	p1 =	por p0, p0;
	[tilespmem:v4+s2+$0x0] =	vst.idx.add.f32.msk $0xffff, v1;
	v4 =	vshrl.u32 v10, $0x10  }
.Ltmp3:
0x65: {  	[tilespmem:v7+s2+$0x0] =	vst.idx.add.f32.msk $0xffff, v1;
	(pc) =	sbr.rel @p1 .LBB2_10-.Ltmp3, $4  }
0x66: {  	[tilespmem:v6+s2+$0x0] =	vst.idx.add.f32.msk $0xffff, v1  }
0x67: {  	[tilespmem:v5+s2+$0x0] =	vst.idx.add.f32.msk $0xffff, v1  }
0x68: {  	[tilespmem:v9+s2+$0x0] =	vst.idx.add.f32.msk $0xffff, v1  }
0x69: {  	p0 =	por $0x0, $0x0;
	s20 =	simm.s32 $0x1000;
	[tilespmem:v4+s2+$0x0] =	vst.idx.add.f32.msk $0xffff, v1  }
0x6a: {  	s19 =	sadd.s32 $0x1, s19  }
0x6b: {  	p0 =	sne.s32 s19, $0x8  }
.Ltmp4:
0x6c: {  	_ = 	snop;
	(pc) =	sbr.rel @p0 .LBB2_9-.Ltmp4, $1  }
0x6d: {  	_ =	sdelay $0x3  }
0x6e: {  	s18 =	sadd.s32 $0x1, s18  }
0x6f: {  	p0 =	sne.s32 s18, $0x2F  }
.Ltmp5:
0x70: {  	_ = 	snop;
	(pc) =	sbr.rel @p0 .LBB2_4-.Ltmp5, $1  }
0x71: {  	_ =	sdelay $0x3  }
0x72: {  	_ =	swait.ge [sflag:s11], $0x800  }
0x73: {  	[sflag:s11] =	ssyncset.done $0x0  }
0x74: {  	s17 =	simm.s32 $0x0;
	[sflag:s11] =	ssyncadd.s32 $0xFFFFF800  }
.LBB2_14:
0x75: {  	s18 =	sshll.u32 s17, $0x7  }
0x76: {  	s18 =	sand.u32 $0x3FFFFF80, s18  }
0x77: {  	s18 =	sadd.s32 $0x9800, s18  }
0x78: {  	v2 =	vmov s18;
	_ =	sdelay $0x2  }
0x79: {  	p0 =	por $0x1, $0x1;
	s18 =	simm.s32 $0x0  }
.LBB2_15:
0x7a: {  	s18 =	sshra.s32 s18, $0x2  }
0x7b: {  	v3 =	vld.idx.msk [tilespmem:v2+s18+$0x0 ss:$0x1], $0xffff;
	_ =	sdelay $0x2  }
0x7c: {  	v4 =	vld.idx.msk [tilespmem:v2+s18+$0x10 ss:$0x1], $0xffff  }
0x7d: {  	v56 =	vld.idx.msk [tilespmem:v2+s18+$0x30 ss:$0x1], $0xffff  }
0x7e: {  	v57 =	vld.idx.msk [tilespmem:v2+s18+$0x50 ss:$0x1], $0xffff;
	v5 =	vand.u32 $0xFFFF, v3  }
0x7f: {  	v6 =	vld.idx.msk [tilespmem:v2+s18+$0x20 ss:$0x1], $0xffff;
	v3 =	vshrl.u32 v3, $0x10  }
0x80: {  	v9 =	vld.idx.msk [tilespmem:v2+s18+$0x60 ss:$0x1], $0xffff  }
0x81: {  	v10 =	vld.idx.msk [tilespmem:v2+s18+$0x70 ss:$0x1], $0xffff;
	v7 =	vand.u32 $0xFFFF, v4  }
0x82: {  	v8 =	vld.idx.msk [tilespmem:v2+s18+$0x40 ss:$0x1], $0xffff;
	v58 =	vand.u32 $0xFFFF, v56  }
0x83: {  	v59 =	vand.u32 $0xFFFF, v57;
	[tilespmem:v5+s2+$0x0] =	vst.idx.add.f32.msk $0xffff, v1  }
0x84: {  	[tilespmem:v3+s2+$0x0] =	vst.idx.add.f32.msk $0xffff, v1;
	v3 =	vand.u32 $0xFFFF, v6  }
0x85: {  	v61 =	vand.u32 $0xFFFF, v9  }
0x86: {  	v62 =	vand.u32 $0xFFFF, v10;
	[tilespmem:v7+s2+$0x0] =	vst.idx.add.f32.msk $0xffff, v1  }
0x87: {  	v4 =	vshrl.u32 v4, $0x10;
	[tilespmem:v58+s2+$0x0] =	vst.idx.add.f32.msk $0xffff, v1  }
0x88: {  	v60 =	vshrl.u32 v57, $0x10;
	[tilespmem:v59+s2+$0x0] =	vst.idx.add.f32.msk $0xffff, v1  }
0x89: {  	[tilespmem:v3+s2+$0x0] =	vst.idx.add.f32.msk $0xffff, v1;
	v3 =	vand.u32 $0xFFFF, v8  }
0x8a: {  	v63 =	vshrl.u32 v10, $0x10;
	[tilespmem:v61+s2+$0x0] =	vst.idx.add.f32.msk $0xffff, v1  }
0x8b: {  	v5 =	vshrl.u32 v56, $0x10;
	[tilespmem:v62+s2+$0x0] =	vst.idx.add.f32.msk $0xffff, v1  }
0x8c: {  	v6 =	vshrl.u32 v6, $0x10;
	[tilespmem:v4+s2+$0x0] =	vst.idx.add.f32.msk $0xffff, v1  }
0x8d: {  	[tilespmem:v60+s2+$0x0] =	vst.idx.add.f32.msk $0xffff, v1;
	v8 =	vshrl.u32 v8, $0x10  }
0x8e: {  	p1 =	por p0, p0;
	[tilespmem:v3+s2+$0x0] =	vst.idx.add.f32.msk $0xffff, v1;
	v3 =	vshrl.u32 v9, $0x10  }
.Ltmp6:
0x8f: {  	[tilespmem:v63+s2+$0x0] =	vst.idx.add.f32.msk $0xffff, v1;
	(pc) =	sbr.rel @p1 .LBB2_15-.Ltmp6, $4  }
0x90: {  	[tilespmem:v5+s2+$0x0] =	vst.idx.add.f32.msk $0xffff, v1  }
0x91: {  	[tilespmem:v6+s2+$0x0] =	vst.idx.add.f32.msk $0xffff, v1  }
0x92: {  	[tilespmem:v8+s2+$0x0] =	vst.idx.add.f32.msk $0xffff, v1  }
0x93: {  	p0 =	por $0x0, $0x0;
	s18 =	simm.s32 $0x1000;
	[tilespmem:v3+s2+$0x0] =	vst.idx.add.f32.msk $0xffff, v1  }
0x94: {  	s17 =	sadd.s32 $0x1, s17  }
0x95: {  	p0 =	sne.s32 s17, $0x8  }
.Ltmp7:
0x96: {  	_ = 	snop;
	(pc) =	sbr.rel @p0 .LBB2_14-.Ltmp7, $1  }
0x97: {  	_ =	sdelay $0x3  }
0x98: {  	s16 =	sadd.s32 $0x1, s16  }
0x99: {  	p0 =	sne.s32 s16, s8  }
.Ltmp8:
0x9a: {  	_ = 	snop;
	(pc) =	sbr.rel @p0 .LBB2_1-.Ltmp8, $4  }
0x9b: {  	[hbm4b:s7+s13] =	stream.strided.scatter [tilespmem:s2], [sflag:$0x3], $0x9800, s14, s13, $0x38;
	[tilespmem:$0xA800] =	vst v63  }
0x9c: {  	_ =	swait.ge [sflag:s15], $0x9800  }
0x9d: {  	[sflag:s15] =	ssyncset.done $0x0  }
0x9e: {  	[sflag:s15] =	ssyncadd.s32 $0xFFFF6800  }
0x9f: {  	_ =	sfence.sel $0x180000  }
0xa0: {  	[bflag:$0x0] =	sbarrier.arrive $0xFFFF  }
0xa1: {  	p0 =	sne.s32 s1, $0x0;
	_ =	strace $0x90000047  }
0xa2: {  	s0 =	sadd.s32 @!p0 $0x100000, s0;
	[bflag:$0x2] =	sbarrier.arrive $0xFFFF  }
0xa3: {  	[sflag:s0] =	ssyncadd.tile.s32 @!p0 $0x1;
	_ =	shalt  }
.Lfunc_end2:
_tile_overlayer_lowered:
.L_overlay_start_2:
0xa4: {  	(tag) =	ssettag $0x2  }
0xa5: {  	s0 =	rddreg [dreg:$0x0];
	s2 =	stileid.u32  }
0xa6: {  	s1 =	rddreg [dreg:$0x1];
	p0 =	sne.s32 s2, $0x0  }
0xa7: {  	s3 =	rddreg [dreg:$0x2];
	[bflag:$0x3] =	sbarrier.arrive $0xFFFF;
	s2 =	simm.s32 @!p0 $0x1C03  }
0xa8: {  	[timem:s3], [sflag:s2] =	dma.local @!p0 [hbm:s0], s1  }
0xa9: {  	s0 =	simm.s32 @!p0 $0x3  }
0xaa: {  	_ =	swait.ge @!p0 [sflag:s0], s1  }
0xab: {  	s1 =	ssub.s32 @!p0 $0x0, s1;
	[sflag:s0] =	ssyncset.done @!p0 $0x0  }
0xac: {  	[sflag:s0] =	ssyncadd.s32 @!p0 s1  }
0xad: {  	[bflag:$0x3] =	sbarrier.arrive $0xFFFF  }
0xae: {  	_ =	shalt  }

// kernel: kernel.7.cloned.1.call-start
scs
__scs_entry_jumppad:
0x0: {  	(pc) =	sbr.rel $0x88, $3  }
0x1: {  	(tag) =	ssettag $0x0;
	lr =	simm.s32 $0x1  }
0x2: {  	[smem:$0x3F9F] =	sst lr;
	_ =	strace $0xD0000000  }
0x3: {  	_ = 	snop  }
0x4: {  	_ = 	snop  }
0x5: {  	_ = 	snop  }
0x6: {  	_ = 	snop  }
0x7: {  	_ = 	snop  }
__scs_overlays_trampoline_lowered:
0x8: {  	[smem:$0x3FAE] =	sst s0  }
0x9: {  	[smem:$0x3FAF] =	sst s1  }
0xa: {  	[smem:$0x3FB0] =	sst s2  }
0xb: {  	[smem:$0x3FB1] =	sst s3  }
0xc: {  	[smem:$0x3FB2] =	sst s4  }
0xd: {  	[smem:$0x3FB3] =	sst s5  }
0xe: {  	[smem:$0x3FB4] =	sst s6  }
0xf: {  	[smem:$0x3FB5] =	sst s7  }
0x10: {  	[smem:$0x3FB6] =	sst s8  }
0x11: {  	[smem:$0x3FB7] =	sst s9;
	s0 =	simm.s32 @!p0 $0x0  }
0x12: {  	s1 =	sld [smem:$0x3F9D];
	s0 =	simm.s32 @p0 $0x1  }
0x13: {  	[smem:$0x3FB8] =	sst s0;
	s0 =	simm.s32 @!p1 $0x0  }
0x14: {  	s2 =	sld [smem:$0x3F9C];
	s0 =	simm.s32 @p1 $0x1  }
0x15: {  	[smem:$0x3FB9] =	sst s0;
	s0 =	simm.s32 @!p2 $0x0  }
0x16: {  	s3 =	sld [smem:$0x3FDB];
	s0 =	simm.s32 @p2 $0x1  }
0x17: {  	s4 =	simm.s32 $0x1BF5;
	[smem:$0x3FBB] =	sst s0  }
0x18: {  	s0 =	sld [smem:$0x3F9E];
	_ =	swait.ge [sflag:s4], $0x0  }
0x19: {  	s7 =	sld [smem:$0x3F9F]  }
0x1a: {  	s8 =	sadd.s32 $0xFFFFE003, lr  }
0x1b: {  	s9 =	sadd.s32 $0xFFFFFEF7, lr;
	s5 =	simm.s32 $0xFFFFFFFF;
	p2 =	slt.u32 s8, $0xFFFFF086  }
0x1c: {  	p1 =	slt.u32 s9, $0xF7A;
	s5 =	simm.s32 @!p2 $0x0  }
0x1d: {  	s5 =	simm.s32 @p1 $0x1;
	p0 =	seq.s32 s7, s2  }
0x1e: {  	s7 =	smul.u32 @!p0 $0xF7A, s2;
	p2 =	seq.s32 @!p0 s5, $0x0  }
0x1f: {  	s9 =	smul.u32 $0xF7A, s1;
	s8 =	simm.s32 @!p0 $0x1BF5;
	p2 =	por !p2, p0  }
0x20: {  	[sflag:s8] =	ssyncset.s32 @!p0 $0xFFFFF086;
	s6 =	sadd.s32 @!p0 s3, s7;
	s7 =	simm.s32 @!p0 $0x108  }
0x21: {  	s3 =	sadd.s32 s3, s9;
	s6 =	sadd.s32 @!p0 $0x88, s6;
	s7 =	simm.s32 @p2 $0x1082  }
0x22: {  	[simem:s7], [sflag:s8] =	dma.local @!p0 [hbm:s6], $0xF7A  }
0x23: {  	s9 =	sor.u32 $0xD0000000, s2;
	s6 =	simm.s32 $0x108;
	_ =	swait.ge @!p0 [sflag:s8], $0x0  }
0x24: {  	s3 =	sadd.s32 $0x88, s3;
	s6 =	simm.s32 @!p1 $0x1082;
	[sflag:s4] =	ssyncset.s32 $0xFFFFF086  }
0x25: {  	[simem:s6], [sflag:s4] =	dma.local [hbm:s3], $0xF7A  }
0x26: {  	[smem:$0x3F9F] =	sst s1;
	(tag) =	ssettag s2;
	_ =	strace s9  }
0x27: {  	s1 =	sld [smem:$0x3FAF]  }
0x28: {  	s2 =	sld [smem:$0x3FB0]  }
0x29: {  	s4 =	sld [smem:$0x3FB2]  }
0x2a: {  	p0 =	seq.s32 s5, $0x0;
	s5 =	sld [smem:$0x3FB3]  }
0x2b: {  	s6 =	sld [smem:$0x3FB4]  }
0x2c: {  	s7 =	sld [smem:$0x3FB5]  }
0x2d: {  	s3 =	simm.s32 $0x108;
	s8 =	sld [smem:$0x3FB6]  }
0x2e: {  	s3 =	simm.s32 @!p0 $0x1082;
	s9 =	sld [smem:$0x3FB7]  }
0x2f: {  	lr =	sadd.s32 s0, s3;
	s0 =	sld [smem:$0x3FAE]  }
0x30: {  	s3 =	sld [smem:$0x3FB1]  }
0x31: {  	[smem:$0x3FBA] =	sst s10  }
0x32: {  	s10 =	sld [smem:$0x3FB8];
	_ =	sdelay $0x3  }
0x33: {  	p0 =	seq.s32 s10, $0x1;
	s10 =	sld [smem:$0x3FBA];
	_ =	sdelay $0x3  }
0x34: {  	[smem:$0x3FBA] =	sst s10  }
0x35: {  	s10 =	sld [smem:$0x3FB9];
	_ =	sdelay $0x3  }
0x36: {  	p1 =	seq.s32 s10, $0x1;
	s10 =	sld [smem:$0x3FBA];
	_ =	sdelay $0x3  }
0x37: {  	[smem:$0x3FBA] =	sst s10  }
0x38: {  	s10 =	sld [smem:$0x3FBB]  }
0x39: {  	_ = 	snop;
	(pc) =	sbr.ind lr, $3  }
0x3a: {  	_ = 	snop  }
0x3b: {  	_ = 	snop  }
0x3c: {  	p2 =	seq.s32 s10, $0x1;
	s10 =	sld [smem:$0x3FBA]  }
0x3d: {  	_ =	shalt  }
0x3e: {  	_ =	shalt  }
0x3f: {  	_ =	shalt  }
0x40: {  	_ =	shalt  }
0x41: {  	_ =	shalt  }
0x42: {  	_ =	shalt  }
0x43: {  	_ =	shalt  }
0x44: {  	_ =	shalt  }
0x45: {  	_ =	shalt  }
0x46: {  	_ =	shalt  }
0x47: {  	_ =	shalt  }
0x48: {  	_ =	shalt  }
0x49: {  	_ =	shalt  }
0x4a: {  	_ =	shalt  }
0x4b: {  	_ =	shalt  }
0x4c: {  	_ =	shalt  }
0x4d: {  	_ =	shalt  }
0x4e: {  	_ =	shalt  }
0x4f: {  	_ =	shalt  }
0x50: {  	_ =	shalt  }
0x51: {  	_ =	shalt  }
0x52: {  	_ =	shalt  }
0x53: {  	_ =	shalt  }
0x54: {  	_ =	shalt  }
0x55: {  	_ =	shalt  }
0x56: {  	_ =	shalt  }
0x57: {  	_ =	shalt  }
0x58: {  	_ =	shalt  }
0x59: {  	_ =	shalt  }
0x5a: {  	_ =	shalt  }
0x5b: {  	_ =	shalt  }
0x5c: {  	_ =	shalt  }
0x5d: {  	_ =	shalt  }
0x5e: {  	_ =	shalt  }
0x5f: {  	_ =	shalt  }
0x60: {  	_ =	shalt  }
0x61: {  	_ =	shalt  }
0x62: {  	_ =	shalt  }
0x63: {  	_ =	shalt  }
0x64: {  	_ =	shalt  }
0x65: {  	_ =	shalt  }
0x66: {  	_ =	shalt  }
0x67: {  	_ =	shalt  }
0x68: {  	_ =	shalt  }
0x69: {  	_ =	shalt  }
0x6a: {  	_ =	shalt  }
0x6b: {  	_ =	shalt  }
0x6c: {  	_ =	shalt  }
0x6d: {  	_ =	shalt  }
0x6e: {  	_ =	shalt  }
0x6f: {  	_ =	shalt  }
0x70: {  	_ =	shalt  }
0x71: {  	_ =	shalt  }
0x72: {  	_ =	shalt  }
0x73: {  	_ =	shalt  }
0x74: {  	_ =	shalt  }
0x75: {  	_ =	shalt  }
0x76: {  	_ =	shalt  }
0x77: {  	_ =	shalt  }
0x78: {  	_ =	shalt  }
0x79: {  	_ =	shalt  }
0x7a: {  	_ =	shalt  }
0x7b: {  	_ =	shalt  }
0x7c: {  	_ =	shalt  }
0x7d: {  	_ =	shalt  }
0x7e: {  	_ =	shalt  }
0x7f: {  	_ =	shalt  }
0x80: {  	_ =	shalt  }
0x81: {  	_ =	shalt  }
0x82: {  	_ =	shalt  }
0x83: {  	_ =	shalt  }
0x84: {  	_ =	shalt  }
0x85: {  	_ =	shalt  }
0x86: {  	_ =	shalt  }
0x87: {  	_ =	shalt  }
.Lfunc_end0:
.L_simem_size_0:
called_computation_lowered:
.L_overlay_start_0:
0x88: {  	s2 =	sld [smem:$0x3FD9]  }
0x89: {  	s3 =	sld [smem:$0x3FFE];
	_ =	sdelay $0x1  }
0x8a: {  	s1 =	srdreg.scid  }
0x8b: {  	s0 =	sand.u32 $0x1, s1  }
0x8c: {  	s17 =	sshll.u32 s0, $0xA;
	s2 =	sadd.s32 s3, s2  }
0x8d: {  	s2 =	sadd.s32 s2, s17  }
0x8e: {  	[smem:$0x3FC6] =	sst s2  }
0x8f: {  	_ = 	snop  }
0x90: {  	(tm) =	ssettm $0x1  }
0x91: {  	s18 =	sld [smem:$0x3FFB];
	_ =	sdelay $0x3  }
0x92: {  	_ =	strace s18  }
0x93: {  	s2 =	sld [smem:$0x3FFC];
	_ =	sdelay $0x3  }
0x94: {  	_ =	strace s2  }
0x95: {  	s2 =	sld [smem:$0x3FFD];
	_ =	sdelay $0x3  }
0x96: {  	_ =	strace s2  }
0x97: {  	_ =	strace $0x8FFFFFFF  }
0x98: {  	s19 =	sld [smem:$0x3FDB];
	_ =	sdelay $0x1  }
0x99: {  	s20 =	simm.s32 $_scs_section_size  }
0x9a: {  	s4 =	simm.s32 $_size__tile_overlayer_lowered;
	s5 =	simm.s32 $_tile_overlayer_lowered  }
0x9b: {  	s6 =	simm.s32 $0x1BFF;
	s21 =	sshll.u32 s5, $0x1;
	s3 =	sadd.s32 s20, s19  }
0x9c: {  	s22 =	simm.s32 $0x0;
	s4 =	sshll.u32 s4, $0x1;
	s5 =	sadd.s32 s21, s3  }
0x9d: {  	[timem:s22], [sflag:s6] =	dma.local [hbm:s5], s4  }
0x9e: {  	_ =	swait.ge [sflag:s6], s4  }
0x9f: {  	s4 =	ssub.s32 $0x0, s4;
	[sflag:s6] =	ssyncset.done $0x0  }
0xa0: {  	[sflag:s6] =	ssyncadd.s32 s4;
	_ =	sdelay $0x1  }
0xa1: {  	s23 =	simm.s32 $0x1B8B  }
0xa2: {  	_ =	swait.ge [sflag:s23], $0x1  }
0xa3: {  	[sflag:s23] =	ssyncset.done $0x0  }
0xa4: {  	[sflag:s23] =	ssyncadd.s32 $0xFFFFFFFF  }
0xa5: {  	s4 =	sld [smem:$0x0]  }
0xa6: {  	s5 =	sand.u32 $0xFFFFFFFE, s1  }
0xa7: {  	p0 =	sne.s32 s1, s5  }
0xa8: {  	s5 =	sshll.u32 @p0 s5, $0xE  }
0xa9: {  	s5 =	sadd.s32 @p0 $0x11B8D, s5;
	s6 =	sshll.u32 @p0 s4, $0x11  }
0xaa: {  	s5 =	sor.u32 @p0 s6, s5  }
0xab: {  	[sflag:s5] =	ssyncadd.remote.s32 @p0 $0x1;
	_ =	sdelay $0x1  }
0xac: {  	s5 =	simm.s32 @p0 $0x1B8D  }
0xad: {  	_ =	swait.eq @p0 [sflag:s5], $0x1  }
0xae: {  	[sflag:s5] =	ssyncadd.s32 @p0 $0xFFFFFFFF  }
0xaf: {  	s6 =	sshll.u32 @!p0 s1, $0xE  }
0xb0: {  	s6 =	sor.u32 @!p0 $0x4000, s6;
	s5 =	simm.s32 @!p0 $0x1B8D  }
0xb1: {  	s4 =	sshll.u32 @!p0 s4, $0x11;
	s6 =	sadd.s32 @!p0 $0x11B8D, s6;
	_ =	swait.eq @!p0 [sflag:s5], $0x1  }
0xb2: {  	s4 =	sor.u32 @!p0 s4, s6;
	[sflag:s5] =	ssyncadd.s32 @!p0 $0xFFFFFFFF  }
0xb3: {  	s25 =	simm.s32 $0x1B8E;
	s24 =	sld [smem:$0x3FFE];
	[sflag:s4] =	ssyncadd.remote.s32 @!p0 $0x1  }
0xb4: {  	s26 =	simm.s32 $execute0_lowered;
	[smem:$0x3FD2] =	sst s25  }
0xb5: {  	s5 =	sshll.u32 s26, $0x1;
	_ =	strace $0x80000049;
	[dreg:$0x1] =	wrdreg $0xFFFFFFFF  }
0xb6: {  	s28 =	simm.s32 $_size_execute0_lowered;
	s3 =	sadd.s32 s3, s5;
	[dreg:$0x0] =	wrdreg $0x0  }
0xb7: {  	s5 =	sshll.u32 s28, $0x1;
	[dreg:$0x2] =	wrdreg s3  }
0xb8: {  	[dreg:$0x3] =	wrdreg s5  }
0xb9: {  	[dreg:$0x4] =	wrdreg $0xC0  }
0xba: {  	_ =	task [dreg:s22], $0x5FFFF  }
0xbb: {  	[dreg:$0x1] =	wrdreg $0xFFFFFFFF  }
0xbc: {  	[dreg:$0x0] =	wrdreg $0x60  }
0xbd: {  	[dreg:$0x2] =	wrdreg s24  }
0xbe: {  	[dreg:$0x3] =	wrdreg $0x9  }
0xbf: {  	_ =	task.clear_ibuf [dreg:s22], $0x4FFFF;
	_ =	strace $0x90000049  }
0xc0: {  	s29 =	simm.s32 $0x9;
	_ =	strace $0x8000004B  }
0xc1: {  	_ =	swait.ge [sflag:s29], $0x1  }
0xc2: {  	[sflag:s29] =	ssyncadd.s32 $0xFFFFFFFF  }
0xc3: {  	_ =	strace $0x9000004B  }
0xc4: {  	_ =	sfence  }
0xc5: {  	s30 =	sld [smem:$0x0];
	_ =	sdelay $0x2  }
0xc6: {  	s31 =	sshll.u32 s1, $0xD;
	s1 =	sshrl.u32 s1, $0x2  }
0xc7: {  	s4 =	sand.u32 $0x4000, s31;
	s1 =	sadd.s32 s1, s30  }
0xc8: {  	s0 =	sor.u32 s4, s0;
	s1 =	sshll.u32 s1, $0x11  }
0xc9: {  	s0 =	sor.u32 s1, s0  }
0xca: {  	s0 =	sadd.s32 $0x8F2B, s0  }
0xcb: {  	[sflag:s0] =	ssyncadd.remote.s32 $0x1  }
0xcc: {  	_ =	sfence.sel $0xFFFF  }
0xcd: {  	[dreg:$0x0] =	wrdreg $0xFFFFFFFF;
	(pc) =	sbr.abs _section_cstart, $3  }
0xce: {  	[dreg:$0x1] =	wrdreg $0xFFFFFFFF  }
0xcf: {  	_ =	task.clear_ibuf [dreg:s22], $0x2FFFF;
	_ =	strace $0x9FFFFFFF  }
0xd0: {  	(tm) =	ssettm $0x7FFFFFFF  }
0xd1: {  	_ =	shalt  }
tec
execute0_lowered:
.L_overlay_start_1:
0x0: {  	(tag) =	ssettag $0x1  }
0x1: {  	s4 =	rddreg [dreg:$0x0]  }
0x2: {  	s2 =	srdreg.scid;
	s1 =	stileid.u32  }
0x3: {  	s0 =	rddreg [dreg:$0x1];
	s10 =	simm.s32 $0xA000;
	s11 =	simm.s32 $0x1  }
0x4: {  	s12 =	simm.s32 $0x2;
	s13 =	simm.s32 $0x80;
	s14 =	simm.s32 $0x400  }
0x5: {  	s15 =	simm.s32 $0x3;
	s16 =	simm.s32 $0x0;
	s5 =	sand.u32 $0x1, s2  }
0x6: {  	s3 =	sshll.u32 s1, $0x1;
	s2 =	simm.s32 $0x0;
	s30 =	sshrl.u32 s1, $0x2  }
0x7: {  	s6 =	sor.u32 s5, s3;
	[smem:$0x7FF] =	sst s2;
	s7 =	smul.u32 $0x4C000, s30  }
0x8: {  	s3 =	sadd.s32 $0xE5200, s4;
	s8 =	sshll.u32 s6, $0x7;
	s31 =	smul.u32 $0x3900, s6  }
0x9: {  	s5 =	ssub.s32 $0x2, s5;
	s6 =	smul.u32 $0x39, s6;
	s8 =	sand.u32 $0x380, s8  }
0xa: {  	_ =	strace $0x8000004A;
	s9 =	sshrl.u32 s5, $0x1;
	s7 =	sor.u32 s7, s8  }
0xb: {  	s9 =	ssub.s32 s5, s9;
	s5 =	sadd.s32 $0x1, s6;
	s7 =	sshrl.u32 s7, $0x3  }
0xc: {  	s6 =	sadd.s32 $0x2, s6;
	s8 =	smax.u32 s9, $0x1;
	s7 =	sadd.s32 s7, s4  }
0xd: {  	v0 =	vimm.f32 $0.0e+00;
	v1 =	vimm.f32 $1.000000000e+00;
	s9 =	simm.s32 $0x9800;
	s4 =	sadd.s32 s3, s31;
	s7 =	sadd.s32 $0x157200, s7  }
.LBB2_1:
0xe: {  	s18 =	simm.s32 $0x100;
	s17 =	simm.s32 $0x0  }
.LBB2_2:
0xf: {  	p0 =	sne.s32 s18, $0x25F00;
	[tilespmem:s17+$0x30] =	vst v0;
	s19 =	smov.u32 s18;
	s18 =	sadd.s32 $0x100, s18  }
.Ltmp0:
0x10: {  	[tilespmem:s17+$0x20] =	vst v0;
	(pc) =	sbr.rel @p0 .LBB2_2-.Ltmp0, $3  }
0x11: {  	[tilespmem:s17+$0x0] =	vst v0  }
0x12: {  	[tilespmem:s17+$0x10] =	vst v0;
	_ =	sdelay $0x1  }
0x13: {  	s17 =	sshra.s32 s19, $0x2  }
0x14: {  	[tilespmem:s17+$0x30] =	vst v0  }
0x15: {  	[tilespmem:s17+$0x20] =	vst v0  }
0x16: {  	[tilespmem:s17+$0x0] =	vst v0  }
0x17: {  	[tilespmem:s17+$0x10] =	vst v0;
	s17 =	simm.s32 $0x0;
	s18 =	simm.s32 $0x0  }
0x18: {  	[tilespmem:s9], [sflag:$0x1] =	stream.linear.gather [hbm4b:s4+s17], $0x800, $0x38;
	[tilespmem:$0xA800] =	vst v63  }
.LBB2_4:
0x19: {  	s19 =	sshll.u32 s18, $0x1  }
0x1a: {  	s20 =	sadd.s32 s19, s5  }
0x1b: {  	s20 =	sshll.u32 s20, $0x8  }
0x1c: {  	s20 =	sadd.s32 s3, s20  }
0x1d: {  	[tilespmem:s10], [sflag:$0x2] =	stream.linear.gather [hbm4b:s20+s17], $0x800, $0x38;
	[tilespmem:$0xA800] =	vst v63  }
0x1e: {  	_ =	swait.ge [sflag:s11], $0x800  }
0x1f: {  	[sflag:s11] =	ssyncset.done $0x0  }
0x20: {  	s20 =	simm.s32 $0x0;
	[sflag:s11] =	ssyncadd.s32 $0xFFFFF800  }
.LBB2_5:
0x21: {  	s21 =	sshll.u32 s20, $0x7  }
0x22: {  	s21 =	sand.u32 $0x3FFFFF80, s21  }
0x23: {  	s22 =	sadd.s32 $0x9800, s21  }
0x24: {  	v2 =	vmov s22;
	_ =	sdelay $0x2  }
0x25: {  	p0 =	por $0x1, $0x1;
	s21 =	simm.s32 $0x0  }
.LBB2_6:
0x26: {  	s21 =	sshra.s32 s21, $0x2  }
0x27: {  	v3 =	vld.idx.msk [tilespmem:v2+s21+$0x0 ss:$0x1], $0xffff;
	_ =	sdelay $0x2  }
0x28: {  	v4 =	vld.idx.msk [tilespmem:v2+s21+$0x10 ss:$0x1], $0xffff  }
0x29: {  	v56 =	vld.idx.msk [tilespmem:v2+s21+$0x30 ss:$0x1], $0xffff  }
0x2a: {  	v57 =	vld.idx.msk [tilespmem:v2+s21+$0x50 ss:$0x1], $0xffff;
	v5 =	vand.u32 $0xFFFF, v3  }
0x2b: {  	v6 =	vld.idx.msk [tilespmem:v2+s21+$0x20 ss:$0x1], $0xffff;
	v3 =	vshrl.u32 v3, $0x10  }
0x2c: {  	v9 =	vld.idx.msk [tilespmem:v2+s21+$0x60 ss:$0x1], $0xffff  }
0x2d: {  	v10 =	vld.idx.msk [tilespmem:v2+s21+$0x70 ss:$0x1], $0xffff;
	v7 =	vand.u32 $0xFFFF, v4  }
0x2e: {  	v8 =	vld.idx.msk [tilespmem:v2+s21+$0x40 ss:$0x1], $0xffff;
	v58 =	vand.u32 $0xFFFF, v56  }
0x2f: {  	v59 =	vand.u32 $0xFFFF, v57;
	[tilespmem:v5+s2+$0x0] =	vst.idx.add.f32.msk $0xffff, v1  }
0x30: {  	[tilespmem:v3+s2+$0x0] =	vst.idx.add.f32.msk $0xffff, v1;
	v3 =	vand.u32 $0xFFFF, v6  }
0x31: {  	v61 =	vand.u32 $0xFFFF, v9  }
0x32: {  	v62 =	vand.u32 $0xFFFF, v10;
	[tilespmem:v7+s2+$0x0] =	vst.idx.add.f32.msk $0xffff, v1  }
0x33: {  	v4 =	vshrl.u32 v4, $0x10;
	[tilespmem:v58+s2+$0x0] =	vst.idx.add.f32.msk $0xffff, v1  }
0x34: {  	v60 =	vshrl.u32 v57, $0x10;
	[tilespmem:v59+s2+$0x0] =	vst.idx.add.f32.msk $0xffff, v1  }
0x35: {  	[tilespmem:v3+s2+$0x0] =	vst.idx.add.f32.msk $0xffff, v1;
	v3 =	vand.u32 $0xFFFF, v8  }
0x36: {  	v63 =	vshrl.u32 v10, $0x10;
	[tilespmem:v61+s2+$0x0] =	vst.idx.add.f32.msk $0xffff, v1  }
0x37: {  	v5 =	vshrl.u32 v56, $0x10;
	[tilespmem:v62+s2+$0x0] =	vst.idx.add.f32.msk $0xffff, v1  }
0x38: {  	v6 =	vshrl.u32 v6, $0x10;
	[tilespmem:v4+s2+$0x0] =	vst.idx.add.f32.msk $0xffff, v1  }
0x39: {  	[tilespmem:v60+s2+$0x0] =	vst.idx.add.f32.msk $0xffff, v1;
	v8 =	vshrl.u32 v8, $0x10  }
0x3a: {  	p1 =	por p0, p0;
	[tilespmem:v3+s2+$0x0] =	vst.idx.add.f32.msk $0xffff, v1;
	v3 =	vshrl.u32 v9, $0x10  }
.Ltmp1:
0x3b: {  	[tilespmem:v63+s2+$0x0] =	vst.idx.add.f32.msk $0xffff, v1;
	(pc) =	sbr.rel @p1 .LBB2_6-.Ltmp1, $4  }
0x3c: {  	[tilespmem:v5+s2+$0x0] =	vst.idx.add.f32.msk $0xffff, v1  }
0x3d: {  	[tilespmem:v6+s2+$0x0] =	vst.idx.add.f32.msk $0xffff, v1  }
0x3e: {  	[tilespmem:v8+s2+$0x0] =	vst.idx.add.f32.msk $0xffff, v1  }
0x3f: {  	p0 =	por $0x0, $0x0;
	s21 =	simm.s32 $0x1000;
	[tilespmem:v3+s2+$0x0] =	vst.idx.add.f32.msk $0xffff, v1  }
0x40: {  	s20 =	sadd.s32 $0x1, s20  }
0x41: {  	p0 =	sne.s32 s20, $0x8  }
.Ltmp2:
0x42: {  	_ = 	snop;
	(pc) =	sbr.rel @p0 .LBB2_5-.Ltmp2, $1  }
0x43: {  	_ =	sdelay $0x3  }
0x44: {  	s19 =	sadd.s32 s19, s6  }
0x45: {  	s19 =	sshll.u32 s19, $0x8  }
0x46: {  	s20 =	sadd.s32 s3, s19;
	s19 =	simm.s32 $0x0  }
0x47: {  	[tilespmem:s9], [sflag:$0x1] =	stream.linear.gather [hbm4b:s20+s19], $0x800, $0x38;
	[tilespmem:$0xA800] =	vst v63  }
0x48: {  	_ =	swait.ge [sflag:s12], $0x800  }
0x49: {  	[sflag:s12] =	ssyncset.done $0x0  }
0x4a: {  	[sflag:s12] =	ssyncadd.s32 $0xFFFFF800  }
.LBB2_9:
0x4b: {  	s20 =	sshll.u32 s19, $0x7  }
0x4c: {  	s21 =	sadd.s32 $0xA000, s20  }
0x4d: {  	v2 =	vmov s21;
	_ =	sdelay $0x1  }
0x4e: {  	s20 =	sadd.s32 $0x9800, s20  }
0x4f: {  	p0 =	por $0x1, $0x1;
	v3 =	vmov s20;
	s20 =	simm.s32 $0x0  }
.LBB2_10:
0x50: {  	s20 =	sshra.s32 s20, $0x2  }
0x51: {  	v4 =	vld.idx.msk [tilespmem:v2+s20+$0x0 ss:$0x1], $0xffff;
	_ =	sdelay $0x2  }
0x52: {  	v5 =	vld.idx.msk [tilespmem:v3+s20+$0x810 ss:$0x1], $0xffff  }
0x53: {  	v7 =	vld.idx.msk [tilespmem:v3+s20+$0x820 ss:$0x1], $0xffff  }
0x54: {  	v59 =	vld.idx.msk [tilespmem:v3+s20+$0x850 ss:$0x1], $0xffff;
	v6 =	vand.u32 $0xFFFF, v4  }
0x55: {  	v58 =	vld.idx.msk [tilespmem:v3+s20+$0x830 ss:$0x1], $0xffff;
	v4 =	vshrl.u32 v4, $0x10  }
0x56: {  	v10 =	vld.idx.msk [tilespmem:v3+s20+$0x860 ss:$0x1], $0xffff  }
0x57: {  	v11 =	vld.idx.msk [tilespmem:v3+s20+$0x870 ss:$0x1], $0xffff;
	v8 =	vand.u32 $0xFFFF, v5  }
0x58: {  	v9 =	vld.idx.msk [tilespmem:v3+s20+$0x840 ss:$0x1], $0xffff;
	v5 =	vshrl.u32 v5, $0x10  }
0x59: {  	v60 =	vand.u32 $0xFFFF, v59;
	[tilespmem:v6+s2+$0x0] =	vst.idx.add.f32.msk $0xffff, v1  }
0x5a: {  	[tilespmem:v4+s2+$0x0] =	vst.idx.add.f32.msk $0xffff, v1;
	v4 =	vand.u32 $0xFFFF, v7  }
0x5b: {  	v61 =	vand.u32 $0xFFFF, v10  }
0x5c: {  	v62 =	vand.u32 $0xFFFF, v11;
	[tilespmem:v8+s2+$0x0] =	vst.idx.add.f32.msk $0xffff, v1  }
0x5d: {  	[tilespmem:v5+s2+$0x0] =	vst.idx.add.f32.msk $0xffff, v1;
	v5 =	vand.u32 $0xFFFF, v58  }
0x5e: {  	v63 =	vshrl.u32 v11, $0x10;
	[tilespmem:v60+s2+$0x0] =	vst.idx.add.f32.msk $0xffff, v1  }
0x5f: {  	[tilespmem:v4+s2+$0x0] =	vst.idx.add.f32.msk $0xffff, v1;
	v4 =	vand.u32 $0xFFFF, v9  }
0x60: {  	[tilespmem:v61+s2+$0x0] =	vst.idx.add.f32.msk $0xffff, v1;
	v7 =	vshrl.u32 v7, $0x10  }
0x61: {  	v6 =	vshrl.u32 v58, $0x10;
	[tilespmem:v62+s2+$0x0] =	vst.idx.add.f32.msk $0xffff, v1  }
0x62: {  	[tilespmem:v5+s2+$0x0] =	vst.idx.add.f32.msk $0xffff, v1;
	v5 =	vshrl.u32 v59, $0x10  }
0x63: {  	[tilespmem:v63+s2+$0x0] =	vst.idx.add.f32.msk $0xffff, v1;
	v9 =	vshrl.u32 v9, $0x10  }
0x64: {  	p1 =	por p0, p0;
	[tilespmem:v4+s2+$0x0] =	vst.idx.add.f32.msk $0xffff, v1;
	v4 =	vshrl.u32 v10, $0x10  }
.Ltmp3:
0x65: {  	[tilespmem:v7+s2+$0x0] =	vst.idx.add.f32.msk $0xffff, v1;
	(pc) =	sbr.rel @p1 .LBB2_10-.Ltmp3, $4  }
0x66: {  	[tilespmem:v6+s2+$0x0] =	vst.idx.add.f32.msk $0xffff, v1  }
0x67: {  	[tilespmem:v5+s2+$0x0] =	vst.idx.add.f32.msk $0xffff, v1  }
0x68: {  	[tilespmem:v9+s2+$0x0] =	vst.idx.add.f32.msk $0xffff, v1  }
0x69: {  	p0 =	por $0x0, $0x0;
	s20 =	simm.s32 $0x1000;
	[tilespmem:v4+s2+$0x0] =	vst.idx.add.f32.msk $0xffff, v1  }
0x6a: {  	s19 =	sadd.s32 $0x1, s19  }
0x6b: {  	p0 =	sne.s32 s19, $0x8  }
.Ltmp4:
0x6c: {  	_ = 	snop;
	(pc) =	sbr.rel @p0 .LBB2_9-.Ltmp4, $1  }
0x6d: {  	_ =	sdelay $0x3  }
0x6e: {  	s18 =	sadd.s32 $0x1, s18  }
0x6f: {  	p0 =	sne.s32 s18, $0x1C  }
.Ltmp5:
0x70: {  	_ = 	snop;
	(pc) =	sbr.rel @p0 .LBB2_4-.Ltmp5, $1  }
0x71: {  	_ =	sdelay $0x3  }
0x72: {  	_ =	swait.ge [sflag:s11], $0x800  }
0x73: {  	[sflag:s11] =	ssyncset.done $0x0  }
0x74: {  	s17 =	simm.s32 $0x0;
	[sflag:s11] =	ssyncadd.s32 $0xFFFFF800  }
.LBB2_14:
0x75: {  	s18 =	sshll.u32 s17, $0x7  }
0x76: {  	s18 =	sand.u32 $0x3FFFFF80, s18  }
0x77: {  	s18 =	sadd.s32 $0x9800, s18  }
0x78: {  	v2 =	vmov s18;
	_ =	sdelay $0x2  }
0x79: {  	p0 =	por $0x1, $0x1;
	s18 =	simm.s32 $0x0  }
.LBB2_15:
0x7a: {  	s18 =	sshra.s32 s18, $0x2  }
0x7b: {  	v3 =	vld.idx.msk [tilespmem:v2+s18+$0x0 ss:$0x1], $0xffff;
	_ =	sdelay $0x2  }
0x7c: {  	v4 =	vld.idx.msk [tilespmem:v2+s18+$0x10 ss:$0x1], $0xffff  }
0x7d: {  	v56 =	vld.idx.msk [tilespmem:v2+s18+$0x30 ss:$0x1], $0xffff  }
0x7e: {  	v57 =	vld.idx.msk [tilespmem:v2+s18+$0x50 ss:$0x1], $0xffff;
	v5 =	vand.u32 $0xFFFF, v3  }
0x7f: {  	v6 =	vld.idx.msk [tilespmem:v2+s18+$0x20 ss:$0x1], $0xffff;
	v3 =	vshrl.u32 v3, $0x10  }
0x80: {  	v9 =	vld.idx.msk [tilespmem:v2+s18+$0x60 ss:$0x1], $0xffff  }
0x81: {  	v10 =	vld.idx.msk [tilespmem:v2+s18+$0x70 ss:$0x1], $0xffff;
	v7 =	vand.u32 $0xFFFF, v4  }
0x82: {  	v8 =	vld.idx.msk [tilespmem:v2+s18+$0x40 ss:$0x1], $0xffff;
	v58 =	vand.u32 $0xFFFF, v56  }
0x83: {  	v59 =	vand.u32 $0xFFFF, v57;
	[tilespmem:v5+s2+$0x0] =	vst.idx.add.f32.msk $0xffff, v1  }
0x84: {  	[tilespmem:v3+s2+$0x0] =	vst.idx.add.f32.msk $0xffff, v1;
	v3 =	vand.u32 $0xFFFF, v6  }
0x85: {  	v61 =	vand.u32 $0xFFFF, v9  }
0x86: {  	v62 =	vand.u32 $0xFFFF, v10;
	[tilespmem:v7+s2+$0x0] =	vst.idx.add.f32.msk $0xffff, v1  }
0x87: {  	v4 =	vshrl.u32 v4, $0x10;
	[tilespmem:v58+s2+$0x0] =	vst.idx.add.f32.msk $0xffff, v1  }
0x88: {  	v60 =	vshrl.u32 v57, $0x10;
	[tilespmem:v59+s2+$0x0] =	vst.idx.add.f32.msk $0xffff, v1  }
0x89: {  	[tilespmem:v3+s2+$0x0] =	vst.idx.add.f32.msk $0xffff, v1;
	v3 =	vand.u32 $0xFFFF, v8  }
0x8a: {  	v63 =	vshrl.u32 v10, $0x10;
	[tilespmem:v61+s2+$0x0] =	vst.idx.add.f32.msk $0xffff, v1  }
0x8b: {  	v5 =	vshrl.u32 v56, $0x10;
	[tilespmem:v62+s2+$0x0] =	vst.idx.add.f32.msk $0xffff, v1  }
0x8c: {  	v6 =	vshrl.u32 v6, $0x10;
	[tilespmem:v4+s2+$0x0] =	vst.idx.add.f32.msk $0xffff, v1  }
0x8d: {  	[tilespmem:v60+s2+$0x0] =	vst.idx.add.f32.msk $0xffff, v1;
	v8 =	vshrl.u32 v8, $0x10  }
0x8e: {  	p1 =	por p0, p0;
	[tilespmem:v3+s2+$0x0] =	vst.idx.add.f32.msk $0xffff, v1;
	v3 =	vshrl.u32 v9, $0x10  }
.Ltmp6:
0x8f: {  	[tilespmem:v63+s2+$0x0] =	vst.idx.add.f32.msk $0xffff, v1;
	(pc) =	sbr.rel @p1 .LBB2_15-.Ltmp6, $4  }
0x90: {  	[tilespmem:v5+s2+$0x0] =	vst.idx.add.f32.msk $0xffff, v1  }
0x91: {  	[tilespmem:v6+s2+$0x0] =	vst.idx.add.f32.msk $0xffff, v1  }
0x92: {  	[tilespmem:v8+s2+$0x0] =	vst.idx.add.f32.msk $0xffff, v1  }
0x93: {  	p0 =	por $0x0, $0x0;
	s18 =	simm.s32 $0x1000;
	[tilespmem:v3+s2+$0x0] =	vst.idx.add.f32.msk $0xffff, v1  }
0x94: {  	s17 =	sadd.s32 $0x1, s17  }
0x95: {  	p0 =	sne.s32 s17, $0x8  }
.Ltmp7:
0x96: {  	_ = 	snop;
	(pc) =	sbr.rel @p0 .LBB2_14-.Ltmp7, $1  }
0x97: {  	_ =	sdelay $0x3  }
0x98: {  	s16 =	sadd.s32 $0x1, s16  }
0x99: {  	p0 =	sne.s32 s16, s8  }
.Ltmp8:
0x9a: {  	_ = 	snop;
	(pc) =	sbr.rel @p0 .LBB2_1-.Ltmp8, $4  }
0x9b: {  	[hbm4b:s7+s13] =	stream.strided.scatter [tilespmem:s2], [sflag:$0x3], $0x9800, s14, s13, $0x38;
	[tilespmem:$0xA800] =	vst v63  }
0x9c: {  	_ =	swait.ge [sflag:s15], $0x9800  }
0x9d: {  	[sflag:s15] =	ssyncset.done $0x0  }
0x9e: {  	[sflag:s15] =	ssyncadd.s32 $0xFFFF6800  }
0x9f: {  	_ =	sfence.sel $0x180000  }
0xa0: {  	[bflag:$0x0] =	sbarrier.arrive $0xFFFF  }
0xa1: {  	p0 =	sne.s32 s1, $0x0;
	_ =	strace $0x9000004A  }
0xa2: {  	s0 =	sadd.s32 @!p0 $0x100000, s0;
	[bflag:$0x2] =	sbarrier.arrive $0xFFFF  }
0xa3: {  	[sflag:s0] =	ssyncadd.tile.s32 @!p0 $0x1;
	_ =	shalt  }
.Lfunc_end2:
_tile_overlayer_lowered:
.L_overlay_start_2:
0xa4: {  	(tag) =	ssettag $0x2  }
0xa5: {  	s0 =	rddreg [dreg:$0x0];
	s2 =	stileid.u32  }
0xa6: {  	s1 =	rddreg [dreg:$0x1];
	p0 =	sne.s32 s2, $0x0  }
0xa7: {  	s3 =	rddreg [dreg:$0x2];
	[bflag:$0x3] =	sbarrier.arrive $0xFFFF;
	s2 =	simm.s32 @!p0 $0x1C03  }
0xa8: {  	[timem:s3], [sflag:s2] =	dma.local @!p0 [hbm:s0], s1  }
0xa9: {  	s0 =	simm.s32 @!p0 $0x3  }
0xaa: {  	_ =	swait.ge @!p0 [sflag:s0], s1  }
0xab: {  	s1 =	ssub.s32 @!p0 $0x0, s1;
	[sflag:s0] =	ssyncset.done @!p0 $0x0  }
0xac: {  	[sflag:s0] =	ssyncadd.s32 @!p0 s1  }
0xad: {  	[bflag:$0x3] =	sbarrier.arrive $0xFFFF  }
0xae: {  	_ =	shalt  }

</sc_bundles>
